<compile_context>
chip_gen: v7x
topology: tpu7x:2x2x1
jax: 0.10.2.dev20260603
libtpu: 0.0.44.dev20260713+nightly
codegen_flags: <defaults>
</compile_context>

<pallas_src>
import functools

import jax
import jax.numpy as jnp
from jax import lax
from jax.experimental import pallas as pl
from jax.experimental.pallas import tpu as pltpu
from jax.experimental.pallas import tpu_sc as plsc

N = 10000
E = 320000
F_IN = 128
HID = 256
OUT = 128

NC, NS = 2, 16
NT = NC * NS
NPAD = 10240
JUNK = NPAD - 1
CH = 128
RPT = E // NT
CPR = 79
RPAD = CPR * CH
BR = 2048
GW = 64
DW = 16
ROWS_PER_TILE = NPAD // NS

_MESH = dict(core_axis_name="c", subcore_axis_name="s",
             num_cores=NC, num_subcores=NS)


def _deg_partials(dst3):
    @functools.partial(
        pl.kernel,
        out_type=jax.ShapeDtypeStruct((NC, NPAD, DW), jnp.float32),
        mesh=plsc.VectorSubcoreMesh(**_MESH),
        scratch_types=[
            pltpu.VMEM((CPR, CH), jnp.int32),
            pltpu.VMEM((CH, DW), jnp.float32),
            pltpu.VMEM_SHARED((NPAD, DW), jnp.float32),
        ],
    )
    def k(dst_hbm, out_hbm, idx_v, buf, deg_sh):
        c = lax.axis_index("c")
        s = lax.axis_index("s")
        r = c * NS + s
        zeros16 = jnp.zeros((16,), jnp.float32)

        def zr(i, _):
            buf[i, pl.ds(0, 16)] = zeros16
            return 0
        lax.fori_loop(0, CH, zr, 0)
        base = s * ROWS_PER_TILE
        for q in range(ROWS_PER_TILE // CH):
            pltpu.sync_copy(buf, deg_sh.at[pl.ds(base + q * CH, CH)])

        ones16 = jnp.ones((16,), jnp.float32)

        def fr(i, _):
            buf[i, pl.ds(0, 16)] = ones16
            return 0
        lax.fori_loop(0, CH, fr, 0)
        pltpu.sync_copy(dst_hbm.at[r], idx_v)
        plsc.subcore_barrier()

        def body(i, _):
            pltpu.sync_copy(buf, deg_sh.at[idx_v.at[i]], add=True)
            return 0
        lax.fori_loop(0, CPR, body, 0)
        plsc.subcore_barrier()
        pltpu.sync_copy(deg_sh.at[pl.ds(base, ROWS_PER_TILE)],
                        out_hbm.at[c].at[pl.ds(base, ROWS_PER_TILE)])

    return k(dst3)


def _edge_pass(src3, dst3, z_split, groups_per_core):
    G = NC * groups_per_core

    @functools.partial(
        pl.kernel,
        out_type=jax.ShapeDtypeStruct((NPAD, G * GW), jnp.float32),
        mesh=plsc.VectorSubcoreMesh(**_MESH),
        compiler_params=pltpu.CompilerParams(use_tc_tiling_on_sc=False),
        scratch_types=[
            pltpu.VMEM((2 * CPR, CH), jnp.int32),
            pltpu.VMEM((2 * CPR, CH), jnp.int32),
            pltpu.VMEM((CH, GW), jnp.float32),
            pltpu.VMEM((CH, GW), jnp.float32),
            pltpu.VMEM((CH, GW), jnp.float32),
            pltpu.VMEM_SHARED((NPAD, GW), jnp.float32),
            pltpu.SemaphoreType.DMA,
            pltpu.SemaphoreType.DMA,
        ],
    )
    def k(src_hbm, dst_hbm, z_hbm, out_hbm, src_v, dst_v,
          buf0, buf1, zbuf, acc_sh, sem0, sem1):
        c = lax.axis_index("c")
        s = lax.axis_index("s")
        base = s * ROWS_PER_TILE

        pltpu.sync_copy(src_hbm.at[2 * s], src_v.at[pl.ds(0, CPR)])
        pltpu.sync_copy(src_hbm.at[2 * s + 1], src_v.at[pl.ds(CPR, CPR)])
        pltpu.sync_copy(dst_hbm.at[2 * s], dst_v.at[pl.ds(0, CPR)])
        pltpu.sync_copy(dst_hbm.at[2 * s + 1], dst_v.at[pl.ds(CPR, CPR)])

        zeros16 = jnp.zeros((16,), jnp.float32)

        def zr(i, _):
            def zc(l, _):
                zbuf[i, pl.ds(l * 16, 16)] = zeros16
                return 0
            return lax.fori_loop(0, GW // 16, zc, 0)
        lax.fori_loop(0, CH, zr, 0)

        END = 2 * CPR

        def do_group(grp):
            for q in range(ROWS_PER_TILE // CH):
                pltpu.sync_copy(zbuf, acc_sh.at[pl.ds(base + q * CH, CH)])
            plsc.subcore_barrier()

            zg = z_hbm.at[grp]
            pltpu.async_copy(zg.at[src_v.at[0]], buf0, sem0)
            pltpu.async_copy(zg.at[src_v.at[1]], buf1, sem1)

            def body(i, _):
                kk = 2 * i
                pltpu.make_async_copy(zg.at[src_v.at[0]], buf0, sem0).wait()
                pltpu.sync_copy(buf0, acc_sh.at[dst_v.at[kk]], add=True)

                @pl.when(kk + 2 < END)
                def _():
                    pltpu.async_copy(zg.at[src_v.at[kk + 2]], buf0, sem0)
                pltpu.make_async_copy(zg.at[src_v.at[1]], buf1, sem1).wait()
                pltpu.sync_copy(buf1, acc_sh.at[dst_v.at[kk + 1]], add=True)

                @pl.when(kk + 3 < END)
                def _():
                    pltpu.async_copy(zg.at[src_v.at[kk + 3]], buf1, sem1)
                return 0
            lax.fori_loop(0, END // 2, body, 0)
            plsc.subcore_barrier()
            pltpu.sync_copy(acc_sh.at[pl.ds(base, ROWS_PER_TILE)],
                            out_hbm.at[pl.ds(base, ROWS_PER_TILE),
                                       pl.ds(grp * GW, GW)])

        for cc in range(NC):
            @pl.when(c == cc)
            def _():
                for g in range(groups_per_core):
                    do_group(cc * groups_per_core + g)

    return k(src3, dst3, z_split)


def _scaled_matmul1(xp, W1g, deg_parts):
    def body(x_ref, w_ref, degp_ref, out_ref, outf_ref):
        p = degp_ref[...]
        d = lax.rsqrt(1.0 + p[0, :, 0] + p[1, :, 0])
        xw = jnp.dot(x_ref[...], w_ref[0],
                     preferred_element_type=jnp.float32)
        z = xw * d[:, None]
        out_ref[...] = jnp.stack([z[:, :GW], z[:, GW:]], axis=0)
        outf_ref[...] = z

    return pl.pallas_call(
        body,
        grid=(NPAD // BR, HID // (2 * GW)),
        in_specs=[
            pl.BlockSpec((BR, F_IN), lambda i, j: (i, 0)),
            pl.BlockSpec((1, F_IN, 2 * GW), lambda i, j: (j, 0, 0)),
            pl.BlockSpec((NC, BR, DW), lambda i, j: (0, i, 0)),
        ],
        out_specs=[
            pl.BlockSpec((2, BR, GW), lambda i, j: (j, i, 0)),
            pl.BlockSpec((BR, 2 * GW), lambda i, j: (i, j)),
        ],
        out_shape=[
            jax.ShapeDtypeStruct((HID // GW, NPAD, GW), jnp.float32),
            jax.ShapeDtypeStruct((NPAD, HID), jnp.float32),
        ],
    )(xp, W1g, deg_parts)


def _hidden_matmul2(acc1f, z1f, deg_parts, b1r, W2):
    def body(a_ref, z_ref, degp_ref, b1_ref, w2_ref, out_ref, outs_ref):
        p = degp_ref[...]
        d = lax.rsqrt(1.0 + p[0, :, 0] + p[1, :, 0])[:, None]
        h = (a_ref[...] + z_ref[...]) * d + b1_ref[...]
        h = jnp.maximum(h, 0.0)
        y = jnp.dot(h, w2_ref[...], preferred_element_type=jnp.float32)
        y = y * d
        out_ref[...] = y
        outs_ref[...] = jnp.stack([y[:, :GW], y[:, GW:]], axis=0)

    return pl.pallas_call(
        body,
        grid=(NPAD // BR,),
        in_specs=[
            pl.BlockSpec((BR, HID), lambda i: (i, 0)),
            pl.BlockSpec((BR, HID), lambda i: (i, 0)),
            pl.BlockSpec((NC, BR, DW), lambda i: (0, i, 0)),
            pl.BlockSpec((1, HID), lambda i: (0, 0)),
            pl.BlockSpec((HID, OUT), lambda i: (0, 0)),
        ],
        out_specs=[
            pl.BlockSpec((BR, OUT), lambda i: (i, 0)),
            pl.BlockSpec((OUT // GW, BR, GW), lambda i: (0, i, 0)),
        ],
        out_shape=[
            jax.ShapeDtypeStruct((NPAD, OUT), jnp.float32),
            jax.ShapeDtypeStruct((OUT // GW, NPAD, GW), jnp.float32),
        ],
    )(acc1f, z1f, deg_parts, b1r, W2)


def _finalize(acc2f, z2f, deg_parts, b2r):
    def body(a_ref, z_ref, degp_ref, b2_ref, out_ref):
        p = degp_ref[...]
        d = lax.rsqrt(1.0 + p[0, :, 0] + p[1, :, 0])[:, None]
        out_ref[...] = (a_ref[...] + z_ref[...]) * d + b2_ref[...]

    return pl.pallas_call(
        body,
        grid=(NPAD // BR,),
        in_specs=[
            pl.BlockSpec((BR, OUT), lambda i: (i, 0)),
            pl.BlockSpec((BR, OUT), lambda i: (i, 0)),
            pl.BlockSpec((NC, BR, DW), lambda i: (0, i, 0)),
            pl.BlockSpec((1, OUT), lambda i: (0, 0)),
        ],
        out_specs=pl.BlockSpec((BR, OUT), lambda i: (i, 0)),
        out_shape=jax.ShapeDtypeStruct((N, OUT), jnp.float32),
    )(acc2f, z2f, deg_parts, b2r)


def kernel(x, edge_index, W1, b1, W2, b2):
    src = edge_index[0].reshape(NT, RPT)
    dst = edge_index[1].reshape(NT, RPT)
    pad = RPAD - RPT
    src3 = jnp.pad(src, ((0, 0), (0, pad)),
                   constant_values=0).reshape(NT, CPR, CH)
    dst3 = jnp.pad(dst, ((0, 0), (0, pad)),
                   constant_values=JUNK).reshape(NT, CPR, CH)
    xp = jnp.pad(x, ((0, NPAD - N), (0, 0)))

    W1g = jnp.transpose(W1.reshape(F_IN, HID // (2 * GW), 2 * GW),
                        (1, 0, 2))

    deg_parts = _deg_partials(dst3)
    z1, z1f = _scaled_matmul1(xp, W1g, deg_parts)
    acc1f = _edge_pass(src3, dst3, z1, 2)
    z2f, z2 = _hidden_matmul2(acc1f, z1f, deg_parts,
                              b1.reshape(1, HID), W2)
    acc2f = _edge_pass(src3, dst3, z2, 1)
    return _finalize(acc2f, z2f, deg_parts, b2.reshape(1, OUT))

# --- scband reference (transcript-rebuilt; emitter-appended) ---
"""Pipeline reference for scband-net-80023830659738 (READ-ONLY COPY).

The authoritative reference and input builder live on the scoring server;
editing this copy changes nothing except your own understanding.
"""

import jax, jax.numpy as jnp
import numpy as np

N = 10000
E = 320000
F_IN = 128
HID = 256
OUT = 128


def setup_inputs(seed: int = 0) -> dict:
    key = jax.random.key(seed)
    k1, k2, k3, k4, k5, k6 = jax.random.split(key, 6)
    x = jax.random.normal(k1, (N, F_IN), dtype=jnp.float32)
    edge_index = jax.random.randint(k2, (2, E), 0, N, dtype=jnp.int32)
    # GCNConv(128 -> 256) params (glorot weight, zero bias like PyG)
    W1 = jax.random.normal(k3, (F_IN, HID), dtype=jnp.float32) * (2.0 / (F_IN + HID)) ** 0.5
    b1 = jnp.zeros((HID,), dtype=jnp.float32)
    # GCNConv(256 -> 128) params
    W2 = jax.random.normal(k4, (HID, OUT), dtype=jnp.float32) * (2.0 / (HID + OUT)) ** 0.5
    b2 = jnp.zeros((OUT,), dtype=jnp.float32)
    return {"x": x, "edge_index": edge_index, "W1": W1, "b1": b1, "W2": W2, "b2": b2}


def _gcn_conv(x, edge_index, W, b):
    # PyG GCNConv: add self-loops, symmetric normalization D^{-1/2} A_hat D^{-1/2}, then linear.
    num_nodes = x.shape[0]
    xw = x @ W
    src = edge_index[0]
    dst = edge_index[1]
    loop = jnp.arange(num_nodes, dtype=src.dtype)
    src = jnp.concatenate([src, loop])
    dst = jnp.concatenate([dst, loop])
    deg = jnp.zeros((num_nodes,), dtype=x.dtype).at[dst].add(1.0)
    deg_inv_sqrt = jnp.where(deg > 0, deg ** -0.5, 0.0)
    norm = deg_inv_sqrt[src] * deg_inv_sqrt[dst]
    msg = xw[src] * norm[:, None]
    out = jnp.zeros((num_nodes, W.shape[1]), dtype=x.dtype).at[dst].add(msg)
    return out + b


def reference(x, edge_index, W1, b1, W2, b2):
    # Layer 0: GCNConv(128->256) + ReLU (dropout p=0.5 is identity in eval mode)
    h = _gcn_conv(x, edge_index, W1, b1)
    h = jax.nn.relu(h)
    # Layer 1: GCNConv(256->128); mode == 'unsupervised' -> return embeddings
    out = _gcn_conv(h, edge_index, W2, b2)
    return out

if __name__ == "__main__":
    import jax
    _d = setup_inputs()
    print(jax.jit(kernel)(*tuple(_d.values())))

</pallas_src>

<mosaic_0001>
#map = affine_map<(d0, d1) -> (0, 0, 0)>
module attributes {stable_mosaic.version = 14 : i64} {
  func.func @k(%arg0: i32, %arg1: i32, %arg2: memref<32x79x128xi32, #tpu.memory_space<hbm>>, %arg3: memref<2x10240x16xf32, #tpu.memory_space<hbm>>, %arg4: memref<79x128xi32, #tpu.memory_space<vmem>>, %arg5: memref<128x16xf32, #tpu.memory_space<vmem>>, %arg6: memref<10240x16xf32, #tpu.memory_space<vmem_shared>>) attributes {dimension_semantics = [#tpu.dimension_semantics<core_parallel>, #tpu.dimension_semantics<subcore_parallel>], iteration_bounds = array<i64: 2, 16>, scalar_prefetch = 0 : i64, scratch_operands = 3 : i64, tpu.core_type = #tpu.core_type<sc_vector_subcore>, window_params = [{transform_indices = #map}, {transform_indices = #map}]} {
    %mul3A = arith.constant 16 : i32
    %mul3A_0 = arith.muli %arg0, %mul3A : i32
    %add3A = arith.addi %mul3A_0, %arg1 : i32
    %broadcast_in_dim3A = arith.constant 0.000000e+00 : f32
    %broadcast_in_dim3A_1 = vector.broadcast %broadcast_in_dim3A : f32 to vector<16xf32>
    %scan3A = arith.constant 0 : i32
    %scan3A_2 = arith.constant 0 : i32
    %scan3A_3 = arith.constant 128 : i32
    %scan3A_4 = arith.addi %scan3A_2, %scan3A_3 : i32
    %scan3A_5 = arith.constant 1 : i32
    %scan3A_6 = scf.for %scan3A_37 = %scan3A_2 to %scan3A_4 step %scan3A_5 iter_args(%scan3A_38 = %scan3A) -> (i32)  : i32 {
      %swap3A = arith.index_cast %scan3A_37 : i32 to index
      %swap3A_39 = arith.constant 0 : index
      %swap3A_40 = tpu.vector_load %arg5[%swap3A, %swap3A_39] {strides = array<i32>} : memref<128x16xf32, #tpu.memory_space<vmem>>, vector<1x16xf32>,
      %swap3A_41 = vector.shape_cast %swap3A_40 : vector<1x16xf32> to vector<16xf32>
      %swap3A_42 = vector.shape_cast %broadcast_in_dim3A_1 : vector<16xf32> to vector<1x16xf32>
      tpu.vector_store %arg5[%swap3A, %swap3A_39], %swap3A_42 {strides = array<i32>} : memref<128x16xf32, #tpu.memory_space<vmem>>, vector<1x16xf32>,
      %scan3A_43 = arith.constant 0 : i32
      scf.yield %scan3A_43 : i32
    }
    %scan3A_7 = arith.constant 128 : i32
    %mul3A_8 = arith.constant 640 : i32
    %mul3A_9 = arith.muli %arg1, %mul3A_8 : i32
    %add3A_10 = arith.constant 0 : i32
    %add3A_11 = arith.addi %mul3A_9, %add3A_10 : i32
    "tpu.region"() ({
      %run_scoped3A = tpu.sem_alloc : memref<!tpu.dma_semaphore, #tpu.memory_space<semaphore_mem>>
      %dma_start3A = arith.constant 0 : i32
      %dma_start3A_37 = tpu.memref_slice %arg6[%add3A_11, %dma_start3A] : memref<10240x16xf32, #tpu.memory_space<vmem_shared>> -> memref<128x16xf32, #tpu.memory_space<vmem_shared>>
      %dma_start3A_38 = arith.constant 0 : i32
      %dma_start3A_39 = tpu.memref_slice %arg6[%add3A_11, %dma_start3A_38] : memref<10240x16xf32, #tpu.memory_space<vmem_shared>> -> memref<128x16xf32, #tpu.memory_space<vmem_shared>>
      tpu.enqueue_dma source(%arg5 : memref<128x16xf32, #tpu.memory_space<vmem>>) target(%dma_start3A_39 : memref<128x16xf32, #tpu.memory_space<vmem_shared>>) target_semaphore(%run_scoped3A : memref<!tpu.dma_semaphore, #tpu.memory_space<semaphore_mem>>)
      %dma_wait3A = arith.constant 0 : i32
      %dma_wait3A_40 = tpu.memref_slice %arg6[%add3A_11, %dma_wait3A] : memref<10240x16xf32, #tpu.memory_space<vmem_shared>> -> memref<128x16xf32, #tpu.memory_space<vmem_shared>>
      %dma_wait3A_41 = arith.constant 0 : i32
      %dma_wait3A_42 = tpu.memref_slice %arg6[%add3A_11, %dma_wait3A_41] : memref<10240x16xf32, #tpu.memory_space<vmem_shared>> -> memref<128x16xf32, #tpu.memory_space<vmem_shared>>
      tpu.wait_dma2 semaphore(%run_scoped3A : memref<!tpu.dma_semaphore, #tpu.memory_space<semaphore_mem>>) src(%arg5 : memref<128x16xf32, #tpu.memory_space<vmem>>) dst(%dma_wait3A_42 : memref<128x16xf32, #tpu.memory_space<vmem_shared>>)
      tpu.yield
    }) : () -> ()
    %add3A_12 = arith.constant 128 : i32
    %add3A_13 = arith.addi %mul3A_9, %add3A_12 : i32
    "tpu.region"() ({
      %run_scoped3A = tpu.sem_alloc : memref<!tpu.dma_semaphore, #tpu.memory_space<semaphore_mem>>
      %dma_start3A = arith.constant 0 : i32
      %dma_start3A_37 = tpu.memref_slice %arg6[%add3A_13, %dma_start3A] : memref<10240x16xf32, #tpu.memory_space<vmem_shared>> -> memref<128x16xf32, #tpu.memory_space<vmem_shared>>
      %dma_start3A_38 = arith.constant 0 : i32
      %dma_start3A_39 = tpu.memref_slice %arg6[%add3A_13, %dma_start3A_38] : memref<10240x16xf32, #tpu.memory_space<vmem_shared>> -> memref<128x16xf32, #tpu.memory_space<vmem_shared>>
      tpu.enqueue_dma source(%arg5 : memref<128x16xf32, #tpu.memory_space<vmem>>) target(%dma_start3A_39 : memref<128x16xf32, #tpu.memory_space<vmem_shared>>) target_semaphore(%run_scoped3A : memref<!tpu.dma_semaphore, #tpu.memory_space<semaphore_mem>>)
      %dma_wait3A = arith.constant 0 : i32
      %dma_wait3A_40 = tpu.memref_slice %arg6[%add3A_13, %dma_wait3A] : memref<10240x16xf32, #tpu.memory_space<vmem_shared>> -> memref<128x16xf32, #tpu.memory_space<vmem_shared>>
      %dma_wait3A_41 = arith.constant 0 : i32
      %dma_wait3A_42 = tpu.memref_slice %arg6[%add3A_13, %dma_wait3A_41] : memref<10240x16xf32, #tpu.memory_space<vmem_shared>> -> memref<128x16xf32, #tpu.memory_space<vmem_shared>>
      tpu.wait_dma2 semaphore(%run_scoped3A : memref<!tpu.dma_semaphore, #tpu.memory_space<semaphore_mem>>) src(%arg5 : memref<128x16xf32, #tpu.memory_space<vmem>>) dst(%dma_wait3A_42 : memref<128x16xf32, #tpu.memory_space<vmem_shared>>)
      tpu.yield
    }) : () -> ()
    %add3A_14 = arith.constant 256 : i32
    %add3A_15 = arith.addi %mul3A_9, %add3A_14 : i32
    "tpu.region"() ({
      %run_scoped3A = tpu.sem_alloc : memref<!tpu.dma_semaphore, #tpu.memory_space<semaphore_mem>>
      %dma_start3A = arith.constant 0 : i32
      %dma_start3A_37 = tpu.memref_slice %arg6[%add3A_15, %dma_start3A] : memref<10240x16xf32, #tpu.memory_space<vmem_shared>> -> memref<128x16xf32, #tpu.memory_space<vmem_shared>>
      %dma_start3A_38 = arith.constant 0 : i32
      %dma_start3A_39 = tpu.memref_slice %arg6[%add3A_15, %dma_start3A_38] : memref<10240x16xf32, #tpu.memory_space<vmem_shared>> -> memref<128x16xf32, #tpu.memory_space<vmem_shared>>
      tpu.enqueue_dma source(%arg5 : memref<128x16xf32, #tpu.memory_space<vmem>>) target(%dma_start3A_39 : memref<128x16xf32, #tpu.memory_space<vmem_shared>>) target_semaphore(%run_scoped3A : memref<!tpu.dma_semaphore, #tpu.memory_space<semaphore_mem>>)
      %dma_wait3A = arith.constant 0 : i32
      %dma_wait3A_40 = tpu.memref_slice %arg6[%add3A_15, %dma_wait3A] : memref<10240x16xf32, #tpu.memory_space<vmem_shared>> -> memref<128x16xf32, #tpu.memory_space<vmem_shared>>
      %dma_wait3A_41 = arith.constant 0 : i32
      %dma_wait3A_42 = tpu.memref_slice %arg6[%add3A_15, %dma_wait3A_41] : memref<10240x16xf32, #tpu.memory_space<vmem_shared>> -> memref<128x16xf32, #tpu.memory_space<vmem_shared>>
      tpu.wait_dma2 semaphore(%run_scoped3A : memref<!tpu.dma_semaphore, #tpu.memory_space<semaphore_mem>>) src(%arg5 : memref<128x16xf32, #tpu.memory_space<vmem>>) dst(%dma_wait3A_42 : memref<128x16xf32, #tpu.memory_space<vmem_shared>>)
      tpu.yield
    }) : () -> ()
    %add3A_16 = arith.constant 384 : i32
    %add3A_17 = arith.addi %mul3A_9, %add3A_16 : i32
    "tpu.region"() ({
      %run_scoped3A = tpu.sem_alloc : memref<!tpu.dma_semaphore, #tpu.memory_space<semaphore_mem>>
      %dma_start3A = arith.constant 0 : i32
      %dma_start3A_37 = tpu.memref_slice %arg6[%add3A_17, %dma_start3A] : memref<10240x16xf32, #tpu.memory_space<vmem_shared>> -> memref<128x16xf32, #tpu.memory_space<vmem_shared>>
      %dma_start3A_38 = arith.constant 0 : i32
      %dma_start3A_39 = tpu.memref_slice %arg6[%add3A_17, %dma_start3A_38] : memref<10240x16xf32, #tpu.memory_space<vmem_shared>> -> memref<128x16xf32, #tpu.memory_space<vmem_shared>>
      tpu.enqueue_dma source(%arg5 : memref<128x16xf32, #tpu.memory_space<vmem>>) target(%dma_start3A_39 : memref<128x16xf32, #tpu.memory_space<vmem_shared>>) target_semaphore(%run_scoped3A : memref<!tpu.dma_semaphore, #tpu.memory_space<semaphore_mem>>)
      %dma_wait3A = arith.constant 0 : i32
      %dma_wait3A_40 = tpu.memref_slice %arg6[%add3A_17, %dma_wait3A] : memref<10240x16xf32, #tpu.memory_space<vmem_shared>> -> memref<128x16xf32, #tpu.memory_space<vmem_shared>>
      %dma_wait3A_41 = arith.constant 0 : i32
      %dma_wait3A_42 = tpu.memref_slice %arg6[%add3A_17, %dma_wait3A_41] : memref<10240x16xf32, #tpu.memory_space<vmem_shared>> -> memref<128x16xf32, #tpu.memory_space<vmem_shared>>
      tpu.wait_dma2 semaphore(%run_scoped3A : memref<!tpu.dma_semaphore, #tpu.memory_space<semaphore_mem>>) src(%arg5 : memref<128x16xf32, #tpu.memory_space<vmem>>) dst(%dma_wait3A_42 : memref<128x16xf32, #tpu.memory_space<vmem_shared>>)
      tpu.yield
    }) : () -> ()
    %add3A_18 = arith.constant 512 : i32
    %add3A_19 = arith.addi %mul3A_9, %add3A_18 : i32
    "tpu.region"() ({
      %run_scoped3A = tpu.sem_alloc : memref<!tpu.dma_semaphore, #tpu.memory_space<semaphore_mem>>
      %dma_start3A = arith.constant 0 : i32
      %dma_start3A_37 = tpu.memref_slice %arg6[%add3A_19, %dma_start3A] : memref<10240x16xf32, #tpu.memory_space<vmem_shared>> -> memref<128x16xf32, #tpu.memory_space<vmem_shared>>
      %dma_start3A_38 = arith.constant 0 : i32
      %dma_start3A_39 = tpu.memref_slice %arg6[%add3A_19, %dma_start3A_38] : memref<10240x16xf32, #tpu.memory_space<vmem_shared>> -> memref<128x16xf32, #tpu.memory_space<vmem_shared>>
      tpu.enqueue_dma source(%arg5 : memref<128x16xf32, #tpu.memory_space<vmem>>) target(%dma_start3A_39 : memref<128x16xf32, #tpu.memory_space<vmem_shared>>) target_semaphore(%run_scoped3A : memref<!tpu.dma_semaphore, #tpu.memory_space<semaphore_mem>>)
      %dma_wait3A = arith.constant 0 : i32
      %dma_wait3A_40 = tpu.memref_slice %arg6[%add3A_19, %dma_wait3A] : memref<10240x16xf32, #tpu.memory_space<vmem_shared>> -> memref<128x16xf32, #tpu.memory_space<vmem_shared>>
      %dma_wait3A_41 = arith.constant 0 : i32
      %dma_wait3A_42 = tpu.memref_slice %arg6[%add3A_19, %dma_wait3A_41] : memref<10240x16xf32, #tpu.memory_space<vmem_shared>> -> memref<128x16xf32, #tpu.memory_space<vmem_shared>>
      tpu.wait_dma2 semaphore(%run_scoped3A : memref<!tpu.dma_semaphore, #tpu.memory_space<semaphore_mem>>) src(%arg5 : memref<128x16xf32, #tpu.memory_space<vmem>>) dst(%dma_wait3A_42 : memref<128x16xf32, #tpu.memory_space<vmem_shared>>)
      tpu.yield
    }) : () -> ()
    %broadcast_in_dim3A_20 = arith.constant 1.000000e+00 : f32
    %broadcast_in_dim3A_21 = vector.broadcast %broadcast_in_dim3A_20 : f32 to vector<16xf32>
    %scan3A_22 = arith.constant 0 : i32
    %scan3A_23 = arith.constant 0 : i32
    %scan3A_24 = arith.constant 128 : i32
    %scan3A_25 = arith.addi %scan3A_23, %scan3A_24 : i32
    %scan3A_26 = arith.constant 1 : i32
    %scan3A_27 = scf.for %scan3A_37 = %scan3A_23 to %scan3A_25 step %scan3A_26 iter_args(%scan3A_38 = %scan3A_22) -> (i32)  : i32 {
      %swap3A = arith.index_cast %scan3A_37 : i32 to index
      %swap3A_39 = arith.constant 0 : index
      %swap3A_40 = tpu.vector_load %arg5[%swap3A, %swap3A_39] {strides = array<i32>} : memref<128x16xf32, #tpu.memory_space<vmem>>, vector<1x16xf32>,
      %swap3A_41 = vector.shape_cast %swap3A_40 : vector<1x16xf32> to vector<16xf32>
      %swap3A_42 = vector.shape_cast %broadcast_in_dim3A_21 : vector<16xf32> to vector<1x16xf32>
      tpu.vector_store %arg5[%swap3A, %swap3A_39], %swap3A_42 {strides = array<i32>} : memref<128x16xf32, #tpu.memory_space<vmem>>, vector<1x16xf32>,
      %scan3A_43 = arith.constant 0 : i32
      scf.yield %scan3A_43 : i32
    }
    %scan3A_28 = arith.constant 128 : i32
    "tpu.region"() ({
      %run_scoped3A = tpu.sem_alloc : memref<!tpu.dma_semaphore, #tpu.memory_space<semaphore_mem>>
      %dma_start3A = arith.constant 0 : i32
      %dma_start3A_37 = arith.constant 0 : i32
      %dma_start3A_38 = tpu.memref_slice %arg2[%add3A, %dma_start3A, %dma_start3A_37] : memref<32x79x128xi32, #tpu.memory_space<hbm>> -> memref<1x79x128xi32, #tpu.memory_space<hbm>>
      %dma_start3A_39 = tpu.memref_squeeze %dma_start3A_38 : memref<1x79x128xi32, #tpu.memory_space<hbm>> -> memref<79x128xi32, #tpu.memory_space<hbm>>
      %dma_start3A_40 = arith.constant 0 : i32
      %dma_start3A_41 = arith.constant 0 : i32
      %dma_start3A_42 = tpu.memref_slice %arg2[%add3A, %dma_start3A_40, %dma_start3A_41] : memref<32x79x128xi32, #tpu.memory_space<hbm>> -> memref<1x79x128xi32, #tpu.memory_space<hbm>>
      %dma_start3A_43 = tpu.memref_squeeze %dma_start3A_42 : memref<1x79x128xi32, #tpu.memory_space<hbm>> -> memref<79x128xi32, #tpu.memory_space<hbm>>
      tpu.enqueue_dma source(%dma_start3A_43 : memref<79x128xi32, #tpu.memory_space<hbm>>) target(%arg4 : memref<79x128xi32, #tpu.memory_space<vmem>>) target_semaphore(%run_scoped3A : memref<!tpu.dma_semaphore, #tpu.memory_space<semaphore_mem>>)
      %dma_wait3A = arith.constant 0 : i32
      %dma_wait3A_44 = arith.constant 0 : i32
      %dma_wait3A_45 = tpu.memref_slice %arg2[%add3A, %dma_wait3A, %dma_wait3A_44] : memref<32x79x128xi32, #tpu.memory_space<hbm>> -> memref<1x79x128xi32, #tpu.memory_space<hbm>>
      %dma_wait3A_46 = tpu.memref_squeeze %dma_wait3A_45 : memref<1x79x128xi32, #tpu.memory_space<hbm>> -> memref<79x128xi32, #tpu.memory_space<hbm>>
      %dma_wait3A_47 = arith.constant 0 : i32
      %dma_wait3A_48 = arith.constant 0 : i32
      %dma_wait3A_49 = tpu.memref_slice %arg2[%add3A, %dma_wait3A_47, %dma_wait3A_48] : memref<32x79x128xi32, #tpu.memory_space<hbm>> -> memref<1x79x128xi32, #tpu.memory_space<hbm>>
      %dma_wait3A_50 = tpu.memref_squeeze %dma_wait3A_49 : memref<1x79x128xi32, #tpu.memory_space<hbm>> -> memref<79x128xi32, #tpu.memory_space<hbm>>
      tpu.wait_dma2 semaphore(%run_scoped3A : memref<!tpu.dma_semaphore, #tpu.memory_space<semaphore_mem>>) src(%dma_wait3A_50 : memref<79x128xi32, #tpu.memory_space<hbm>>) dst(%arg4 : memref<79x128xi32, #tpu.memory_space<vmem>>)
      tpu.yield
    }) : () -> ()
    %barrier3A = arith.constant 0 : index
    tpu.barrier barrier_id(%barrier3A)
    %scan3A_29 = arith.constant 0 : i32
    %scan3A_30 = arith.constant 0 : i32
    %scan3A_31 = arith.constant 79 : i32
    %scan3A_32 = arith.addi %scan3A_30, %scan3A_31 : i32
    %scan3A_33 = arith.constant 1 : i32
    %scan3A_34 = scf.for %scan3A_37 = %scan3A_30 to %scan3A_32 step %scan3A_33 iter_args(%scan3A_38 = %scan3A_29) -> (i32)  : i32 {
      "tpu.region"() ({
        %run_scoped3A = tpu.sem_alloc : memref<!tpu.dma_semaphore, #tpu.memory_space<semaphore_mem>>
        %dma_start3A = arith.constant 0 : i32
        %dma_start3A_40 = tpu.memref_slice %arg4[%scan3A_37, %dma_start3A] : memref<79x128xi32, #tpu.memory_space<vmem>> -> memref<1x128xi32, #tpu.memory_space<vmem>>
        %dma_start3A_41 = tpu.memref_squeeze %dma_start3A_40 : memref<1x128xi32, #tpu.memory_space<vmem>> -> memref<128xi32, #tpu.memory_space<vmem>>
        %dma_start3A_42 = arith.constant 0 : i32
        %dma_start3A_43 = arith.constant 0 : i32
        %dma_start3A_44 = tpu.memref_slice %arg6[%dma_start3A_42, %dma_start3A_43] : memref<10240x16xf32, #tpu.memory_space<vmem_shared>> -> memref<10240x16xf32, #tpu.memory_space<vmem_shared>>
        tpu.enqueue_indirect_dma source(%arg5 : memref<128x16xf32, #tpu.memory_space<vmem>>) target(%dma_start3A_44 : memref<10240x16xf32, #tpu.memory_space<vmem_shared>>) offsets(%dma_start3A_41 : memref<128xi32, #tpu.memory_space<vmem>>) semaphore(%run_scoped3A : memref<!tpu.dma_semaphore, #tpu.memory_space<semaphore_mem>>) {add = true}
        %dma_wait3A = arith.constant 0 : i32
        %dma_wait3A_45 = tpu.memref_slice %arg4[%scan3A_37, %dma_wait3A] : memref<79x128xi32, #tpu.memory_space<vmem>> -> memref<1x128xi32, #tpu.memory_space<vmem>>
        %dma_wait3A_46 = tpu.memref_squeeze %dma_wait3A_45 : memref<1x128xi32, #tpu.memory_space<vmem>> -> memref<128xi32, #tpu.memory_space<vmem>>
        %dma_wait3A_47 = arith.constant 0 : i32
        %dma_wait3A_48 = arith.constant 0 : i32
        %dma_wait3A_49 = tpu.memref_slice %arg6[%dma_wait3A_47, %dma_wait3A_48] : memref<10240x16xf32, #tpu.memory_space<vmem_shared>> -> memref<10240x16xf32, #tpu.memory_space<vmem_shared>>
        tpu.wait_indirect_dma semaphore(%run_scoped3A : memref<!tpu.dma_semaphore, #tpu.memory_space<semaphore_mem>>) src(%arg5 : memref<128x16xf32, #tpu.memory_space<vmem>>) dst(%dma_wait3A_49 : memref<10240x16xf32, #tpu.memory_space<vmem_shared>>)
        tpu.yield
      }) : () -> ()
      %scan3A_39 = arith.constant 0 : i32
      scf.yield %scan3A_39 : i32
    }
    %scan3A_35 = arith.constant 79 : i32
    %barrier3A_36 = arith.constant 0 : index
    tpu.barrier barrier_id(%barrier3A_36)
    "tpu.region"() ({
      %run_scoped3A = tpu.sem_alloc : memref<!tpu.dma_semaphore, #tpu.memory_space<semaphore_mem>>
      %dma_start3A = arith.constant 0 : i32
      %dma_start3A_37 = arith.constant 0 : i32
      %dma_start3A_38 = tpu.memref_slice %arg3[%arg0, %dma_start3A, %dma_start3A_37] : memref<2x10240x16xf32, #tpu.memory_space<hbm>> -> memref<1x10240x16xf32, #tpu.memory_space<hbm>>
      %dma_start3A_39 = tpu.memref_squeeze %dma_start3A_38 : memref<1x10240x16xf32, #tpu.memory_space<hbm>> -> memref<10240x16xf32, #tpu.memory_space<hbm>>
      %dma_start3A_40 = arith.constant 0 : i32
      %dma_start3A_41 = tpu.memref_slice %dma_start3A_39[%mul3A_9, %dma_start3A_40] : memref<10240x16xf32, #tpu.memory_space<hbm>> -> memref<640x16xf32, #tpu.memory_space<hbm>>
      %dma_start3A_42 = arith.constant 0 : i32
      %dma_start3A_43 = tpu.memref_slice %arg6[%mul3A_9, %dma_start3A_42] : memref<10240x16xf32, #tpu.memory_space<vmem_shared>> -> memref<640x16xf32, #tpu.memory_space<vmem_shared>>
      tpu.enqueue_dma source(%dma_start3A_43 : memref<640x16xf32, #tpu.memory_space<vmem_shared>>) target(%dma_start3A_41 : memref<640x16xf32, #tpu.memory_space<hbm>>) target_semaphore(%run_scoped3A : memref<!tpu.dma_semaphore, #tpu.memory_space<semaphore_mem>>)
      %dma_wait3A = arith.constant 0 : i32
      %dma_wait3A_44 = arith.constant 0 : i32
      %dma_wait3A_45 = tpu.memref_slice %arg3[%arg0, %dma_wait3A, %dma_wait3A_44] : memref<2x10240x16xf32, #tpu.memory_space<hbm>> -> memref<1x10240x16xf32, #tpu.memory_space<hbm>>
      %dma_wait3A_46 = tpu.memref_squeeze %dma_wait3A_45 : memref<1x10240x16xf32, #tpu.memory_space<hbm>> -> memref<10240x16xf32, #tpu.memory_space<hbm>>
      %dma_wait3A_47 = arith.constant 0 : i32
      %dma_wait3A_48 = tpu.memref_slice %dma_wait3A_46[%mul3A_9, %dma_wait3A_47] : memref<10240x16xf32, #tpu.memory_space<hbm>> -> memref<640x16xf32, #tpu.memory_space<hbm>>
      %dma_wait3A_49 = arith.constant 0 : i32
      %dma_wait3A_50 = tpu.memref_slice %arg6[%mul3A_9, %dma_wait3A_49] : memref<10240x16xf32, #tpu.memory_space<vmem_shared>> -> memref<640x16xf32, #tpu.memory_space<vmem_shared>>
      tpu.wait_dma2 semaphore(%run_scoped3A : memref<!tpu.dma_semaphore, #tpu.memory_space<semaphore_mem>>) src(%dma_wait3A_50 : memref<640x16xf32, #tpu.memory_space<vmem_shared>>) dst(%dma_wait3A_48 : memref<640x16xf32, #tpu.memory_space<hbm>>)
      tpu.yield
    }) : () -> ()
    return
  }
}

#map = affine_map<(d0, d1) -> (0, 0, 0)>
#map1 = affine_map<(d0, d1) -> (0, 0)>
module attributes {stable_mosaic.version = 14 : i64} {
  func.func @k(%arg0: i32, %arg1: i32, %arg2: memref<32x79x128xi32, #tpu.memory_space<hbm>>, %arg3: memref<32x79x128xi32, #tpu.memory_space<hbm>>, %arg4: memref<2x10240x64xf32, #tpu.memory_space<hbm>>, %arg5: memref<10240x128xf32, #tpu.memory_space<hbm>>, %arg6: memref<158x128xi32, #tpu.memory_space<vmem>>, %arg7: memref<158x128xi32, #tpu.memory_space<vmem>>, %arg8: memref<128x64xf32, #tpu.memory_space<vmem>>, %arg9: memref<128x64xf32, #tpu.memory_space<vmem>>, %arg10: memref<128x64xf32, #tpu.memory_space<vmem>>, %arg11: memref<10240x64xf32, #tpu.memory_space<vmem_shared>>, %arg12: memref<!tpu.dma_semaphore, #tpu.memory_space<semaphore_mem>>, %arg13: memref<!tpu.dma_semaphore, #tpu.memory_space<semaphore_mem>>) attributes {dimension_semantics = [#tpu.dimension_semantics<core_parallel>, #tpu.dimension_semantics<subcore_parallel>], iteration_bounds = array<i64: 2, 16>, scalar_prefetch = 0 : i64, scratch_operands = 8 : i64, tpu.core_type = #tpu.core_type<sc_vector_subcore>, window_params = [{transform_indices = #map}, {transform_indices = #map}, {transform_indices = #map}, {transform_indices = #map1}]} {
    %mul3A = arith.constant 640 : i32
    %mul3A_0 = arith.muli %arg1, %mul3A : i32
    %mul3A_1 = arith.constant 2 : i32
    %mul3A_2 = arith.muli %mul3A_1, %arg1 : i32
    "tpu.region"() ({
      %run_scoped3A = tpu.sem_alloc : memref<!tpu.dma_semaphore, #tpu.memory_space<semaphore_mem>>
      %dma_start3A = arith.constant 0 : i32
      %dma_start3A_26 = arith.constant 0 : i32
      %dma_start3A_27 = tpu.memref_slice %arg6[%dma_start3A, %dma_start3A_26] : memref<158x128xi32, #tpu.memory_space<vmem>> -> memref<79x128xi32, #tpu.memory_space<vmem>>
      %dma_start3A_28 = arith.constant 0 : i32
      %dma_start3A_29 = arith.constant 0 : i32
      %dma_start3A_30 = tpu.memref_slice %arg2[%mul3A_2, %dma_start3A_28, %dma_start3A_29] : memref<32x79x128xi32, #tpu.memory_space<hbm>> -> memref<1x79x128xi32, #tpu.memory_space<hbm>>
      %dma_start3A_31 = tpu.memref_squeeze %dma_start3A_30 : memref<1x79x128xi32, #tpu.memory_space<hbm>> -> memref<79x128xi32, #tpu.memory_space<hbm>>
      %dma_start3A_32 = arith.constant 0 : i32
      %dma_start3A_33 = arith.constant 0 : i32
      %dma_start3A_34 = tpu.memref_slice %arg6[%dma_start3A_32, %dma_start3A_33] : memref<158x128xi32, #tpu.memory_space<vmem>> -> memref<79x128xi32, #tpu.memory_space<vmem>>
      %dma_start3A_35 = arith.constant 0 : i32
      %dma_start3A_36 = arith.constant 0 : i32
      %dma_start3A_37 = tpu.memref_slice %arg2[%mul3A_2, %dma_start3A_35, %dma_start3A_36] : memref<32x79x128xi32, #tpu.memory_space<hbm>> -> memref<1x79x128xi32, #tpu.memory_space<hbm>>
      %dma_start3A_38 = tpu.memref_squeeze %dma_start3A_37 : memref<1x79x128xi32, #tpu.memory_space<hbm>> -> memref<79x128xi32, #tpu.memory_space<hbm>>
      tpu.enqueue_dma source(%dma_start3A_38 : memref<79x128xi32, #tpu.memory_space<hbm>>) target(%dma_start3A_34 : memref<79x128xi32, #tpu.memory_space<vmem>>) target_semaphore(%run_scoped3A : memref<!tpu.dma_semaphore, #tpu.memory_space<semaphore_mem>>)
      %dma_wait3A = arith.constant 0 : i32
      %dma_wait3A_39 = arith.constant 0 : i32
      %dma_wait3A_40 = tpu.memref_slice %arg6[%dma_wait3A, %dma_wait3A_39] : memref<158x128xi32, #tpu.memory_space<vmem>> -> memref<79x128xi32, #tpu.memory_space<vmem>>
      %dma_wait3A_41 = arith.constant 0 : i32
      %dma_wait3A_42 = arith.constant 0 : i32
      %dma_wait3A_43 = tpu.memref_slice %arg2[%mul3A_2, %dma_wait3A_41, %dma_wait3A_42] : memref<32x79x128xi32, #tpu.memory_space<hbm>> -> memref<1x79x128xi32, #tpu.memory_space<hbm>>
      %dma_wait3A_44 = tpu.memref_squeeze %dma_wait3A_43 : memref<1x79x128xi32, #tpu.memory_space<hbm>> -> memref<79x128xi32, #tpu.memory_space<hbm>>
      %dma_wait3A_45 = arith.constant 0 : i32
      %dma_wait3A_46 = arith.constant 0 : i32
      %dma_wait3A_47 = tpu.memref_slice %arg6[%dma_wait3A_45, %dma_wait3A_46] : memref<158x128xi32, #tpu.memory_space<vmem>> -> memref<79x128xi32, #tpu.memory_space<vmem>>
      %dma_wait3A_48 = arith.constant 0 : i32
      %dma_wait3A_49 = arith.constant 0 : i32
      %dma_wait3A_50 = tpu.memref_slice %arg2[%mul3A_2, %dma_wait3A_48, %dma_wait3A_49] : memref<32x79x128xi32, #tpu.memory_space<hbm>> -> memref<1x79x128xi32, #tpu.memory_space<hbm>>
      %dma_wait3A_51 = tpu.memref_squeeze %dma_wait3A_50 : memref<1x79x128xi32, #tpu.memory_space<hbm>> -> memref<79x128xi32, #tpu.memory_space<hbm>>
      tpu.wait_dma2 semaphore(%run_scoped3A : memref<!tpu.dma_semaphore, #tpu.memory_space<semaphore_mem>>) src(%dma_wait3A_51 : memref<79x128xi32, #tpu.memory_space<hbm>>) dst(%dma_wait3A_47 : memref<79x128xi32, #tpu.memory_space<vmem>>)
      tpu.yield
    }) : () -> ()
    %mul3A_3 = arith.constant 2 : i32
    %mul3A_4 = arith.muli %mul3A_3, %arg1 : i32
    %add3A = arith.constant 1 : i32
    %add3A_5 = arith.addi %mul3A_4, %add3A : i32
    "tpu.region"() ({
      %run_scoped3A = tpu.sem_alloc : memref<!tpu.dma_semaphore, #tpu.memory_space<semaphore_mem>>
      %dma_start3A = arith.constant 79 : i32
      %dma_start3A_26 = arith.constant 0 : i32
      %dma_start3A_27 = tpu.memref_slice %arg6[%dma_start3A, %dma_start3A_26] : memref<158x128xi32, #tpu.memory_space<vmem>> -> memref<79x128xi32, #tpu.memory_space<vmem>>
      %dma_start3A_28 = arith.constant 0 : i32
      %dma_start3A_29 = arith.constant 0 : i32
      %dma_start3A_30 = tpu.memref_slice %arg2[%add3A_5, %dma_start3A_28, %dma_start3A_29] : memref<32x79x128xi32, #tpu.memory_space<hbm>> -> memref<1x79x128xi32, #tpu.memory_space<hbm>>
      %dma_start3A_31 = tpu.memref_squeeze %dma_start3A_30 : memref<1x79x128xi32, #tpu.memory_space<hbm>> -> memref<79x128xi32, #tpu.memory_space<hbm>>
      %dma_start3A_32 = arith.constant 79 : i32
      %dma_start3A_33 = arith.constant 0 : i32
      %dma_start3A_34 = tpu.memref_slice %arg6[%dma_start3A_32, %dma_start3A_33] : memref<158x128xi32, #tpu.memory_space<vmem>> -> memref<79x128xi32, #tpu.memory_space<vmem>>
      %dma_start3A_35 = arith.constant 0 : i32
      %dma_start3A_36 = arith.constant 0 : i32
      %dma_start3A_37 = tpu.memref_slice %arg2[%add3A_5, %dma_start3A_35, %dma_start3A_36] : memref<32x79x128xi32, #tpu.memory_space<hbm>> -> memref<1x79x128xi32, #tpu.memory_space<hbm>>
      %dma_start3A_38 = tpu.memref_squeeze %dma_start3A_37 : memref<1x79x128xi32, #tpu.memory_space<hbm>> -> memref<79x128xi32, #tpu.memory_space<hbm>>
      tpu.enqueue_dma source(%dma_start3A_38 : memref<79x128xi32, #tpu.memory_space<hbm>>) target(%dma_start3A_34 : memref<79x128xi32, #tpu.memory_space<vmem>>) target_semaphore(%run_scoped3A : memref<!tpu.dma_semaphore, #tpu.memory_space<semaphore_mem>>)
      %dma_wait3A = arith.constant 79 : i32
      %dma_wait3A_39 = arith.constant 0 : i32
      %dma_wait3A_40 = tpu.memref_slice %arg6[%dma_wait3A, %dma_wait3A_39] : memref<158x128xi32, #tpu.memory_space<vmem>> -> memref<79x128xi32, #tpu.memory_space<vmem>>
      %dma_wait3A_41 = arith.constant 0 : i32
      %dma_wait3A_42 = arith.constant 0 : i32
      %dma_wait3A_43 = tpu.memref_slice %arg2[%add3A_5, %dma_wait3A_41, %dma_wait3A_42] : memref<32x79x128xi32, #tpu.memory_space<hbm>> -> memref<1x79x128xi32, #tpu.memory_space<hbm>>
      %dma_wait3A_44 = tpu.memref_squeeze %dma_wait3A_43 : memref<1x79x128xi32, #tpu.memory_space<hbm>> -> memref<79x128xi32, #tpu.memory_space<hbm>>
      %dma_wait3A_45 = arith.constant 79 : i32
      %dma_wait3A_46 = arith.constant 0 : i32
      %dma_wait3A_47 = tpu.memref_slice %arg6[%dma_wait3A_45, %dma_wait3A_46] : memref<158x128xi32, #tpu.memory_space<vmem>> -> memref<79x128xi32, #tpu.memory_space<vmem>>
      %dma_wait3A_48 = arith.constant 0 : i32
      %dma_wait3A_49 = arith.constant 0 : i32
      %dma_wait3A_50 = tpu.memref_slice %arg2[%add3A_5, %dma_wait3A_48, %dma_wait3A_49] : memref<32x79x128xi32, #tpu.memory_space<hbm>> -> memref<1x79x128xi32, #tpu.memory_space<hbm>>
      %dma_wait3A_51 = tpu.memref_squeeze %dma_wait3A_50 : memref<1x79x128xi32, #tpu.memory_space<hbm>> -> memref<79x128xi32, #tpu.memory_space<hbm>>
      tpu.wait_dma2 semaphore(%run_scoped3A : memref<!tpu.dma_semaphore, #tpu.memory_space<semaphore_mem>>) src(%dma_wait3A_51 : memref<79x128xi32, #tpu.memory_space<hbm>>) dst(%dma_wait3A_47 : memref<79x128xi32, #tpu.memory_space<vmem>>)
      tpu.yield
    }) : () -> ()
    %mul3A_6 = arith.constant 2 : i32
    %mul3A_7 = arith.muli %mul3A_6, %arg1 : i32
    "tpu.region"() ({
      %run_scoped3A = tpu.sem_alloc : memref<!tpu.dma_semaphore, #tpu.memory_space<semaphore_mem>>
      %dma_start3A = arith.constant 0 : i32
      %dma_start3A_26 = arith.constant 0 : i32
      %dma_start3A_27 = tpu.memref_slice %arg7[%dma_start3A, %dma_start3A_26] : memref<158x128xi32, #tpu.memory_space<vmem>> -> memref<79x128xi32, #tpu.memory_space<vmem>>
      %dma_start3A_28 = arith.constant 0 : i32
      %dma_start3A_29 = arith.constant 0 : i32
      %dma_start3A_30 = tpu.memref_slice %arg3[%mul3A_7, %dma_start3A_28, %dma_start3A_29] : memref<32x79x128xi32, #tpu.memory_space<hbm>> -> memref<1x79x128xi32, #tpu.memory_space<hbm>>
      %dma_start3A_31 = tpu.memref_squeeze %dma_start3A_30 : memref<1x79x128xi32, #tpu.memory_space<hbm>> -> memref<79x128xi32, #tpu.memory_space<hbm>>
      %dma_start3A_32 = arith.constant 0 : i32
      %dma_start3A_33 = arith.constant 0 : i32
      %dma_start3A_34 = tpu.memref_slice %arg7[%dma_start3A_32, %dma_start3A_33] : memref<158x128xi32, #tpu.memory_space<vmem>> -> memref<79x128xi32, #tpu.memory_space<vmem>>
      %dma_start3A_35 = arith.constant 0 : i32
      %dma_start3A_36 = arith.constant 0 : i32
      %dma_start3A_37 = tpu.memref_slice %arg3[%mul3A_7, %dma_start3A_35, %dma_start3A_36] : memref<32x79x128xi32, #tpu.memory_space<hbm>> -> memref<1x79x128xi32, #tpu.memory_space<hbm>>
      %dma_start3A_38 = tpu.memref_squeeze %dma_start3A_37 : memref<1x79x128xi32, #tpu.memory_space<hbm>> -> memref<79x128xi32, #tpu.memory_space<hbm>>
      tpu.enqueue_dma source(%dma_start3A_38 : memref<79x128xi32, #tpu.memory_space<hbm>>) target(%dma_start3A_34 : memref<79x128xi32, #tpu.memory_space<vmem>>) target_semaphore(%run_scoped3A : memref<!tpu.dma_semaphore, #tpu.memory_space<semaphore_mem>>)
      %dma_wait3A = arith.constant 0 : i32
      %dma_wait3A_39 = arith.constant 0 : i32
      %dma_wait3A_40 = tpu.memref_slice %arg7[%dma_wait3A, %dma_wait3A_39] : memref<158x128xi32, #tpu.memory_space<vmem>> -> memref<79x128xi32, #tpu.memory_space<vmem>>
      %dma_wait3A_41 = arith.constant 0 : i32
      %dma_wait3A_42 = arith.constant 0 : i32
      %dma_wait3A_43 = tpu.memref_slice %arg3[%mul3A_7, %dma_wait3A_41, %dma_wait3A_42] : memref<32x79x128xi32, #tpu.memory_space<hbm>> -> memref<1x79x128xi32, #tpu.memory_space<hbm>>
      %dma_wait3A_44 = tpu.memref_squeeze %dma_wait3A_43 : memref<1x79x128xi32, #tpu.memory_space<hbm>> -> memref<79x128xi32, #tpu.memory_space<hbm>>
      %dma_wait3A_45 = arith.constant 0 : i32
      %dma_wait3A_46 = arith.constant 0 : i32
      %dma_wait3A_47 = tpu.memref_slice %arg7[%dma_wait3A_45, %dma_wait3A_46] : memref<158x128xi32, #tpu.memory_space<vmem>> -> memref<79x128xi32, #tpu.memory_space<vmem>>
      %dma_wait3A_48 = arith.constant 0 : i32
      %dma_wait3A_49 = arith.constant 0 : i32
      %dma_wait3A_50 = tpu.memref_slice %arg3[%mul3A_7, %dma_wait3A_48, %dma_wait3A_49] : memref<32x79x128xi32, #tpu.memory_space<hbm>> -> memref<1x79x128xi32, #tpu.memory_space<hbm>>
      %dma_wait3A_51 = tpu.memref_squeeze %dma_wait3A_50 : memref<1x79x128xi32, #tpu.memory_space<hbm>> -> memref<79x128xi32, #tpu.memory_space<hbm>>
      tpu.wait_dma2 semaphore(%run_scoped3A : memref<!tpu.dma_semaphore, #tpu.memory_space<semaphore_mem>>) src(%dma_wait3A_51 : memref<79x128xi32, #tpu.memory_space<hbm>>) dst(%dma_wait3A_47 : memref<79x128xi32, #tpu.memory_space<vmem>>)
      tpu.yield
    }) : () -> ()
    %mul3A_8 = arith.constant 2 : i32
    %mul3A_9 = arith.muli %mul3A_8, %arg1 : i32
    %add3A_10 = arith.constant 1 : i32
    %add3A_11 = arith.addi %mul3A_9, %add3A_10 : i32
    "tpu.region"() ({
      %run_scoped3A = tpu.sem_alloc : memref<!tpu.dma_semaphore, #tpu.memory_space<semaphore_mem>>
      %dma_start3A = arith.constant 79 : i32
      %dma_start3A_26 = arith.constant 0 : i32
      %dma_start3A_27 = tpu.memref_slice %arg7[%dma_start3A, %dma_start3A_26] : memref<158x128xi32, #tpu.memory_space<vmem>> -> memref<79x128xi32, #tpu.memory_space<vmem>>
      %dma_start3A_28 = arith.constant 0 : i32
      %dma_start3A_29 = arith.constant 0 : i32
      %dma_start3A_30 = tpu.memref_slice %arg3[%add3A_11, %dma_start3A_28, %dma_start3A_29] : memref<32x79x128xi32, #tpu.memory_space<hbm>> -> memref<1x79x128xi32, #tpu.memory_space<hbm>>
      %dma_start3A_31 = tpu.memref_squeeze %dma_start3A_30 : memref<1x79x128xi32, #tpu.memory_space<hbm>> -> memref<79x128xi32, #tpu.memory_space<hbm>>
      %dma_start3A_32 = arith.constant 79 : i32
      %dma_start3A_33 = arith.constant 0 : i32
      %dma_start3A_34 = tpu.memref_slice %arg7[%dma_start3A_32, %dma_start3A_33] : memref<158x128xi32, #tpu.memory_space<vmem>> -> memref<79x128xi32, #tpu.memory_space<vmem>>
      %dma_start3A_35 = arith.constant 0 : i32
      %dma_start3A_36 = arith.constant 0 : i32
      %dma_start3A_37 = tpu.memref_slice %arg3[%add3A_11, %dma_start3A_35, %dma_start3A_36] : memref<32x79x128xi32, #tpu.memory_space<hbm>> -> memref<1x79x128xi32, #tpu.memory_space<hbm>>
      %dma_start3A_38 = tpu.memref_squeeze %dma_start3A_37 : memref<1x79x128xi32, #tpu.memory_space<hbm>> -> memref<79x128xi32, #tpu.memory_space<hbm>>
      tpu.enqueue_dma source(%dma_start3A_38 : memref<79x128xi32, #tpu.memory_space<hbm>>) target(%dma_start3A_34 : memref<79x128xi32, #tpu.memory_space<vmem>>) target_semaphore(%run_scoped3A : memref<!tpu.dma_semaphore, #tpu.memory_space<semaphore_mem>>)
      %dma_wait3A = arith.constant 79 : i32
      %dma_wait3A_39 = arith.constant 0 : i32
      %dma_wait3A_40 = tpu.memref_slice %arg7[%dma_wait3A, %dma_wait3A_39] : memref<158x128xi32, #tpu.memory_space<vmem>> -> memref<79x128xi32, #tpu.memory_space<vmem>>
      %dma_wait3A_41 = arith.constant 0 : i32
      %dma_wait3A_42 = arith.constant 0 : i32
      %dma_wait3A_43 = tpu.memref_slice %arg3[%add3A_11, %dma_wait3A_41, %dma_wait3A_42] : memref<32x79x128xi32, #tpu.memory_space<hbm>> -> memref<1x79x128xi32, #tpu.memory_space<hbm>>
      %dma_wait3A_44 = tpu.memref_squeeze %dma_wait3A_43 : memref<1x79x128xi32, #tpu.memory_space<hbm>> -> memref<79x128xi32, #tpu.memory_space<hbm>>
      %dma_wait3A_45 = arith.constant 79 : i32
      %dma_wait3A_46 = arith.constant 0 : i32
      %dma_wait3A_47 = tpu.memref_slice %arg7[%dma_wait3A_45, %dma_wait3A_46] : memref<158x128xi32, #tpu.memory_space<vmem>> -> memref<79x128xi32, #tpu.memory_space<vmem>>
      %dma_wait3A_48 = arith.constant 0 : i32
      %dma_wait3A_49 = arith.constant 0 : i32
      %dma_wait3A_50 = tpu.memref_slice %arg3[%add3A_11, %dma_wait3A_48, %dma_wait3A_49] : memref<32x79x128xi32, #tpu.memory_space<hbm>> -> memref<1x79x128xi32, #tpu.memory_space<hbm>>
      %dma_wait3A_51 = tpu.memref_squeeze %dma_wait3A_50 : memref<1x79x128xi32, #tpu.memory_space<hbm>> -> memref<79x128xi32, #tpu.memory_space<hbm>>
      tpu.wait_dma2 semaphore(%run_scoped3A : memref<!tpu.dma_semaphore, #tpu.memory_space<semaphore_mem>>) src(%dma_wait3A_51 : memref<79x128xi32, #tpu.memory_space<hbm>>) dst(%dma_wait3A_47 : memref<79x128xi32, #tpu.memory_space<vmem>>)
      tpu.yield
    }) : () -> ()
    %broadcast_in_dim3A = arith.constant 0.000000e+00 : f32
    %broadcast_in_dim3A_12 = vector.broadcast %broadcast_in_dim3A : f32 to vector<16xf32>
    %scan3A = arith.constant 0 : i32
    %scan3A_13 = arith.constant 0 : i32
    %scan3A_14 = arith.constant 128 : i32
    %scan3A_15 = arith.addi %scan3A_13, %scan3A_14 : i32
    %scan3A_16 = arith.constant 1 : i32
    %scan3A_17 = scf.for %scan3A_26 = %scan3A_13 to %scan3A_15 step %scan3A_16 iter_args(%scan3A_27 = %scan3A) -> (i32)  : i32 {
      %scan3A_28 = arith.constant 0 : i32
      %scan3A_29 = arith.constant 0 : i32
      %scan3A_30 = arith.constant 4 : i32
      %scan3A_31 = arith.addi %scan3A_29, %scan3A_30 : i32
      %scan3A_32 = arith.constant 1 : i32
      %scan3A_33 = scf.for %scan3A_35 = %scan3A_29 to %scan3A_31 step %scan3A_32 iter_args(%scan3A_36 = %scan3A_28) -> (i32)  : i32 {
        %mul3A_37 = arith.constant 16 : i32
        %mul3A_38 = arith.muli %scan3A_35, %mul3A_37 : i32
        %swap3A = arith.index_cast %scan3A_26 : i32 to index
        %swap3A_39 = arith.index_cast %mul3A_38 : i32 to index
        %swap3A_40 = tpu.vector_load %arg10[%swap3A, %swap3A_39] {strides = array<i32>} : memref<128x64xf32, #tpu.memory_space<vmem>>, vector<1x16xf32>,
        %swap3A_41 = vector.shape_cast %swap3A_40 : vector<1x16xf32> to vector<16xf32>
        %swap3A_42 = vector.shape_cast %broadcast_in_dim3A_12 : vector<16xf32> to vector<1x16xf32>
        tpu.vector_store %arg10[%swap3A, %swap3A_39], %swap3A_42 {strides = array<i32>} : memref<128x64xf32, #tpu.memory_space<vmem>>, vector<1x16xf32>,
        %scan3A_43 = arith.constant 0 : i32
        scf.yield %scan3A_43 : i32
      }
      %scan3A_34 = arith.constant 4 : i32
      scf.yield %scan3A_33 : i32
    }
    %scan3A_18 = arith.constant 128 : i32
    %eq3A = arith.constant 0 : i32
    %eq3A_19 = arith.cmpi eq, %arg0, %eq3A : i32
    %convert_element_type3A = arith.extui %eq3A_19 : i1 to i32
    %cond3A = arith.constant 0 : i32
    %cond3A_20 = arith.cmpi ne, %convert_element_type3A, %cond3A : i32
    scf.if %cond3A_20 {
      %add3A_26 = arith.constant 0 : i32
      %add3A_27 = arith.addi %mul3A_0, %add3A_26 : i32
      "tpu.region"() ({
        %run_scoped3A = tpu.sem_alloc : memref<!tpu.dma_semaphore, #tpu.memory_space<semaphore_mem>>
        %dma_start3A_68 = arith.constant 0 : i32
        %dma_start3A_69 = tpu.memref_slice %arg11[%add3A_27, %dma_start3A_68] : memref<10240x64xf32, #tpu.memory_space<vmem_shared>> -> memref<128x64xf32, #tpu.memory_space<vmem_shared>>
        %dma_start3A_70 = arith.constant 0 : i32
        %dma_start3A_71 = tpu.memref_slice %arg11[%add3A_27, %dma_start3A_70] : memref<10240x64xf32, #tpu.memory_space<vmem_shared>> -> memref<128x64xf32, #tpu.memory_space<vmem_shared>>
        tpu.enqueue_dma source(%arg10 : memref<128x64xf32, #tpu.memory_space<vmem>>) target(%dma_start3A_71 : memref<128x64xf32, #tpu.memory_space<vmem_shared>>) target_semaphore(%run_scoped3A : memref<!tpu.dma_semaphore, #tpu.memory_space<semaphore_mem>>)
        %dma_wait3A = arith.constant 0 : i32
        %dma_wait3A_72 = tpu.memref_slice %arg11[%add3A_27, %dma_wait3A] : memref<10240x64xf32, #tpu.memory_space<vmem_shared>> -> memref<128x64xf32, #tpu.memory_space<vmem_shared>>
        %dma_wait3A_73 = arith.constant 0 : i32
        %dma_wait3A_74 = tpu.memref_slice %arg11[%add3A_27, %dma_wait3A_73] : memref<10240x64xf32, #tpu.memory_space<vmem_shared>> -> memref<128x64xf32, #tpu.memory_space<vmem_shared>>
        tpu.wait_dma2 semaphore(%run_scoped3A : memref<!tpu.dma_semaphore, #tpu.memory_space<semaphore_mem>>) src(%arg10 : memref<128x64xf32, #tpu.memory_space<vmem>>) dst(%dma_wait3A_74 : memref<128x64xf32, #tpu.memory_space<vmem_shared>>)
        tpu.yield
      }) : () -> ()
      %add3A_28 = arith.constant 128 : i32
      %add3A_29 = arith.addi %mul3A_0, %add3A_28 : i32
      "tpu.region"() ({
        %run_scoped3A = tpu.sem_alloc : memref<!tpu.dma_semaphore, #tpu.memory_space<semaphore_mem>>
        %dma_start3A_68 = arith.constant 0 : i32
        %dma_start3A_69 = tpu.memref_slice %arg11[%add3A_29, %dma_start3A_68] : memref<10240x64xf32, #tpu.memory_space<vmem_shared>> -> memref<128x64xf32, #tpu.memory_space<vmem_shared>>
        %dma_start3A_70 = arith.constant 0 : i32
        %dma_start3A_71 = tpu.memref_slice %arg11[%add3A_29, %dma_start3A_70] : memref<10240x64xf32, #tpu.memory_space<vmem_shared>> -> memref<128x64xf32, #tpu.memory_space<vmem_shared>>
        tpu.enqueue_dma source(%arg10 : memref<128x64xf32, #tpu.memory_space<vmem>>) target(%dma_start3A_71 : memref<128x64xf32, #tpu.memory_space<vmem_shared>>) target_semaphore(%run_scoped3A : memref<!tpu.dma_semaphore, #tpu.memory_space<semaphore_mem>>)
        %dma_wait3A = arith.constant 0 : i32
        %dma_wait3A_72 = tpu.memref_slice %arg11[%add3A_29, %dma_wait3A] : memref<10240x64xf32, #tpu.memory_space<vmem_shared>> -> memref<128x64xf32, #tpu.memory_space<vmem_shared>>
        %dma_wait3A_73 = arith.constant 0 : i32
        %dma_wait3A_74 = tpu.memref_slice %arg11[%add3A_29, %dma_wait3A_73] : memref<10240x64xf32, #tpu.memory_space<vmem_shared>> -> memref<128x64xf32, #tpu.memory_space<vmem_shared>>
        tpu.wait_dma2 semaphore(%run_scoped3A : memref<!tpu.dma_semaphore, #tpu.memory_space<semaphore_mem>>) src(%arg10 : memref<128x64xf32, #tpu.memory_space<vmem>>) dst(%dma_wait3A_74 : memref<128x64xf32, #tpu.memory_space<vmem_shared>>)
        tpu.yield
      }) : () -> ()
      %add3A_30 = arith.constant 256 : i32
      %add3A_31 = arith.addi %mul3A_0, %add3A_30 : i32
      "tpu.region"() ({
        %run_scoped3A = tpu.sem_alloc : memref<!tpu.dma_semaphore, #tpu.memory_space<semaphore_mem>>
        %dma_start3A_68 = arith.constant 0 : i32
        %dma_start3A_69 = tpu.memref_slice %arg11[%add3A_31, %dma_start3A_68] : memref<10240x64xf32, #tpu.memory_space<vmem_shared>> -> memref<128x64xf32, #tpu.memory_space<vmem_shared>>
        %dma_start3A_70 = arith.constant 0 : i32
        %dma_start3A_71 = tpu.memref_slice %arg11[%add3A_31, %dma_start3A_70] : memref<10240x64xf32, #tpu.memory_space<vmem_shared>> -> memref<128x64xf32, #tpu.memory_space<vmem_shared>>
        tpu.enqueue_dma source(%arg10 : memref<128x64xf32, #tpu.memory_space<vmem>>) target(%dma_start3A_71 : memref<128x64xf32, #tpu.memory_space<vmem_shared>>) target_semaphore(%run_scoped3A : memref<!tpu.dma_semaphore, #tpu.memory_space<semaphore_mem>>)
        %dma_wait3A = arith.constant 0 : i32
        %dma_wait3A_72 = tpu.memref_slice %arg11[%add3A_31, %dma_wait3A] : memref<10240x64xf32, #tpu.memory_space<vmem_shared>> -> memref<128x64xf32, #tpu.memory_space<vmem_shared>>
        %dma_wait3A_73 = arith.constant 0 : i32
        %dma_wait3A_74 = tpu.memref_slice %arg11[%add3A_31, %dma_wait3A_73] : memref<10240x64xf32, #tpu.memory_space<vmem_shared>> -> memref<128x64xf32, #tpu.memory_space<vmem_shared>>
        tpu.wait_dma2 semaphore(%run_scoped3A : memref<!tpu.dma_semaphore, #tpu.memory_space<semaphore_mem>>) src(%arg10 : memref<128x64xf32, #tpu.memory_space<vmem>>) dst(%dma_wait3A_74 : memref<128x64xf32, #tpu.memory_space<vmem_shared>>)
        tpu.yield
      }) : () -> ()
      %add3A_32 = arith.constant 384 : i32
      %add3A_33 = arith.addi %mul3A_0, %add3A_32 : i32
      "tpu.region"() ({
        %run_scoped3A = tpu.sem_alloc : memref<!tpu.dma_semaphore, #tpu.memory_space<semaphore_mem>>
        %dma_start3A_68 = arith.constant 0 : i32
        %dma_start3A_69 = tpu.memref_slice %arg11[%add3A_33, %dma_start3A_68] : memref<10240x64xf32, #tpu.memory_space<vmem_shared>> -> memref<128x64xf32, #tpu.memory_space<vmem_shared>>
        %dma_start3A_70 = arith.constant 0 : i32
        %dma_start3A_71 = tpu.memref_slice %arg11[%add3A_33, %dma_start3A_70] : memref<10240x64xf32, #tpu.memory_space<vmem_shared>> -> memref<128x64xf32, #tpu.memory_space<vmem_shared>>
        tpu.enqueue_dma source(%arg10 : memref<128x64xf32, #tpu.memory_space<vmem>>) target(%dma_start3A_71 : memref<128x64xf32, #tpu.memory_space<vmem_shared>>) target_semaphore(%run_scoped3A : memref<!tpu.dma_semaphore, #tpu.memory_space<semaphore_mem>>)
        %dma_wait3A = arith.constant 0 : i32
        %dma_wait3A_72 = tpu.memref_slice %arg11[%add3A_33, %dma_wait3A] : memref<10240x64xf32, #tpu.memory_space<vmem_shared>> -> memref<128x64xf32, #tpu.memory_space<vmem_shared>>
        %dma_wait3A_73 = arith.constant 0 : i32
        %dma_wait3A_74 = tpu.memref_slice %arg11[%add3A_33, %dma_wait3A_73] : memref<10240x64xf32, #tpu.memory_space<vmem_shared>> -> memref<128x64xf32, #tpu.memory_space<vmem_shared>>
        tpu.wait_dma2 semaphore(%run_scoped3A : memref<!tpu.dma_semaphore, #tpu.memory_space<semaphore_mem>>) src(%arg10 : memref<128x64xf32, #tpu.memory_space<vmem>>) dst(%dma_wait3A_74 : memref<128x64xf32, #tpu.memory_space<vmem_shared>>)
        tpu.yield
      }) : () -> ()
      %add3A_34 = arith.constant 512 : i32
      %add3A_35 = arith.addi %mul3A_0, %add3A_34 : i32
      "tpu.region"() ({
        %run_scoped3A = tpu.sem_alloc : memref<!tpu.dma_semaphore, #tpu.memory_space<semaphore_mem>>
        %dma_start3A_68 = arith.constant 0 : i32
        %dma_start3A_69 = tpu.memref_slice %arg11[%add3A_35, %dma_start3A_68] : memref<10240x64xf32, #tpu.memory_space<vmem_shared>> -> memref<128x64xf32, #tpu.memory_space<vmem_shared>>
        %dma_start3A_70 = arith.constant 0 : i32
        %dma_start3A_71 = tpu.memref_slice %arg11[%add3A_35, %dma_start3A_70] : memref<10240x64xf32, #tpu.memory_space<vmem_shared>> -> memref<128x64xf32, #tpu.memory_space<vmem_shared>>
        tpu.enqueue_dma source(%arg10 : memref<128x64xf32, #tpu.memory_space<vmem>>) target(%dma_start3A_71 : memref<128x64xf32, #tpu.memory_space<vmem_shared>>) target_semaphore(%run_scoped3A : memref<!tpu.dma_semaphore, #tpu.memory_space<semaphore_mem>>)
        %dma_wait3A = arith.constant 0 : i32
        %dma_wait3A_72 = tpu.memref_slice %arg11[%add3A_35, %dma_wait3A] : memref<10240x64xf32, #tpu.memory_space<vmem_shared>> -> memref<128x64xf32, #tpu.memory_space<vmem_shared>>
        %dma_wait3A_73 = arith.constant 0 : i32
        %dma_wait3A_74 = tpu.memref_slice %arg11[%add3A_35, %dma_wait3A_73] : memref<10240x64xf32, #tpu.memory_space<vmem_shared>> -> memref<128x64xf32, #tpu.memory_space<vmem_shared>>
        tpu.wait_dma2 semaphore(%run_scoped3A : memref<!tpu.dma_semaphore, #tpu.memory_space<semaphore_mem>>) src(%arg10 : memref<128x64xf32, #tpu.memory_space<vmem>>) dst(%dma_wait3A_74 : memref<128x64xf32, #tpu.memory_space<vmem_shared>>)
        tpu.yield
      }) : () -> ()
      %barrier3A = arith.constant 0 : index
      tpu.barrier barrier_id(%barrier3A)
      %dma_start3A = arith.constant 0 : i32
      %dma_start3A_36 = arith.constant 0 : i32
      %dma_start3A_37 = arith.constant 0 : i32
      %dma_start3A_38 = tpu.memref_slice %arg6[%dma_start3A_36, %dma_start3A_37] : memref<158x128xi32, #tpu.memory_space<vmem>> -> memref<1x128xi32, #tpu.memory_space<vmem>>
      %dma_start3A_39 = tpu.memref_squeeze %dma_start3A_38 : memref<1x128xi32, #tpu.memory_space<vmem>> -> memref<128xi32, #tpu.memory_space<vmem>>
      %dma_start3A_40 = arith.constant 0 : i32
      %dma_start3A_41 = arith.constant 0 : i32
      %dma_start3A_42 = tpu.memref_slice %arg4[%dma_start3A, %dma_start3A_40, %dma_start3A_41] : memref<2x10240x64xf32, #tpu.memory_space<hbm>> -> memref<1x10240x64xf32, #tpu.memory_space<hbm>>
      %dma_start3A_43 = tpu.memref_squeeze %dma_start3A_42 : memref<1x10240x64xf32, #tpu.memory_space<hbm>> -> memref<10240x64xf32, #tpu.memory_space<hbm>>
      %dma_start3A_44 = arith.constant 0 : i32
      %dma_start3A_45 = arith.constant 0 : i32
      %dma_start3A_46 = tpu.memref_slice %dma_start3A_43[%dma_start3A_44, %dma_start3A_45] : memref<10240x64xf32, #tpu.memory_space<hbm>> -> memref<10240x64xf32, #tpu.memory_space<hbm>>
      tpu.enqueue_indirect_dma source(%dma_start3A_46 : memref<10240x64xf32, #tpu.memory_space<hbm>>) target(%arg8 : memref<128x64xf32, #tpu.memory_space<vmem>>) offsets(%dma_start3A_39 : memref<128xi32, #tpu.memory_space<vmem>>) semaphore(%arg12 : memref<!tpu.dma_semaphore, #tpu.memory_space<semaphore_mem>>)
      %dma_start3A_47 = arith.constant 0 : i32
      %dma_start3A_48 = arith.constant 1 : i32
      %dma_start3A_49 = arith.constant 0 : i32
      %dma_start3A_50 = tpu.memref_slice %arg6[%dma_start3A_48, %dma_start3A_49] : memref<158x128xi32, #tpu.memory_space<vmem>> -> memref<1x128xi32, #tpu.memory_space<vmem>>
      %dma_start3A_51 = tpu.memref_squeeze %dma_start3A_50 : memref<1x128xi32, #tpu.memory_space<vmem>> -> memref<128xi32, #tpu.memory_space<vmem>>
      %dma_start3A_52 = arith.constant 0 : i32
      %dma_start3A_53 = arith.constant 0 : i32
      %dma_start3A_54 = tpu.memref_slice %arg4[%dma_start3A_47, %dma_start3A_52, %dma_start3A_53] : memref<2x10240x64xf32, #tpu.memory_space<hbm>> -> memref<1x10240x64xf32, #tpu.memory_space<hbm>>
      %dma_start3A_55 = tpu.memref_squeeze %dma_start3A_54 : memref<1x10240x64xf32, #tpu.memory_space<hbm>> -> memref<10240x64xf32, #tpu.memory_space<hbm>>
      %dma_start3A_56 = arith.constant 0 : i32
      %dma_start3A_57 = arith.constant 0 : i32
      %dma_start3A_58 = tpu.memref_slice %dma_start3A_55[%dma_start3A_56, %dma_start3A_57] : memref<10240x64xf32, #tpu.memory_space<hbm>> -> memref<10240x64xf32, #tpu.memory_space<hbm>>
      tpu.enqueue_indirect_dma source(%dma_start3A_58 : memref<10240x64xf32, #tpu.memory_space<hbm>>) target(%arg9 : memref<128x64xf32, #tpu.memory_space<vmem>>) offsets(%dma_start3A_51 : memref<128xi32, #tpu.memory_space<vmem>>) semaphore(%arg13 : memref<!tpu.dma_semaphore, #tpu.memory_space<semaphore_mem>>)
      %scan3A_59 = arith.constant 0 : i32
      %scan3A_60 = arith.constant 0 : i32
      %scan3A_61 = arith.constant 0 : i32
      %scan3A_62 = arith.constant 79 : i32
      %scan3A_63 = arith.addi %scan3A_61, %scan3A_62 : i32
      %scan3A_64 = arith.constant 1 : i32
      %scan3A_65 = scf.for %scan3A_68 = %scan3A_61 to %scan3A_63 step %scan3A_64 iter_args(%scan3A_69 = %scan3A_60) -> (i32)  : i32 {
        %mul3A_70 = arith.constant 2 : i32
        %mul3A_71 = arith.muli %mul3A_70, %scan3A_68 : i32
        %dma_wait3A = arith.constant 0 : i32
        %dma_wait3A_72 = arith.constant 0 : i32
        %dma_wait3A_73 = tpu.memref_slice %arg6[%dma_wait3A, %dma_wait3A_72] : memref<158x128xi32, #tpu.memory_space<vmem>> -> memref<1x128xi32, #tpu.memory_space<vmem>>
        %dma_wait3A_74 = tpu.memref_squeeze %dma_wait3A_73 : memref<1x128xi32, #tpu.memory_space<vmem>> -> memref<128xi32, #tpu.memory_space<vmem>>
        %dma_wait3A_75 = arith.constant 0 : i32
        %dma_wait3A_76 = arith.constant 0 : i32
        %dma_wait3A_77 = tpu.memref_slice %arg4[%scan3A_59, %dma_wait3A_75, %dma_wait3A_76] : memref<2x10240x64xf32, #tpu.memory_space<hbm>> -> memref<1x10240x64xf32, #tpu.memory_space<hbm>>
        %dma_wait3A_78 = tpu.memref_squeeze %dma_wait3A_77 : memref<1x10240x64xf32, #tpu.memory_space<hbm>> -> memref<10240x64xf32, #tpu.memory_space<hbm>>
        %dma_wait3A_79 = arith.constant 0 : i32
        %dma_wait3A_80 = arith.constant 0 : i32
        %dma_wait3A_81 = tpu.memref_slice %dma_wait3A_78[%dma_wait3A_79, %dma_wait3A_80] : memref<10240x64xf32, #tpu.memory_space<hbm>> -> memref<10240x64xf32, #tpu.memory_space<hbm>>
        tpu.wait_indirect_dma semaphore(%arg12 : memref<!tpu.dma_semaphore, #tpu.memory_space<semaphore_mem>>) src(%dma_wait3A_81 : memref<10240x64xf32, #tpu.memory_space<hbm>>) dst(%arg8 : memref<128x64xf32, #tpu.memory_space<vmem>>)
        "tpu.region"() ({
          %run_scoped3A = tpu.sem_alloc : memref<!tpu.dma_semaphore, #tpu.memory_space<semaphore_mem>>
          %dma_start3A_109 = arith.constant 0 : i32
          %dma_start3A_110 = tpu.memref_slice %arg7[%mul3A_71, %dma_start3A_109] : memref<158x128xi32, #tpu.memory_space<vmem>> -> memref<1x128xi32, #tpu.memory_space<vmem>>
          %dma_start3A_111 = tpu.memref_squeeze %dma_start3A_110 : memref<1x128xi32, #tpu.memory_space<vmem>> -> memref<128xi32, #tpu.memory_space<vmem>>
          %dma_start3A_112 = arith.constant 0 : i32
          %dma_start3A_113 = arith.constant 0 : i32
          %dma_start3A_114 = tpu.memref_slice %arg11[%dma_start3A_112, %dma_start3A_113] : memref<10240x64xf32, #tpu.memory_space<vmem_shared>> -> memref<10240x64xf32, #tpu.memory_space<vmem_shared>>
          tpu.enqueue_indirect_dma source(%arg8 : memref<128x64xf32, #tpu.memory_space<vmem>>) target(%dma_start3A_114 : memref<10240x64xf32, #tpu.memory_space<vmem_shared>>) offsets(%dma_start3A_111 : memref<128xi32, #tpu.memory_space<vmem>>) semaphore(%run_scoped3A : memref<!tpu.dma_semaphore, #tpu.memory_space<semaphore_mem>>) {add = true}
          %dma_wait3A_115 = arith.constant 0 : i32
          %dma_wait3A_116 = tpu.memref_slice %arg7[%mul3A_71, %dma_wait3A_115] : memref<158x128xi32, #tpu.memory_space<vmem>> -> memref<1x128xi32, #tpu.memory_space<vmem>>
          %dma_wait3A_117 = tpu.memref_squeeze %dma_wait3A_116 : memref<1x128xi32, #tpu.memory_space<vmem>> -> memref<128xi32, #tpu.memory_space<vmem>>
          %dma_wait3A_118 = arith.constant 0 : i32
          %dma_wait3A_119 = arith.constant 0 : i32
          %dma_wait3A_120 = tpu.memref_slice %arg11[%dma_wait3A_118, %dma_wait3A_119] : memref<10240x64xf32, #tpu.memory_space<vmem_shared>> -> memref<10240x64xf32, #tpu.memory_space<vmem_shared>>
          tpu.wait_indirect_dma semaphore(%run_scoped3A : memref<!tpu.dma_semaphore, #tpu.memory_space<semaphore_mem>>) src(%arg8 : memref<128x64xf32, #tpu.memory_space<vmem>>) dst(%dma_wait3A_120 : memref<10240x64xf32, #tpu.memory_space<vmem_shared>>)
          tpu.yield
        }) : () -> ()
        %add3A_82 = arith.constant 2 : i32
        %add3A_83 = arith.addi %mul3A_71, %add3A_82 : i32
        %lt3A = arith.constant 158 : i32
        %lt3A_84 = arith.cmpi slt, %add3A_83, %lt3A : i32
        %convert_element_type3A_85 = arith.extui %lt3A_84 : i1 to i32
        %cond3A_86 = arith.constant 0 : i32
        %cond3A_87 = arith.cmpi ne, %convert_element_type3A_85, %cond3A_86 : i32
        scf.if %cond3A_87 {
          %add3A_109 = arith.constant 2 : i32
          %add3A_110 = arith.addi %mul3A_71, %add3A_109 : i32
          %dma_start3A_111 = arith.constant 0 : i32
          %dma_start3A_112 = tpu.memref_slice %arg6[%add3A_110, %dma_start3A_111] : memref<158x128xi32, #tpu.memory_space<vmem>> -> memref<1x128xi32, #tpu.memory_space<vmem>>
          %dma_start3A_113 = tpu.memref_squeeze %dma_start3A_112 : memref<1x128xi32, #tpu.memory_space<vmem>> -> memref<128xi32, #tpu.memory_space<vmem>>
          %dma_start3A_114 = arith.constant 0 : i32
          %dma_start3A_115 = arith.constant 0 : i32
          %dma_start3A_116 = tpu.memref_slice %arg4[%scan3A_59, %dma_start3A_114, %dma_start3A_115] : memref<2x10240x64xf32, #tpu.memory_space<hbm>> -> memref<1x10240x64xf32, #tpu.memory_space<hbm>>
          %dma_start3A_117 = tpu.memref_squeeze %dma_start3A_116 : memref<1x10240x64xf32, #tpu.memory_space<hbm>> -> memref<10240x64xf32, #tpu.memory_space<hbm>>
          %dma_start3A_118 = arith.constant 0 : i32
          %dma_start3A_119 = arith.constant 0 : i32
          %dma_start3A_120 = tpu.memref_slice %dma_start3A_117[%dma_start3A_118, %dma_start3A_119] : memref<10240x64xf32, #tpu.memory_space<hbm>> -> memref<10240x64xf32, #tpu.memory_space<hbm>>
          tpu.enqueue_indirect_dma source(%dma_start3A_120 : memref<10240x64xf32, #tpu.memory_space<hbm>>) target(%arg8 : memref<128x64xf32, #tpu.memory_space<vmem>>) offsets(%dma_start3A_113 : memref<128xi32, #tpu.memory_space<vmem>>) semaphore(%arg12 : memref<!tpu.dma_semaphore, #tpu.memory_space<semaphore_mem>>)
        } else {
        }
        %dma_wait3A_88 = arith.constant 1 : i32
        %dma_wait3A_89 = arith.constant 0 : i32
        %dma_wait3A_90 = tpu.memref_slice %arg6[%dma_wait3A_88, %dma_wait3A_89] : memref<158x128xi32, #tpu.memory_space<vmem>> -> memref<1x128xi32, #tpu.memory_space<vmem>>
        %dma_wait3A_91 = tpu.memref_squeeze %dma_wait3A_90 : memref<1x128xi32, #tpu.memory_space<vmem>> -> memref<128xi32, #tpu.memory_space<vmem>>
        %dma_wait3A_92 = arith.constant 0 : i32
        %dma_wait3A_93 = arith.constant 0 : i32
        %dma_wait3A_94 = tpu.memref_slice %arg4[%scan3A_59, %dma_wait3A_92, %dma_wait3A_93] : memref<2x10240x64xf32, #tpu.memory_space<hbm>> -> memref<1x10240x64xf32, #tpu.memory_space<hbm>>
        %dma_wait3A_95 = tpu.memref_squeeze %dma_wait3A_94 : memref<1x10240x64xf32, #tpu.memory_space<hbm>> -> memref<10240x64xf32, #tpu.memory_space<hbm>>
        %dma_wait3A_96 = arith.constant 0 : i32
        %dma_wait3A_97 = arith.constant 0 : i32
        %dma_wait3A_98 = tpu.memref_slice %dma_wait3A_95[%dma_wait3A_96, %dma_wait3A_97] : memref<10240x64xf32, #tpu.memory_space<hbm>> -> memref<10240x64xf32, #tpu.memory_space<hbm>>
        tpu.wait_indirect_dma semaphore(%arg13 : memref<!tpu.dma_semaphore, #tpu.memory_space<semaphore_mem>>) src(%dma_wait3A_98 : memref<10240x64xf32, #tpu.memory_space<hbm>>) dst(%arg9 : memref<128x64xf32, #tpu.memory_space<vmem>>)
        %add3A_99 = arith.constant 1 : i32
        %add3A_100 = arith.addi %mul3A_71, %add3A_99 : i32
        "tpu.region"() ({
          %run_scoped3A = tpu.sem_alloc : memref<!tpu.dma_semaphore, #tpu.memory_space<semaphore_mem>>
          %dma_start3A_109 = arith.constant 0 : i32
          %dma_start3A_110 = tpu.memref_slice %arg7[%add3A_100, %dma_start3A_109] : memref<158x128xi32, #tpu.memory_space<vmem>> -> memref<1x128xi32, #tpu.memory_space<vmem>>
          %dma_start3A_111 = tpu.memref_squeeze %dma_start3A_110 : memref<1x128xi32, #tpu.memory_space<vmem>> -> memref<128xi32, #tpu.memory_space<vmem>>
          %dma_start3A_112 = arith.constant 0 : i32
          %dma_start3A_113 = arith.constant 0 : i32
          %dma_start3A_114 = tpu.memref_slice %arg11[%dma_start3A_112, %dma_start3A_113] : memref<10240x64xf32, #tpu.memory_space<vmem_shared>> -> memref<10240x64xf32, #tpu.memory_space<vmem_shared>>
          tpu.enqueue_indirect_dma source(%arg9 : memref<128x64xf32, #tpu.memory_space<vmem>>) target(%dma_start3A_114 : memref<10240x64xf32, #tpu.memory_space<vmem_shared>>) offsets(%dma_start3A_111 : memref<128xi32, #tpu.memory_space<vmem>>) semaphore(%run_scoped3A : memref<!tpu.dma_semaphore, #tpu.memory_space<semaphore_mem>>) {add = true}
          %dma_wait3A_115 = arith.constant 0 : i32
          %dma_wait3A_116 = tpu.memref_slice %arg7[%add3A_100, %dma_wait3A_115] : memref<158x128xi32, #tpu.memory_space<vmem>> -> memref<1x128xi32, #tpu.memory_space<vmem>>
          %dma_wait3A_117 = tpu.memref_squeeze %dma_wait3A_116 : memref<1x128xi32, #tpu.memory_space<vmem>> -> memref<128xi32, #tpu.memory_space<vmem>>
          %dma_wait3A_118 = arith.constant 0 : i32
          %dma_wait3A_119 = arith.constant 0 : i32
          %dma_wait3A_120 = tpu.memref_slice %arg11[%dma_wait3A_118, %dma_wait3A_119] : memref<10240x64xf32, #tpu.memory_space<vmem_shared>> -> memref<10240x64xf32, #tpu.memory_space<vmem_shared>>
          tpu.wait_indirect_dma semaphore(%run_scoped3A : memref<!tpu.dma_semaphore, #tpu.memory_space<semaphore_mem>>) src(%arg9 : memref<128x64xf32, #tpu.memory_space<vmem>>) dst(%dma_wait3A_120 : memref<10240x64xf32, #tpu.memory_space<vmem_shared>>)
          tpu.yield
        }) : () -> ()
        %add3A_101 = arith.constant 3 : i32
        %add3A_102 = arith.addi %mul3A_71, %add3A_101 : i32
        %lt3A_103 = arith.constant 158 : i32
        %lt3A_104 = arith.cmpi slt, %add3A_102, %lt3A_103 : i32
        %convert_element_type3A_105 = arith.extui %lt3A_104 : i1 to i32
        %cond3A_106 = arith.constant 0 : i32
        %cond3A_107 = arith.cmpi ne, %convert_element_type3A_105, %cond3A_106 : i32
        scf.if %cond3A_107 {
          %add3A_109 = arith.constant 3 : i32
          %add3A_110 = arith.addi %mul3A_71, %add3A_109 : i32
          %dma_start3A_111 = arith.constant 0 : i32
          %dma_start3A_112 = tpu.memref_slice %arg6[%add3A_110, %dma_start3A_111] : memref<158x128xi32, #tpu.memory_space<vmem>> -> memref<1x128xi32, #tpu.memory_space<vmem>>
          %dma_start3A_113 = tpu.memref_squeeze %dma_start3A_112 : memref<1x128xi32, #tpu.memory_space<vmem>> -> memref<128xi32, #tpu.memory_space<vmem>>
          %dma_start3A_114 = arith.constant 0 : i32
          %dma_start3A_115 = arith.constant 0 : i32
          %dma_start3A_116 = tpu.memref_slice %arg4[%scan3A_59, %dma_start3A_114, %dma_start3A_115] : memref<2x10240x64xf32, #tpu.memory_space<hbm>> -> memref<1x10240x64xf32, #tpu.memory_space<hbm>>
          %dma_start3A_117 = tpu.memref_squeeze %dma_start3A_116 : memref<1x10240x64xf32, #tpu.memory_space<hbm>> -> memref<10240x64xf32, #tpu.memory_space<hbm>>
          %dma_start3A_118 = arith.constant 0 : i32
          %dma_start3A_119 = arith.constant 0 : i32
          %dma_start3A_120 = tpu.memref_slice %dma_start3A_117[%dma_start3A_118, %dma_start3A_119] : memref<10240x64xf32, #tpu.memory_space<hbm>> -> memref<10240x64xf32, #tpu.memory_space<hbm>>
          tpu.enqueue_indirect_dma source(%dma_start3A_120 : memref<10240x64xf32, #tpu.memory_space<hbm>>) target(%arg9 : memref<128x64xf32, #tpu.memory_space<vmem>>) offsets(%dma_start3A_113 : memref<128xi32, #tpu.memory_space<vmem>>) semaphore(%arg13 : memref<!tpu.dma_semaphore, #tpu.memory_space<semaphore_mem>>)
        } else {
        }
        %scan3A_108 = arith.constant 0 : i32
        scf.yield %scan3A_108 : i32
      }
      %scan3A_66 = arith.constant 79 : i32
      %barrier3A_67 = arith.constant 0 : index
      tpu.barrier barrier_id(%barrier3A_67)
      "tpu.region"() ({
        %run_scoped3A = tpu.sem_alloc : memref<!tpu.dma_semaphore, #tpu.memory_space<semaphore_mem>>
        %dma_start3A_68 = arith.constant 0 : i32
        %dma_start3A_69 = tpu.memref_slice %arg5[%mul3A_0, %dma_start3A_68] : memref<10240x128xf32, #tpu.memory_space<hbm>> -> memref<640x64xf32, #tpu.memory_space<hbm>>
        %dma_start3A_70 = arith.constant 0 : i32
        %dma_start3A_71 = tpu.memref_slice %arg11[%mul3A_0, %dma_start3A_70] : memref<10240x64xf32, #tpu.memory_space<vmem_shared>> -> memref<640x64xf32, #tpu.memory_space<vmem_shared>>
        tpu.enqueue_dma source(%dma_start3A_71 : memref<640x64xf32, #tpu.memory_space<vmem_shared>>) target(%dma_start3A_69 : memref<640x64xf32, #tpu.memory_space<hbm>>) target_semaphore(%run_scoped3A : memref<!tpu.dma_semaphore, #tpu.memory_space<semaphore_mem>>)
        %dma_wait3A = arith.constant 0 : i32
        %dma_wait3A_72 = tpu.memref_slice %arg5[%mul3A_0, %dma_wait3A] : memref<10240x128xf32, #tpu.memory_space<hbm>> -> memref<640x64xf32, #tpu.memory_space<hbm>>
        %dma_wait3A_73 = arith.constant 0 : i32
        %dma_wait3A_74 = tpu.memref_slice %arg11[%mul3A_0, %dma_wait3A_73] : memref<10240x64xf32, #tpu.memory_space<vmem_shared>> -> memref<640x64xf32, #tpu.memory_space<vmem_shared>>
        tpu.wait_dma2 semaphore(%run_scoped3A : memref<!tpu.dma_semaphore, #tpu.memory_space<semaphore_mem>>) src(%dma_wait3A_74 : memref<640x64xf32, #tpu.memory_space<vmem_shared>>) dst(%dma_wait3A_72 : memref<640x64xf32, #tpu.memory_space<hbm>>)
        tpu.yield
      }) : () -> ()
    } else {
    }
    %eq3A_21 = arith.constant 1 : i32
    %eq3A_22 = arith.cmpi eq, %arg0, %eq3A_21 : i32
    %convert_element_type3A_23 = arith.extui %eq3A_22 : i1 to i32
    %cond3A_24 = arith.constant 0 : i32
    %cond3A_25 = arith.cmpi ne, %convert_element_type3A_23, %cond3A_24 : i32
    scf.if %cond3A_25 {
      %add3A_26 = arith.constant 0 : i32
      %add3A_27 = arith.addi %mul3A_0, %add3A_26 : i32
      "tpu.region"() ({
        %run_scoped3A = tpu.sem_alloc : memref<!tpu.dma_semaphore, #tpu.memory_space<semaphore_mem>>
        %dma_start3A_68 = arith.constant 0 : i32
        %dma_start3A_69 = tpu.memref_slice %arg11[%add3A_27, %dma_start3A_68] : memref<10240x64xf32, #tpu.memory_space<vmem_shared>> -> memref<128x64xf32, #tpu.memory_space<vmem_shared>>
        %dma_start3A_70 = arith.constant 0 : i32
        %dma_start3A_71 = tpu.memref_slice %arg11[%add3A_27, %dma_start3A_70] : memref<10240x64xf32, #tpu.memory_space<vmem_shared>> -> memref<128x64xf32, #tpu.memory_space<vmem_shared>>
        tpu.enqueue_dma source(%arg10 : memref<128x64xf32, #tpu.memory_space<vmem>>) target(%dma_start3A_71 : memref<128x64xf32, #tpu.memory_space<vmem_shared>>) target_semaphore(%run_scoped3A : memref<!tpu.dma_semaphore, #tpu.memory_space<semaphore_mem>>)
        %dma_wait3A = arith.constant 0 : i32
        %dma_wait3A_72 = tpu.memref_slice %arg11[%add3A_27, %dma_wait3A] : memref<10240x64xf32, #tpu.memory_space<vmem_shared>> -> memref<128x64xf32, #tpu.memory_space<vmem_shared>>
        %dma_wait3A_73 = arith.constant 0 : i32
        %dma_wait3A_74 = tpu.memref_slice %arg11[%add3A_27, %dma_wait3A_73] : memref<10240x64xf32, #tpu.memory_space<vmem_shared>> -> memref<128x64xf32, #tpu.memory_space<vmem_shared>>
        tpu.wait_dma2 semaphore(%run_scoped3A : memref<!tpu.dma_semaphore, #tpu.memory_space<semaphore_mem>>) src(%arg10 : memref<128x64xf32, #tpu.memory_space<vmem>>) dst(%dma_wait3A_74 : memref<128x64xf32, #tpu.memory_space<vmem_shared>>)
        tpu.yield
      }) : () -> ()
      %add3A_28 = arith.constant 128 : i32
      %add3A_29 = arith.addi %mul3A_0, %add3A_28 : i32
      "tpu.region"() ({
        %run_scoped3A = tpu.sem_alloc : memref<!tpu.dma_semaphore, #tpu.memory_space<semaphore_mem>>
        %dma_start3A_68 = arith.constant 0 : i32
        %dma_start3A_69 = tpu.memref_slice %arg11[%add3A_29, %dma_start3A_68] : memref<10240x64xf32, #tpu.memory_space<vmem_shared>> -> memref<128x64xf32, #tpu.memory_space<vmem_shared>>
        %dma_start3A_70 = arith.constant 0 : i32
        %dma_start3A_71 = tpu.memref_slice %arg11[%add3A_29, %dma_start3A_70] : memref<10240x64xf32, #tpu.memory_space<vmem_shared>> -> memref<128x64xf32, #tpu.memory_space<vmem_shared>>
        tpu.enqueue_dma source(%arg10 : memref<128x64xf32, #tpu.memory_space<vmem>>) target(%dma_start3A_71 : memref<128x64xf32, #tpu.memory_space<vmem_shared>>) target_semaphore(%run_scoped3A : memref<!tpu.dma_semaphore, #tpu.memory_space<semaphore_mem>>)
        %dma_wait3A = arith.constant 0 : i32
        %dma_wait3A_72 = tpu.memref_slice %arg11[%add3A_29, %dma_wait3A] : memref<10240x64xf32, #tpu.memory_space<vmem_shared>> -> memref<128x64xf32, #tpu.memory_space<vmem_shared>>
        %dma_wait3A_73 = arith.constant 0 : i32
        %dma_wait3A_74 = tpu.memref_slice %arg11[%add3A_29, %dma_wait3A_73] : memref<10240x64xf32, #tpu.memory_space<vmem_shared>> -> memref<128x64xf32, #tpu.memory_space<vmem_shared>>
        tpu.wait_dma2 semaphore(%run_scoped3A : memref<!tpu.dma_semaphore, #tpu.memory_space<semaphore_mem>>) src(%arg10 : memref<128x64xf32, #tpu.memory_space<vmem>>) dst(%dma_wait3A_74 : memref<128x64xf32, #tpu.memory_space<vmem_shared>>)
        tpu.yield
      }) : () -> ()
      %add3A_30 = arith.constant 256 : i32
      %add3A_31 = arith.addi %mul3A_0, %add3A_30 : i32
      "tpu.region"() ({
        %run_scoped3A = tpu.sem_alloc : memref<!tpu.dma_semaphore, #tpu.memory_space<semaphore_mem>>
        %dma_start3A_68 = arith.constant 0 : i32
        %dma_start3A_69 = tpu.memref_slice %arg11[%add3A_31, %dma_start3A_68] : memref<10240x64xf32, #tpu.memory_space<vmem_shared>> -> memref<128x64xf32, #tpu.memory_space<vmem_shared>>
        %dma_start3A_70 = arith.constant 0 : i32
        %dma_start3A_71 = tpu.memref_slice %arg11[%add3A_31, %dma_start3A_70] : memref<10240x64xf32, #tpu.memory_space<vmem_shared>> -> memref<128x64xf32, #tpu.memory_space<vmem_shared>>
        tpu.enqueue_dma source(%arg10 : memref<128x64xf32, #tpu.memory_space<vmem>>) target(%dma_start3A_71 : memref<128x64xf32, #tpu.memory_space<vmem_shared>>) target_semaphore(%run_scoped3A : memref<!tpu.dma_semaphore, #tpu.memory_space<semaphore_mem>>)
        %dma_wait3A = arith.constant 0 : i32
        %dma_wait3A_72 = tpu.memref_slice %arg11[%add3A_31, %dma_wait3A] : memref<10240x64xf32, #tpu.memory_space<vmem_shared>> -> memref<128x64xf32, #tpu.memory_space<vmem_shared>>
        %dma_wait3A_73 = arith.constant 0 : i32
        %dma_wait3A_74 = tpu.memref_slice %arg11[%add3A_31, %dma_wait3A_73] : memref<10240x64xf32, #tpu.memory_space<vmem_shared>> -> memref<128x64xf32, #tpu.memory_space<vmem_shared>>
        tpu.wait_dma2 semaphore(%run_scoped3A : memref<!tpu.dma_semaphore, #tpu.memory_space<semaphore_mem>>) src(%arg10 : memref<128x64xf32, #tpu.memory_space<vmem>>) dst(%dma_wait3A_74 : memref<128x64xf32, #tpu.memory_space<vmem_shared>>)
        tpu.yield
      }) : () -> ()
      %add3A_32 = arith.constant 384 : i32
      %add3A_33 = arith.addi %mul3A_0, %add3A_32 : i32
      "tpu.region"() ({
        %run_scoped3A = tpu.sem_alloc : memref<!tpu.dma_semaphore, #tpu.memory_space<semaphore_mem>>
        %dma_start3A_68 = arith.constant 0 : i32
        %dma_start3A_69 = tpu.memref_slice %arg11[%add3A_33, %dma_start3A_68] : memref<10240x64xf32, #tpu.memory_space<vmem_shared>> -> memref<128x64xf32, #tpu.memory_space<vmem_shared>>
        %dma_start3A_70 = arith.constant 0 : i32
        %dma_start3A_71 = tpu.memref_slice %arg11[%add3A_33, %dma_start3A_70] : memref<10240x64xf32, #tpu.memory_space<vmem_shared>> -> memref<128x64xf32, #tpu.memory_space<vmem_shared>>
        tpu.enqueue_dma source(%arg10 : memref<128x64xf32, #tpu.memory_space<vmem>>) target(%dma_start3A_71 : memref<128x64xf32, #tpu.memory_space<vmem_shared>>) target_semaphore(%run_scoped3A : memref<!tpu.dma_semaphore, #tpu.memory_space<semaphore_mem>>)
        %dma_wait3A = arith.constant 0 : i32
        %dma_wait3A_72 = tpu.memref_slice %arg11[%add3A_33, %dma_wait3A] : memref<10240x64xf32, #tpu.memory_space<vmem_shared>> -> memref<128x64xf32, #tpu.memory_space<vmem_shared>>
        %dma_wait3A_73 = arith.constant 0 : i32
        %dma_wait3A_74 = tpu.memref_slice %arg11[%add3A_33, %dma_wait3A_73] : memref<10240x64xf32, #tpu.memory_space<vmem_shared>> -> memref<128x64xf32, #tpu.memory_space<vmem_shared>>
        tpu.wait_dma2 semaphore(%run_scoped3A : memref<!tpu.dma_semaphore, #tpu.memory_space<semaphore_mem>>) src(%arg10 : memref<128x64xf32, #tpu.memory_space<vmem>>) dst(%dma_wait3A_74 : memref<128x64xf32, #tpu.memory_space<vmem_shared>>)
        tpu.yield
      }) : () -> ()
      %add3A_34 = arith.constant 512 : i32
      %add3A_35 = arith.addi %mul3A_0, %add3A_34 : i32
      "tpu.region"() ({
        %run_scoped3A = tpu.sem_alloc : memref<!tpu.dma_semaphore, #tpu.memory_space<semaphore_mem>>
        %dma_start3A_68 = arith.constant 0 : i32
        %dma_start3A_69 = tpu.memref_slice %arg11[%add3A_35, %dma_start3A_68] : memref<10240x64xf32, #tpu.memory_space<vmem_shared>> -> memref<128x64xf32, #tpu.memory_space<vmem_shared>>
        %dma_start3A_70 = arith.constant 0 : i32
        %dma_start3A_71 = tpu.memref_slice %arg11[%add3A_35, %dma_start3A_70] : memref<10240x64xf32, #tpu.memory_space<vmem_shared>> -> memref<128x64xf32, #tpu.memory_space<vmem_shared>>
        tpu.enqueue_dma source(%arg10 : memref<128x64xf32, #tpu.memory_space<vmem>>) target(%dma_start3A_71 : memref<128x64xf32, #tpu.memory_space<vmem_shared>>) target_semaphore(%run_scoped3A : memref<!tpu.dma_semaphore, #tpu.memory_space<semaphore_mem>>)
        %dma_wait3A = arith.constant 0 : i32
        %dma_wait3A_72 = tpu.memref_slice %arg11[%add3A_35, %dma_wait3A] : memref<10240x64xf32, #tpu.memory_space<vmem_shared>> -> memref<128x64xf32, #tpu.memory_space<vmem_shared>>
        %dma_wait3A_73 = arith.constant 0 : i32
        %dma_wait3A_74 = tpu.memref_slice %arg11[%add3A_35, %dma_wait3A_73] : memref<10240x64xf32, #tpu.memory_space<vmem_shared>> -> memref<128x64xf32, #tpu.memory_space<vmem_shared>>
        tpu.wait_dma2 semaphore(%run_scoped3A : memref<!tpu.dma_semaphore, #tpu.memory_space<semaphore_mem>>) src(%arg10 : memref<128x64xf32, #tpu.memory_space<vmem>>) dst(%dma_wait3A_74 : memref<128x64xf32, #tpu.memory_space<vmem_shared>>)
        tpu.yield
      }) : () -> ()
      %barrier3A = arith.constant 0 : index
      tpu.barrier barrier_id(%barrier3A)
      %dma_start3A = arith.constant 1 : i32
      %dma_start3A_36 = arith.constant 0 : i32
      %dma_start3A_37 = arith.constant 0 : i32
      %dma_start3A_38 = tpu.memref_slice %arg6[%dma_start3A_36, %dma_start3A_37] : memref<158x128xi32, #tpu.memory_space<vmem>> -> memref<1x128xi32, #tpu.memory_space<vmem>>
      %dma_start3A_39 = tpu.memref_squeeze %dma_start3A_38 : memref<1x128xi32, #tpu.memory_space<vmem>> -> memref<128xi32, #tpu.memory_space<vmem>>
      %dma_start3A_40 = arith.constant 0 : i32
      %dma_start3A_41 = arith.constant 0 : i32
      %dma_start3A_42 = tpu.memref_slice %arg4[%dma_start3A, %dma_start3A_40, %dma_start3A_41] : memref<2x10240x64xf32, #tpu.memory_space<hbm>> -> memref<1x10240x64xf32, #tpu.memory_space<hbm>>
      %dma_start3A_43 = tpu.memref_squeeze %dma_start3A_42 : memref<1x10240x64xf32, #tpu.memory_space<hbm>> -> memref<10240x64xf32, #tpu.memory_space<hbm>>
      %dma_start3A_44 = arith.constant 0 : i32
      %dma_start3A_45 = arith.constant 0 : i32
      %dma_start3A_46 = tpu.memref_slice %dma_start3A_43[%dma_start3A_44, %dma_start3A_45] : memref<10240x64xf32, #tpu.memory_space<hbm>> -> memref<10240x64xf32, #tpu.memory_space<hbm>>
      tpu.enqueue_indirect_dma source(%dma_start3A_46 : memref<10240x64xf32, #tpu.memory_space<hbm>>) target(%arg8 : memref<128x64xf32, #tpu.memory_space<vmem>>) offsets(%dma_start3A_39 : memref<128xi32, #tpu.memory_space<vmem>>) semaphore(%arg12 : memref<!tpu.dma_semaphore, #tpu.memory_space<semaphore_mem>>)
      %dma_start3A_47 = arith.constant 1 : i32
      %dma_start3A_48 = arith.constant 1 : i32
      %dma_start3A_49 = arith.constant 0 : i32
      %dma_start3A_50 = tpu.memref_slice %arg6[%dma_start3A_48, %dma_start3A_49] : memref<158x128xi32, #tpu.memory_space<vmem>> -> memref<1x128xi32, #tpu.memory_space<vmem>>
      %dma_start3A_51 = tpu.memref_squeeze %dma_start3A_50 : memref<1x128xi32, #tpu.memory_space<vmem>> -> memref<128xi32, #tpu.memory_space<vmem>>
      %dma_start3A_52 = arith.constant 0 : i32
      %dma_start3A_53 = arith.constant 0 : i32
      %dma_start3A_54 = tpu.memref_slice %arg4[%dma_start3A_47, %dma_start3A_52, %dma_start3A_53] : memref<2x10240x64xf32, #tpu.memory_space<hbm>> -> memref<1x10240x64xf32, #tpu.memory_space<hbm>>
      %dma_start3A_55 = tpu.memref_squeeze %dma_start3A_54 : memref<1x10240x64xf32, #tpu.memory_space<hbm>> -> memref<10240x64xf32, #tpu.memory_space<hbm>>
      %dma_start3A_56 = arith.constant 0 : i32
      %dma_start3A_57 = arith.constant 0 : i32
      %dma_start3A_58 = tpu.memref_slice %dma_start3A_55[%dma_start3A_56, %dma_start3A_57] : memref<10240x64xf32, #tpu.memory_space<hbm>> -> memref<10240x64xf32, #tpu.memory_space<hbm>>
      tpu.enqueue_indirect_dma source(%dma_start3A_58 : memref<10240x64xf32, #tpu.memory_space<hbm>>) target(%arg9 : memref<128x64xf32, #tpu.memory_space<vmem>>) offsets(%dma_start3A_51 : memref<128xi32, #tpu.memory_space<vmem>>) semaphore(%arg13 : memref<!tpu.dma_semaphore, #tpu.memory_space<semaphore_mem>>)
      %scan3A_59 = arith.constant 1 : i32
      %scan3A_60 = arith.constant 0 : i32
      %scan3A_61 = arith.constant 0 : i32
      %scan3A_62 = arith.constant 79 : i32
      %scan3A_63 = arith.addi %scan3A_61, %scan3A_62 : i32
      %scan3A_64 = arith.constant 1 : i32
      %scan3A_65 = scf.for %scan3A_68 = %scan3A_61 to %scan3A_63 step %scan3A_64 iter_args(%scan3A_69 = %scan3A_60) -> (i32)  : i32 {
        %mul3A_70 = arith.constant 2 : i32
        %mul3A_71 = arith.muli %mul3A_70, %scan3A_68 : i32
        %dma_wait3A = arith.constant 0 : i32
        %dma_wait3A_72 = arith.constant 0 : i32
        %dma_wait3A_73 = tpu.memref_slice %arg6[%dma_wait3A, %dma_wait3A_72] : memref<158x128xi32, #tpu.memory_space<vmem>> -> memref<1x128xi32, #tpu.memory_space<vmem>>
        %dma_wait3A_74 = tpu.memref_squeeze %dma_wait3A_73 : memref<1x128xi32, #tpu.memory_space<vmem>> -> memref<128xi32, #tpu.memory_space<vmem>>
        %dma_wait3A_75 = arith.constant 0 : i32
        %dma_wait3A_76 = arith.constant 0 : i32
        %dma_wait3A_77 = tpu.memref_slice %arg4[%scan3A_59, %dma_wait3A_75, %dma_wait3A_76] : memref<2x10240x64xf32, #tpu.memory_space<hbm>> -> memref<1x10240x64xf32, #tpu.memory_space<hbm>>
        %dma_wait3A_78 = tpu.memref_squeeze %dma_wait3A_77 : memref<1x10240x64xf32, #tpu.memory_space<hbm>> -> memref<10240x64xf32, #tpu.memory_space<hbm>>
        %dma_wait3A_79 = arith.constant 0 : i32
        %dma_wait3A_80 = arith.constant 0 : i32
        %dma_wait3A_81 = tpu.memref_slice %dma_wait3A_78[%dma_wait3A_79, %dma_wait3A_80] : memref<10240x64xf32, #tpu.memory_space<hbm>> -> memref<10240x64xf32, #tpu.memory_space<hbm>>
        tpu.wait_indirect_dma semaphore(%arg12 : memref<!tpu.dma_semaphore, #tpu.memory_space<semaphore_mem>>) src(%dma_wait3A_81 : memref<10240x64xf32, #tpu.memory_space<hbm>>) dst(%arg8 : memref<128x64xf32, #tpu.memory_space<vmem>>)
        "tpu.region"() ({
          %run_scoped3A = tpu.sem_alloc : memref<!tpu.dma_semaphore, #tpu.memory_space<semaphore_mem>>
          %dma_start3A_109 = arith.constant 0 : i32
          %dma_start3A_110 = tpu.memref_slice %arg7[%mul3A_71, %dma_start3A_109] : memref<158x128xi32, #tpu.memory_space<vmem>> -> memref<1x128xi32, #tpu.memory_space<vmem>>
          %dma_start3A_111 = tpu.memref_squeeze %dma_start3A_110 : memref<1x128xi32, #tpu.memory_space<vmem>> -> memref<128xi32, #tpu.memory_space<vmem>>
          %dma_start3A_112 = arith.constant 0 : i32
          %dma_start3A_113 = arith.constant 0 : i32
          %dma_start3A_114 = tpu.memref_slice %arg11[%dma_start3A_112, %dma_start3A_113] : memref<10240x64xf32, #tpu.memory_space<vmem_shared>> -> memref<10240x64xf32, #tpu.memory_space<vmem_shared>>
          tpu.enqueue_indirect_dma source(%arg8 : memref<128x64xf32, #tpu.memory_space<vmem>>) target(%dma_start3A_114 : memref<10240x64xf32, #tpu.memory_space<vmem_shared>>) offsets(%dma_start3A_111 : memref<128xi32, #tpu.memory_space<vmem>>) semaphore(%run_scoped3A : memref<!tpu.dma_semaphore, #tpu.memory_space<semaphore_mem>>) {add = true}
          %dma_wait3A_115 = arith.constant 0 : i32
          %dma_wait3A_116 = tpu.memref_slice %arg7[%mul3A_71, %dma_wait3A_115] : memref<158x128xi32, #tpu.memory_space<vmem>> -> memref<1x128xi32, #tpu.memory_space<vmem>>
          %dma_wait3A_117 = tpu.memref_squeeze %dma_wait3A_116 : memref<1x128xi32, #tpu.memory_space<vmem>> -> memref<128xi32, #tpu.memory_space<vmem>>
          %dma_wait3A_118 = arith.constant 0 : i32
          %dma_wait3A_119 = arith.constant 0 : i32
          %dma_wait3A_120 = tpu.memref_slice %arg11[%dma_wait3A_118, %dma_wait3A_119] : memref<10240x64xf32, #tpu.memory_space<vmem_shared>> -> memref<10240x64xf32, #tpu.memory_space<vmem_shared>>
          tpu.wait_indirect_dma semaphore(%run_scoped3A : memref<!tpu.dma_semaphore, #tpu.memory_space<semaphore_mem>>) src(%arg8 : memref<128x64xf32, #tpu.memory_space<vmem>>) dst(%dma_wait3A_120 : memref<10240x64xf32, #tpu.memory_space<vmem_shared>>)
          tpu.yield
        }) : () -> ()
        %add3A_82 = arith.constant 2 : i32
        %add3A_83 = arith.addi %mul3A_71, %add3A_82 : i32
        %lt3A = arith.constant 158 : i32
        %lt3A_84 = arith.cmpi slt, %add3A_83, %lt3A : i32
        %convert_element_type3A_85 = arith.extui %lt3A_84 : i1 to i32
        %cond3A_86 = arith.constant 0 : i32
        %cond3A_87 = arith.cmpi ne, %convert_element_type3A_85, %cond3A_86 : i32
        scf.if %cond3A_87 {
          %add3A_109 = arith.constant 2 : i32
          %add3A_110 = arith.addi %mul3A_71, %add3A_109 : i32
          %dma_start3A_111 = arith.constant 0 : i32
          %dma_start3A_112 = tpu.memref_slice %arg6[%add3A_110, %dma_start3A_111] : memref<158x128xi32, #tpu.memory_space<vmem>> -> memref<1x128xi32, #tpu.memory_space<vmem>>
          %dma_start3A_113 = tpu.memref_squeeze %dma_start3A_112 : memref<1x128xi32, #tpu.memory_space<vmem>> -> memref<128xi32, #tpu.memory_space<vmem>>
          %dma_start3A_114 = arith.constant 0 : i32
          %dma_start3A_115 = arith.constant 0 : i32
          %dma_start3A_116 = tpu.memref_slice %arg4[%scan3A_59, %dma_start3A_114, %dma_start3A_115] : memref<2x10240x64xf32, #tpu.memory_space<hbm>> -> memref<1x10240x64xf32, #tpu.memory_space<hbm>>
          %dma_start3A_117 = tpu.memref_squeeze %dma_start3A_116 : memref<1x10240x64xf32, #tpu.memory_space<hbm>> -> memref<10240x64xf32, #tpu.memory_space<hbm>>
          %dma_start3A_118 = arith.constant 0 : i32
          %dma_start3A_119 = arith.constant 0 : i32
          %dma_start3A_120 = tpu.memref_slice %dma_start3A_117[%dma_start3A_118, %dma_start3A_119] : memref<10240x64xf32, #tpu.memory_space<hbm>> -> memref<10240x64xf32, #tpu.memory_space<hbm>>
          tpu.enqueue_indirect_dma source(%dma_start3A_120 : memref<10240x64xf32, #tpu.memory_space<hbm>>) target(%arg8 : memref<128x64xf32, #tpu.memory_space<vmem>>) offsets(%dma_start3A_113 : memref<128xi32, #tpu.memory_space<vmem>>) semaphore(%arg12 : memref<!tpu.dma_semaphore, #tpu.memory_space<semaphore_mem>>)
        } else {
        }
        %dma_wait3A_88 = arith.constant 1 : i32
        %dma_wait3A_89 = arith.constant 0 : i32
        %dma_wait3A_90 = tpu.memref_slice %arg6[%dma_wait3A_88, %dma_wait3A_89] : memref<158x128xi32, #tpu.memory_space<vmem>> -> memref<1x128xi32, #tpu.memory_space<vmem>>
        %dma_wait3A_91 = tpu.memref_squeeze %dma_wait3A_90 : memref<1x128xi32, #tpu.memory_space<vmem>> -> memref<128xi32, #tpu.memory_space<vmem>>
        %dma_wait3A_92 = arith.constant 0 : i32
        %dma_wait3A_93 = arith.constant 0 : i32
        %dma_wait3A_94 = tpu.memref_slice %arg4[%scan3A_59, %dma_wait3A_92, %dma_wait3A_93] : memref<2x10240x64xf32, #tpu.memory_space<hbm>> -> memref<1x10240x64xf32, #tpu.memory_space<hbm>>
        %dma_wait3A_95 = tpu.memref_squeeze %dma_wait3A_94 : memref<1x10240x64xf32, #tpu.memory_space<hbm>> -> memref<10240x64xf32, #tpu.memory_space<hbm>>
        %dma_wait3A_96 = arith.constant 0 : i32
        %dma_wait3A_97 = arith.constant 0 : i32
        %dma_wait3A_98 = tpu.memref_slice %dma_wait3A_95[%dma_wait3A_96, %dma_wait3A_97] : memref<10240x64xf32, #tpu.memory_space<hbm>> -> memref<10240x64xf32, #tpu.memory_space<hbm>>
        tpu.wait_indirect_dma semaphore(%arg13 : memref<!tpu.dma_semaphore, #tpu.memory_space<semaphore_mem>>) src(%dma_wait3A_98 : memref<10240x64xf32, #tpu.memory_space<hbm>>) dst(%arg9 : memref<128x64xf32, #tpu.memory_space<vmem>>)
        %add3A_99 = arith.constant 1 : i32
        %add3A_100 = arith.addi %mul3A_71, %add3A_99 : i32
        "tpu.region"() ({
          %run_scoped3A = tpu.sem_alloc : memref<!tpu.dma_semaphore, #tpu.memory_space<semaphore_mem>>
          %dma_start3A_109 = arith.constant 0 : i32
          %dma_start3A_110 = tpu.memref_slice %arg7[%add3A_100, %dma_start3A_109] : memref<158x128xi32, #tpu.memory_space<vmem>> -> memref<1x128xi32, #tpu.memory_space<vmem>>
          %dma_start3A_111 = tpu.memref_squeeze %dma_start3A_110 : memref<1x128xi32, #tpu.memory_space<vmem>> -> memref<128xi32, #tpu.memory_space<vmem>>
          %dma_start3A_112 = arith.constant 0 : i32
          %dma_start3A_113 = arith.constant 0 : i32
          %dma_start3A_114 = tpu.memref_slice %arg11[%dma_start3A_112, %dma_start3A_113] : memref<10240x64xf32, #tpu.memory_space<vmem_shared>> -> memref<10240x64xf32, #tpu.memory_space<vmem_shared>>
          tpu.enqueue_indirect_dma source(%arg9 : memref<128x64xf32, #tpu.memory_space<vmem>>) target(%dma_start3A_114 : memref<10240x64xf32, #tpu.memory_space<vmem_shared>>) offsets(%dma_start3A_111 : memref<128xi32, #tpu.memory_space<vmem>>) semaphore(%run_scoped3A : memref<!tpu.dma_semaphore, #tpu.memory_space<semaphore_mem>>) {add = true}
          %dma_wait3A_115 = arith.constant 0 : i32
          %dma_wait3A_116 = tpu.memref_slice %arg7[%add3A_100, %dma_wait3A_115] : memref<158x128xi32, #tpu.memory_space<vmem>> -> memref<1x128xi32, #tpu.memory_space<vmem>>
          %dma_wait3A_117 = tpu.memref_squeeze %dma_wait3A_116 : memref<1x128xi32, #tpu.memory_space<vmem>> -> memref<128xi32, #tpu.memory_space<vmem>>
          %dma_wait3A_118 = arith.constant 0 : i32
          %dma_wait3A_119 = arith.constant 0 : i32
          %dma_wait3A_120 = tpu.memref_slice %arg11[%dma_wait3A_118, %dma_wait3A_119] : memref<10240x64xf32, #tpu.memory_space<vmem_shared>> -> memref<10240x64xf32, #tpu.memory_space<vmem_shared>>
          tpu.wait_indirect_dma semaphore(%run_scoped3A : memref<!tpu.dma_semaphore, #tpu.memory_space<semaphore_mem>>) src(%arg9 : memref<128x64xf32, #tpu.memory_space<vmem>>) dst(%dma_wait3A_120 : memref<10240x64xf32, #tpu.memory_space<vmem_shared>>)
          tpu.yield
        }) : () -> ()
        %add3A_101 = arith.constant 3 : i32
        %add3A_102 = arith.addi %mul3A_71, %add3A_101 : i32
        %lt3A_103 = arith.constant 158 : i32
        %lt3A_104 = arith.cmpi slt, %add3A_102, %lt3A_103 : i32
        %convert_element_type3A_105 = arith.extui %lt3A_104 : i1 to i32
        %cond3A_106 = arith.constant 0 : i32
        %cond3A_107 = arith.cmpi ne, %convert_element_type3A_105, %cond3A_106 : i32
        scf.if %cond3A_107 {
          %add3A_109 = arith.constant 3 : i32
          %add3A_110 = arith.addi %mul3A_71, %add3A_109 : i32
          %dma_start3A_111 = arith.constant 0 : i32
          %dma_start3A_112 = tpu.memref_slice %arg6[%add3A_110, %dma_start3A_111] : memref<158x128xi32, #tpu.memory_space<vmem>> -> memref<1x128xi32, #tpu.memory_space<vmem>>
          %dma_start3A_113 = tpu.memref_squeeze %dma_start3A_112 : memref<1x128xi32, #tpu.memory_space<vmem>> -> memref<128xi32, #tpu.memory_space<vmem>>
          %dma_start3A_114 = arith.constant 0 : i32
          %dma_start3A_115 = arith.constant 0 : i32
          %dma_start3A_116 = tpu.memref_slice %arg4[%scan3A_59, %dma_start3A_114, %dma_start3A_115] : memref<2x10240x64xf32, #tpu.memory_space<hbm>> -> memref<1x10240x64xf32, #tpu.memory_space<hbm>>
          %dma_start3A_117 = tpu.memref_squeeze %dma_start3A_116 : memref<1x10240x64xf32, #tpu.memory_space<hbm>> -> memref<10240x64xf32, #tpu.memory_space<hbm>>
          %dma_start3A_118 = arith.constant 0 : i32
          %dma_start3A_119 = arith.constant 0 : i32
          %dma_start3A_120 = tpu.memref_slice %dma_start3A_117[%dma_start3A_118, %dma_start3A_119] : memref<10240x64xf32, #tpu.memory_space<hbm>> -> memref<10240x64xf32, #tpu.memory_space<hbm>>
          tpu.enqueue_indirect_dma source(%dma_start3A_120 : memref<10240x64xf32, #tpu.memory_space<hbm>>) target(%arg9 : memref<128x64xf32, #tpu.memory_space<vmem>>) offsets(%dma_start3A_113 : memref<128xi32, #tpu.memory_space<vmem>>) semaphore(%arg13 : memref<!tpu.dma_semaphore, #tpu.memory_space<semaphore_mem>>)
        } else {
        }
        %scan3A_108 = arith.constant 0 : i32
        scf.yield %scan3A_108 : i32
      }
      %scan3A_66 = arith.constant 79 : i32
      %barrier3A_67 = arith.constant 0 : index
      tpu.barrier barrier_id(%barrier3A_67)
      "tpu.region"() ({
        %run_scoped3A = tpu.sem_alloc : memref<!tpu.dma_semaphore, #tpu.memory_space<semaphore_mem>>
        %dma_start3A_68 = arith.constant 64 : i32
        %dma_start3A_69 = tpu.memref_slice %arg5[%mul3A_0, %dma_start3A_68] : memref<10240x128xf32, #tpu.memory_space<hbm>> -> memref<640x64xf32, #tpu.memory_space<hbm>>
        %dma_start3A_70 = arith.constant 0 : i32
        %dma_start3A_71 = tpu.memref_slice %arg11[%mul3A_0, %dma_start3A_70] : memref<10240x64xf32, #tpu.memory_space<vmem_shared>> -> memref<640x64xf32, #tpu.memory_space<vmem_shared>>
        tpu.enqueue_dma source(%dma_start3A_71 : memref<640x64xf32, #tpu.memory_space<vmem_shared>>) target(%dma_start3A_69 : memref<640x64xf32, #tpu.memory_space<hbm>>) target_semaphore(%run_scoped3A : memref<!tpu.dma_semaphore, #tpu.memory_space<semaphore_mem>>)
        %dma_wait3A = arith.constant 64 : i32
        %dma_wait3A_72 = tpu.memref_slice %arg5[%mul3A_0, %dma_wait3A] : memref<10240x128xf32, #tpu.memory_space<hbm>> -> memref<640x64xf32, #tpu.memory_space<hbm>>
        %dma_wait3A_73 = arith.constant 0 : i32
        %dma_wait3A_74 = tpu.memref_slice %arg11[%mul3A_0, %dma_wait3A_73] : memref<10240x64xf32, #tpu.memory_space<vmem_shared>> -> memref<640x64xf32, #tpu.memory_space<vmem_shared>>
        tpu.wait_dma2 semaphore(%run_scoped3A : memref<!tpu.dma_semaphore, #tpu.memory_space<semaphore_mem>>) src(%dma_wait3A_74 : memref<640x64xf32, #tpu.memory_space<vmem_shared>>) dst(%dma_wait3A_72 : memref<640x64xf32, #tpu.memory_space<hbm>>)
        tpu.yield
      }) : () -> ()
    } else {
    }
    return
  }
}

#map = affine_map<(d0, d1) -> (0, 0, 0)>
#map1 = affine_map<(d0, d1) -> (0, 0)>
module attributes {stable_mosaic.version = 14 : i64} {
  func.func @k(%arg0: i32, %arg1: i32, %arg2: memref<32x79x128xi32, #tpu.memory_space<hbm>>, %arg3: memref<32x79x128xi32, #tpu.memory_space<hbm>>, %arg4: memref<4x10240x64xf32, #tpu.memory_space<hbm>>, %arg5: memref<10240x256xf32, #tpu.memory_space<hbm>>, %arg6: memref<158x128xi32, #tpu.memory_space<vmem>>, %arg7: memref<158x128xi32, #tpu.memory_space<vmem>>, %arg8: memref<128x64xf32, #tpu.memory_space<vmem>>, %arg9: memref<128x64xf32, #tpu.memory_space<vmem>>, %arg10: memref<128x64xf32, #tpu.memory_space<vmem>>, %arg11: memref<10240x64xf32, #tpu.memory_space<vmem_shared>>, %arg12: memref<!tpu.dma_semaphore, #tpu.memory_space<semaphore_mem>>, %arg13: memref<!tpu.dma_semaphore, #tpu.memory_space<semaphore_mem>>) attributes {dimension_semantics = [#tpu.dimension_semantics<core_parallel>, #tpu.dimension_semantics<subcore_parallel>], iteration_bounds = array<i64: 2, 16>, scalar_prefetch = 0 : i64, scratch_operands = 8 : i64, tpu.core_type = #tpu.core_type<sc_vector_subcore>, window_params = [{transform_indices = #map}, {transform_indices = #map}, {transform_indices = #map}, {transform_indices = #map1}]} {
    %mul3A = arith.constant 640 : i32
    %mul3A_0 = arith.muli %arg1, %mul3A : i32
    %mul3A_1 = arith.constant 2 : i32
    %mul3A_2 = arith.muli %mul3A_1, %arg1 : i32
    "tpu.region"() ({
      %run_scoped3A = tpu.sem_alloc : memref<!tpu.dma_semaphore, #tpu.memory_space<semaphore_mem>>
      %dma_start3A = arith.constant 0 : i32
      %dma_start3A_26 = arith.constant 0 : i32
      %dma_start3A_27 = tpu.memref_slice %arg6[%dma_start3A, %dma_start3A_26] : memref<158x128xi32, #tpu.memory_space<vmem>> -> memref<79x128xi32, #tpu.memory_space<vmem>>
      %dma_start3A_28 = arith.constant 0 : i32
      %dma_start3A_29 = arith.constant 0 : i32
      %dma_start3A_30 = tpu.memref_slice %arg2[%mul3A_2, %dma_start3A_28, %dma_start3A_29] : memref<32x79x128xi32, #tpu.memory_space<hbm>> -> memref<1x79x128xi32, #tpu.memory_space<hbm>>
      %dma_start3A_31 = tpu.memref_squeeze %dma_start3A_30 : memref<1x79x128xi32, #tpu.memory_space<hbm>> -> memref<79x128xi32, #tpu.memory_space<hbm>>
      %dma_start3A_32 = arith.constant 0 : i32
      %dma_start3A_33 = arith.constant 0 : i32
      %dma_start3A_34 = tpu.memref_slice %arg6[%dma_start3A_32, %dma_start3A_33] : memref<158x128xi32, #tpu.memory_space<vmem>> -> memref<79x128xi32, #tpu.memory_space<vmem>>
      %dma_start3A_35 = arith.constant 0 : i32
      %dma_start3A_36 = arith.constant 0 : i32
      %dma_start3A_37 = tpu.memref_slice %arg2[%mul3A_2, %dma_start3A_35, %dma_start3A_36] : memref<32x79x128xi32, #tpu.memory_space<hbm>> -> memref<1x79x128xi32, #tpu.memory_space<hbm>>
      %dma_start3A_38 = tpu.memref_squeeze %dma_start3A_37 : memref<1x79x128xi32, #tpu.memory_space<hbm>> -> memref<79x128xi32, #tpu.memory_space<hbm>>
      tpu.enqueue_dma source(%dma_start3A_38 : memref<79x128xi32, #tpu.memory_space<hbm>>) target(%dma_start3A_34 : memref<79x128xi32, #tpu.memory_space<vmem>>) target_semaphore(%run_scoped3A : memref<!tpu.dma_semaphore, #tpu.memory_space<semaphore_mem>>)
      %dma_wait3A = arith.constant 0 : i32
      %dma_wait3A_39 = arith.constant 0 : i32
      %dma_wait3A_40 = tpu.memref_slice %arg6[%dma_wait3A, %dma_wait3A_39] : memref<158x128xi32, #tpu.memory_space<vmem>> -> memref<79x128xi32, #tpu.memory_space<vmem>>
      %dma_wait3A_41 = arith.constant 0 : i32
      %dma_wait3A_42 = arith.constant 0 : i32
      %dma_wait3A_43 = tpu.memref_slice %arg2[%mul3A_2, %dma_wait3A_41, %dma_wait3A_42] : memref<32x79x128xi32, #tpu.memory_space<hbm>> -> memref<1x79x128xi32, #tpu.memory_space<hbm>>
      %dma_wait3A_44 = tpu.memref_squeeze %dma_wait3A_43 : memref<1x79x128xi32, #tpu.memory_space<hbm>> -> memref<79x128xi32, #tpu.memory_space<hbm>>
      %dma_wait3A_45 = arith.constant 0 : i32
      %dma_wait3A_46 = arith.constant 0 : i32
      %dma_wait3A_47 = tpu.memref_slice %arg6[%dma_wait3A_45, %dma_wait3A_46] : memref<158x128xi32, #tpu.memory_space<vmem>> -> memref<79x128xi32, #tpu.memory_space<vmem>>
      %dma_wait3A_48 = arith.constant 0 : i32
      %dma_wait3A_49 = arith.constant 0 : i32
      %dma_wait3A_50 = tpu.memref_slice %arg2[%mul3A_2, %dma_wait3A_48, %dma_wait3A_49] : memref<32x79x128xi32, #tpu.memory_space<hbm>> -> memref<1x79x128xi32, #tpu.memory_space<hbm>>
      %dma_wait3A_51 = tpu.memref_squeeze %dma_wait3A_50 : memref<1x79x128xi32, #tpu.memory_space<hbm>> -> memref<79x128xi32, #tpu.memory_space<hbm>>
      tpu.wait_dma2 semaphore(%run_scoped3A : memref<!tpu.dma_semaphore, #tpu.memory_space<semaphore_mem>>) src(%dma_wait3A_51 : memref<79x128xi32, #tpu.memory_space<hbm>>) dst(%dma_wait3A_47 : memref<79x128xi32, #tpu.memory_space<vmem>>)
      tpu.yield
    }) : () -> ()
    %mul3A_3 = arith.constant 2 : i32
    %mul3A_4 = arith.muli %mul3A_3, %arg1 : i32
    %add3A = arith.constant 1 : i32
    %add3A_5 = arith.addi %mul3A_4, %add3A : i32
    "tpu.region"() ({
      %run_scoped3A = tpu.sem_alloc : memref<!tpu.dma_semaphore, #tpu.memory_space<semaphore_mem>>
      %dma_start3A = arith.constant 79 : i32
      %dma_start3A_26 = arith.constant 0 : i32
      %dma_start3A_27 = tpu.memref_slice %arg6[%dma_start3A, %dma_start3A_26] : memref<158x128xi32, #tpu.memory_space<vmem>> -> memref<79x128xi32, #tpu.memory_space<vmem>>
      %dma_start3A_28 = arith.constant 0 : i32
      %dma_start3A_29 = arith.constant 0 : i32
      %dma_start3A_30 = tpu.memref_slice %arg2[%add3A_5, %dma_start3A_28, %dma_start3A_29] : memref<32x79x128xi32, #tpu.memory_space<hbm>> -> memref<1x79x128xi32, #tpu.memory_space<hbm>>
      %dma_start3A_31 = tpu.memref_squeeze %dma_start3A_30 : memref<1x79x128xi32, #tpu.memory_space<hbm>> -> memref<79x128xi32, #tpu.memory_space<hbm>>
      %dma_start3A_32 = arith.constant 79 : i32
      %dma_start3A_33 = arith.constant 0 : i32
      %dma_start3A_34 = tpu.memref_slice %arg6[%dma_start3A_32, %dma_start3A_33] : memref<158x128xi32, #tpu.memory_space<vmem>> -> memref<79x128xi32, #tpu.memory_space<vmem>>
      %dma_start3A_35 = arith.constant 0 : i32
      %dma_start3A_36 = arith.constant 0 : i32
      %dma_start3A_37 = tpu.memref_slice %arg2[%add3A_5, %dma_start3A_35, %dma_start3A_36] : memref<32x79x128xi32, #tpu.memory_space<hbm>> -> memref<1x79x128xi32, #tpu.memory_space<hbm>>
      %dma_start3A_38 = tpu.memref_squeeze %dma_start3A_37 : memref<1x79x128xi32, #tpu.memory_space<hbm>> -> memref<79x128xi32, #tpu.memory_space<hbm>>
      tpu.enqueue_dma source(%dma_start3A_38 : memref<79x128xi32, #tpu.memory_space<hbm>>) target(%dma_start3A_34 : memref<79x128xi32, #tpu.memory_space<vmem>>) target_semaphore(%run_scoped3A : memref<!tpu.dma_semaphore, #tpu.memory_space<semaphore_mem>>)
      %dma_wait3A = arith.constant 79 : i32
      %dma_wait3A_39 = arith.constant 0 : i32
      %dma_wait3A_40 = tpu.memref_slice %arg6[%dma_wait3A, %dma_wait3A_39] : memref<158x128xi32, #tpu.memory_space<vmem>> -> memref<79x128xi32, #tpu.memory_space<vmem>>
      %dma_wait3A_41 = arith.constant 0 : i32
      %dma_wait3A_42 = arith.constant 0 : i32
      %dma_wait3A_43 = tpu.memref_slice %arg2[%add3A_5, %dma_wait3A_41, %dma_wait3A_42] : memref<32x79x128xi32, #tpu.memory_space<hbm>> -> memref<1x79x128xi32, #tpu.memory_space<hbm>>
      %dma_wait3A_44 = tpu.memref_squeeze %dma_wait3A_43 : memref<1x79x128xi32, #tpu.memory_space<hbm>> -> memref<79x128xi32, #tpu.memory_space<hbm>>
      %dma_wait3A_45 = arith.constant 79 : i32
      %dma_wait3A_46 = arith.constant 0 : i32
      %dma_wait3A_47 = tpu.memref_slice %arg6[%dma_wait3A_45, %dma_wait3A_46] : memref<158x128xi32, #tpu.memory_space<vmem>> -> memref<79x128xi32, #tpu.memory_space<vmem>>
      %dma_wait3A_48 = arith.constant 0 : i32
      %dma_wait3A_49 = arith.constant 0 : i32
      %dma_wait3A_50 = tpu.memref_slice %arg2[%add3A_5, %dma_wait3A_48, %dma_wait3A_49] : memref<32x79x128xi32, #tpu.memory_space<hbm>> -> memref<1x79x128xi32, #tpu.memory_space<hbm>>
      %dma_wait3A_51 = tpu.memref_squeeze %dma_wait3A_50 : memref<1x79x128xi32, #tpu.memory_space<hbm>> -> memref<79x128xi32, #tpu.memory_space<hbm>>
      tpu.wait_dma2 semaphore(%run_scoped3A : memref<!tpu.dma_semaphore, #tpu.memory_space<semaphore_mem>>) src(%dma_wait3A_51 : memref<79x128xi32, #tpu.memory_space<hbm>>) dst(%dma_wait3A_47 : memref<79x128xi32, #tpu.memory_space<vmem>>)
      tpu.yield
    }) : () -> ()
    %mul3A_6 = arith.constant 2 : i32
    %mul3A_7 = arith.muli %mul3A_6, %arg1 : i32
    "tpu.region"() ({
      %run_scoped3A = tpu.sem_alloc : memref<!tpu.dma_semaphore, #tpu.memory_space<semaphore_mem>>
      %dma_start3A = arith.constant 0 : i32
      %dma_start3A_26 = arith.constant 0 : i32
      %dma_start3A_27 = tpu.memref_slice %arg7[%dma_start3A, %dma_start3A_26] : memref<158x128xi32, #tpu.memory_space<vmem>> -> memref<79x128xi32, #tpu.memory_space<vmem>>
      %dma_start3A_28 = arith.constant 0 : i32
      %dma_start3A_29 = arith.constant 0 : i32
      %dma_start3A_30 = tpu.memref_slice %arg3[%mul3A_7, %dma_start3A_28, %dma_start3A_29] : memref<32x79x128xi32, #tpu.memory_space<hbm>> -> memref<1x79x128xi32, #tpu.memory_space<hbm>>
      %dma_start3A_31 = tpu.memref_squeeze %dma_start3A_30 : memref<1x79x128xi32, #tpu.memory_space<hbm>> -> memref<79x128xi32, #tpu.memory_space<hbm>>
      %dma_start3A_32 = arith.constant 0 : i32
      %dma_start3A_33 = arith.constant 0 : i32
      %dma_start3A_34 = tpu.memref_slice %arg7[%dma_start3A_32, %dma_start3A_33] : memref<158x128xi32, #tpu.memory_space<vmem>> -> memref<79x128xi32, #tpu.memory_space<vmem>>
      %dma_start3A_35 = arith.constant 0 : i32
      %dma_start3A_36 = arith.constant 0 : i32
      %dma_start3A_37 = tpu.memref_slice %arg3[%mul3A_7, %dma_start3A_35, %dma_start3A_36] : memref<32x79x128xi32, #tpu.memory_space<hbm>> -> memref<1x79x128xi32, #tpu.memory_space<hbm>>
      %dma_start3A_38 = tpu.memref_squeeze %dma_start3A_37 : memref<1x79x128xi32, #tpu.memory_space<hbm>> -> memref<79x128xi32, #tpu.memory_space<hbm>>
      tpu.enqueue_dma source(%dma_start3A_38 : memref<79x128xi32, #tpu.memory_space<hbm>>) target(%dma_start3A_34 : memref<79x128xi32, #tpu.memory_space<vmem>>) target_semaphore(%run_scoped3A : memref<!tpu.dma_semaphore, #tpu.memory_space<semaphore_mem>>)
      %dma_wait3A = arith.constant 0 : i32
      %dma_wait3A_39 = arith.constant 0 : i32
      %dma_wait3A_40 = tpu.memref_slice %arg7[%dma_wait3A, %dma_wait3A_39] : memref<158x128xi32, #tpu.memory_space<vmem>> -> memref<79x128xi32, #tpu.memory_space<vmem>>
      %dma_wait3A_41 = arith.constant 0 : i32
      %dma_wait3A_42 = arith.constant 0 : i32
      %dma_wait3A_43 = tpu.memref_slice %arg3[%mul3A_7, %dma_wait3A_41, %dma_wait3A_42] : memref<32x79x128xi32, #tpu.memory_space<hbm>> -> memref<1x79x128xi32, #tpu.memory_space<hbm>>
      %dma_wait3A_44 = tpu.memref_squeeze %dma_wait3A_43 : memref<1x79x128xi32, #tpu.memory_space<hbm>> -> memref<79x128xi32, #tpu.memory_space<hbm>>
      %dma_wait3A_45 = arith.constant 0 : i32
      %dma_wait3A_46 = arith.constant 0 : i32
      %dma_wait3A_47 = tpu.memref_slice %arg7[%dma_wait3A_45, %dma_wait3A_46] : memref<158x128xi32, #tpu.memory_space<vmem>> -> memref<79x128xi32, #tpu.memory_space<vmem>>
      %dma_wait3A_48 = arith.constant 0 : i32
      %dma_wait3A_49 = arith.constant 0 : i32
      %dma_wait3A_50 = tpu.memref_slice %arg3[%mul3A_7, %dma_wait3A_48, %dma_wait3A_49] : memref<32x79x128xi32, #tpu.memory_space<hbm>> -> memref<1x79x128xi32, #tpu.memory_space<hbm>>
      %dma_wait3A_51 = tpu.memref_squeeze %dma_wait3A_50 : memref<1x79x128xi32, #tpu.memory_space<hbm>> -> memref<79x128xi32, #tpu.memory_space<hbm>>
      tpu.wait_dma2 semaphore(%run_scoped3A : memref<!tpu.dma_semaphore, #tpu.memory_space<semaphore_mem>>) src(%dma_wait3A_51 : memref<79x128xi32, #tpu.memory_space<hbm>>) dst(%dma_wait3A_47 : memref<79x128xi32, #tpu.memory_space<vmem>>)
      tpu.yield
    }) : () -> ()
    %mul3A_8 = arith.constant 2 : i32
    %mul3A_9 = arith.muli %mul3A_8, %arg1 : i32
    %add3A_10 = arith.constant 1 : i32
    %add3A_11 = arith.addi %mul3A_9, %add3A_10 : i32
    "tpu.region"() ({
      %run_scoped3A = tpu.sem_alloc : memref<!tpu.dma_semaphore, #tpu.memory_space<semaphore_mem>>
      %dma_start3A = arith.constant 79 : i32
      %dma_start3A_26 = arith.constant 0 : i32
      %dma_start3A_27 = tpu.memref_slice %arg7[%dma_start3A, %dma_start3A_26] : memref<158x128xi32, #tpu.memory_space<vmem>> -> memref<79x128xi32, #tpu.memory_space<vmem>>
      %dma_start3A_28 = arith.constant 0 : i32
      %dma_start3A_29 = arith.constant 0 : i32
      %dma_start3A_30 = tpu.memref_slice %arg3[%add3A_11, %dma_start3A_28, %dma_start3A_29] : memref<32x79x128xi32, #tpu.memory_space<hbm>> -> memref<1x79x128xi32, #tpu.memory_space<hbm>>
      %dma_start3A_31 = tpu.memref_squeeze %dma_start3A_30 : memref<1x79x128xi32, #tpu.memory_space<hbm>> -> memref<79x128xi32, #tpu.memory_space<hbm>>
      %dma_start3A_32 = arith.constant 79 : i32
      %dma_start3A_33 = arith.constant 0 : i32
      %dma_start3A_34 = tpu.memref_slice %arg7[%dma_start3A_32, %dma_start3A_33] : memref<158x128xi32, #tpu.memory_space<vmem>> -> memref<79x128xi32, #tpu.memory_space<vmem>>
      %dma_start3A_35 = arith.constant 0 : i32
      %dma_start3A_36 = arith.constant 0 : i32
      %dma_start3A_37 = tpu.memref_slice %arg3[%add3A_11, %dma_start3A_35, %dma_start3A_36] : memref<32x79x128xi32, #tpu.memory_space<hbm>> -> memref<1x79x128xi32, #tpu.memory_space<hbm>>
      %dma_start3A_38 = tpu.memref_squeeze %dma_start3A_37 : memref<1x79x128xi32, #tpu.memory_space<hbm>> -> memref<79x128xi32, #tpu.memory_space<hbm>>
      tpu.enqueue_dma source(%dma_start3A_38 : memref<79x128xi32, #tpu.memory_space<hbm>>) target(%dma_start3A_34 : memref<79x128xi32, #tpu.memory_space<vmem>>) target_semaphore(%run_scoped3A : memref<!tpu.dma_semaphore, #tpu.memory_space<semaphore_mem>>)
      %dma_wait3A = arith.constant 79 : i32
      %dma_wait3A_39 = arith.constant 0 : i32
      %dma_wait3A_40 = tpu.memref_slice %arg7[%dma_wait3A, %dma_wait3A_39] : memref<158x128xi32, #tpu.memory_space<vmem>> -> memref<79x128xi32, #tpu.memory_space<vmem>>
      %dma_wait3A_41 = arith.constant 0 : i32
      %dma_wait3A_42 = arith.constant 0 : i32
      %dma_wait3A_43 = tpu.memref_slice %arg3[%add3A_11, %dma_wait3A_41, %dma_wait3A_42] : memref<32x79x128xi32, #tpu.memory_space<hbm>> -> memref<1x79x128xi32, #tpu.memory_space<hbm>>
      %dma_wait3A_44 = tpu.memref_squeeze %dma_wait3A_43 : memref<1x79x128xi32, #tpu.memory_space<hbm>> -> memref<79x128xi32, #tpu.memory_space<hbm>>
      %dma_wait3A_45 = arith.constant 79 : i32
      %dma_wait3A_46 = arith.constant 0 : i32
      %dma_wait3A_47 = tpu.memref_slice %arg7[%dma_wait3A_45, %dma_wait3A_46] : memref<158x128xi32, #tpu.memory_space<vmem>> -> memref<79x128xi32, #tpu.memory_space<vmem>>
      %dma_wait3A_48 = arith.constant 0 : i32
      %dma_wait3A_49 = arith.constant 0 : i32
      %dma_wait3A_50 = tpu.memref_slice %arg3[%add3A_11, %dma_wait3A_48, %dma_wait3A_49] : memref<32x79x128xi32, #tpu.memory_space<hbm>> -> memref<1x79x128xi32, #tpu.memory_space<hbm>>
      %dma_wait3A_51 = tpu.memref_squeeze %dma_wait3A_50 : memref<1x79x128xi32, #tpu.memory_space<hbm>> -> memref<79x128xi32, #tpu.memory_space<hbm>>
      tpu.wait_dma2 semaphore(%run_scoped3A : memref<!tpu.dma_semaphore, #tpu.memory_space<semaphore_mem>>) src(%dma_wait3A_51 : memref<79x128xi32, #tpu.memory_space<hbm>>) dst(%dma_wait3A_47 : memref<79x128xi32, #tpu.memory_space<vmem>>)
      tpu.yield
    }) : () -> ()
    %broadcast_in_dim3A = arith.constant 0.000000e+00 : f32
    %broadcast_in_dim3A_12 = vector.broadcast %broadcast_in_dim3A : f32 to vector<16xf32>
    %scan3A = arith.constant 0 : i32
    %scan3A_13 = arith.constant 0 : i32
    %scan3A_14 = arith.constant 128 : i32
    %scan3A_15 = arith.addi %scan3A_13, %scan3A_14 : i32
    %scan3A_16 = arith.constant 1 : i32
    %scan3A_17 = scf.for %scan3A_26 = %scan3A_13 to %scan3A_15 step %scan3A_16 iter_args(%scan3A_27 = %scan3A) -> (i32)  : i32 {
      %scan3A_28 = arith.constant 0 : i32
      %scan3A_29 = arith.constant 0 : i32
      %scan3A_30 = arith.constant 4 : i32
      %scan3A_31 = arith.addi %scan3A_29, %scan3A_30 : i32
      %scan3A_32 = arith.constant 1 : i32
      %scan3A_33 = scf.for %scan3A_35 = %scan3A_29 to %scan3A_31 step %scan3A_32 iter_args(%scan3A_36 = %scan3A_28) -> (i32)  : i32 {
        %mul3A_37 = arith.constant 16 : i32
        %mul3A_38 = arith.muli %scan3A_35, %mul3A_37 : i32
        %swap3A = arith.index_cast %scan3A_26 : i32 to index
        %swap3A_39 = arith.index_cast %mul3A_38 : i32 to index
        %swap3A_40 = tpu.vector_load %arg10[%swap3A, %swap3A_39] {strides = array<i32>} : memref<128x64xf32, #tpu.memory_space<vmem>>, vector<1x16xf32>,
        %swap3A_41 = vector.shape_cast %swap3A_40 : vector<1x16xf32> to vector<16xf32>
        %swap3A_42 = vector.shape_cast %broadcast_in_dim3A_12 : vector<16xf32> to vector<1x16xf32>
        tpu.vector_store %arg10[%swap3A, %swap3A_39], %swap3A_42 {strides = array<i32>} : memref<128x64xf32, #tpu.memory_space<vmem>>, vector<1x16xf32>,
        %scan3A_43 = arith.constant 0 : i32
        scf.yield %scan3A_43 : i32
      }
      %scan3A_34 = arith.constant 4 : i32
      scf.yield %scan3A_33 : i32
    }
    %scan3A_18 = arith.constant 128 : i32
    %eq3A = arith.constant 0 : i32
    %eq3A_19 = arith.cmpi eq, %arg0, %eq3A : i32
    %convert_element_type3A = arith.extui %eq3A_19 : i1 to i32
    %cond3A = arith.constant 0 : i32
    %cond3A_20 = arith.cmpi ne, %convert_element_type3A, %cond3A : i32
    scf.if %cond3A_20 {
      %add3A_26 = arith.constant 0 : i32
      %add3A_27 = arith.addi %mul3A_0, %add3A_26 : i32
      "tpu.region"() ({
        %run_scoped3A = tpu.sem_alloc : memref<!tpu.dma_semaphore, #tpu.memory_space<semaphore_mem>>
        %dma_start3A_112 = arith.constant 0 : i32
        %dma_start3A_113 = tpu.memref_slice %arg11[%add3A_27, %dma_start3A_112] : memref<10240x64xf32, #tpu.memory_space<vmem_shared>> -> memref<128x64xf32, #tpu.memory_space<vmem_shared>>
        %dma_start3A_114 = arith.constant 0 : i32
        %dma_start3A_115 = tpu.memref_slice %arg11[%add3A_27, %dma_start3A_114] : memref<10240x64xf32, #tpu.memory_space<vmem_shared>> -> memref<128x64xf32, #tpu.memory_space<vmem_shared>>
        tpu.enqueue_dma source(%arg10 : memref<128x64xf32, #tpu.memory_space<vmem>>) target(%dma_start3A_115 : memref<128x64xf32, #tpu.memory_space<vmem_shared>>) target_semaphore(%run_scoped3A : memref<!tpu.dma_semaphore, #tpu.memory_space<semaphore_mem>>)
        %dma_wait3A = arith.constant 0 : i32
        %dma_wait3A_116 = tpu.memref_slice %arg11[%add3A_27, %dma_wait3A] : memref<10240x64xf32, #tpu.memory_space<vmem_shared>> -> memref<128x64xf32, #tpu.memory_space<vmem_shared>>
        %dma_wait3A_117 = arith.constant 0 : i32
        %dma_wait3A_118 = tpu.memref_slice %arg11[%add3A_27, %dma_wait3A_117] : memref<10240x64xf32, #tpu.memory_space<vmem_shared>> -> memref<128x64xf32, #tpu.memory_space<vmem_shared>>
        tpu.wait_dma2 semaphore(%run_scoped3A : memref<!tpu.dma_semaphore, #tpu.memory_space<semaphore_mem>>) src(%arg10 : memref<128x64xf32, #tpu.memory_space<vmem>>) dst(%dma_wait3A_118 : memref<128x64xf32, #tpu.memory_space<vmem_shared>>)
        tpu.yield
      }) : () -> ()
      %add3A_28 = arith.constant 128 : i32
      %add3A_29 = arith.addi %mul3A_0, %add3A_28 : i32
      "tpu.region"() ({
        %run_scoped3A = tpu.sem_alloc : memref<!tpu.dma_semaphore, #tpu.memory_space<semaphore_mem>>
        %dma_start3A_112 = arith.constant 0 : i32
        %dma_start3A_113 = tpu.memref_slice %arg11[%add3A_29, %dma_start3A_112] : memref<10240x64xf32, #tpu.memory_space<vmem_shared>> -> memref<128x64xf32, #tpu.memory_space<vmem_shared>>
        %dma_start3A_114 = arith.constant 0 : i32
        %dma_start3A_115 = tpu.memref_slice %arg11[%add3A_29, %dma_start3A_114] : memref<10240x64xf32, #tpu.memory_space<vmem_shared>> -> memref<128x64xf32, #tpu.memory_space<vmem_shared>>
        tpu.enqueue_dma source(%arg10 : memref<128x64xf32, #tpu.memory_space<vmem>>) target(%dma_start3A_115 : memref<128x64xf32, #tpu.memory_space<vmem_shared>>) target_semaphore(%run_scoped3A : memref<!tpu.dma_semaphore, #tpu.memory_space<semaphore_mem>>)
        %dma_wait3A = arith.constant 0 : i32
        %dma_wait3A_116 = tpu.memref_slice %arg11[%add3A_29, %dma_wait3A] : memref<10240x64xf32, #tpu.memory_space<vmem_shared>> -> memref<128x64xf32, #tpu.memory_space<vmem_shared>>
        %dma_wait3A_117 = arith.constant 0 : i32
        %dma_wait3A_118 = tpu.memref_slice %arg11[%add3A_29, %dma_wait3A_117] : memref<10240x64xf32, #tpu.memory_space<vmem_shared>> -> memref<128x64xf32, #tpu.memory_space<vmem_shared>>
        tpu.wait_dma2 semaphore(%run_scoped3A : memref<!tpu.dma_semaphore, #tpu.memory_space<semaphore_mem>>) src(%arg10 : memref<128x64xf32, #tpu.memory_space<vmem>>) dst(%dma_wait3A_118 : memref<128x64xf32, #tpu.memory_space<vmem_shared>>)
        tpu.yield
      }) : () -> ()
      %add3A_30 = arith.constant 256 : i32
      %add3A_31 = arith.addi %mul3A_0, %add3A_30 : i32
      "tpu.region"() ({
        %run_scoped3A = tpu.sem_alloc : memref<!tpu.dma_semaphore, #tpu.memory_space<semaphore_mem>>
        %dma_start3A_112 = arith.constant 0 : i32
        %dma_start3A_113 = tpu.memref_slice %arg11[%add3A_31, %dma_start3A_112] : memref<10240x64xf32, #tpu.memory_space<vmem_shared>> -> memref<128x64xf32, #tpu.memory_space<vmem_shared>>
        %dma_start3A_114 = arith.constant 0 : i32
        %dma_start3A_115 = tpu.memref_slice %arg11[%add3A_31, %dma_start3A_114] : memref<10240x64xf32, #tpu.memory_space<vmem_shared>> -> memref<128x64xf32, #tpu.memory_space<vmem_shared>>
        tpu.enqueue_dma source(%arg10 : memref<128x64xf32, #tpu.memory_space<vmem>>) target(%dma_start3A_115 : memref<128x64xf32, #tpu.memory_space<vmem_shared>>) target_semaphore(%run_scoped3A : memref<!tpu.dma_semaphore, #tpu.memory_space<semaphore_mem>>)
        %dma_wait3A = arith.constant 0 : i32
        %dma_wait3A_116 = tpu.memref_slice %arg11[%add3A_31, %dma_wait3A] : memref<10240x64xf32, #tpu.memory_space<vmem_shared>> -> memref<128x64xf32, #tpu.memory_space<vmem_shared>>
        %dma_wait3A_117 = arith.constant 0 : i32
        %dma_wait3A_118 = tpu.memref_slice %arg11[%add3A_31, %dma_wait3A_117] : memref<10240x64xf32, #tpu.memory_space<vmem_shared>> -> memref<128x64xf32, #tpu.memory_space<vmem_shared>>
        tpu.wait_dma2 semaphore(%run_scoped3A : memref<!tpu.dma_semaphore, #tpu.memory_space<semaphore_mem>>) src(%arg10 : memref<128x64xf32, #tpu.memory_space<vmem>>) dst(%dma_wait3A_118 : memref<128x64xf32, #tpu.memory_space<vmem_shared>>)
        tpu.yield
      }) : () -> ()
      %add3A_32 = arith.constant 384 : i32
      %add3A_33 = arith.addi %mul3A_0, %add3A_32 : i32
      "tpu.region"() ({
        %run_scoped3A = tpu.sem_alloc : memref<!tpu.dma_semaphore, #tpu.memory_space<semaphore_mem>>
        %dma_start3A_112 = arith.constant 0 : i32
        %dma_start3A_113 = tpu.memref_slice %arg11[%add3A_33, %dma_start3A_112] : memref<10240x64xf32, #tpu.memory_space<vmem_shared>> -> memref<128x64xf32, #tpu.memory_space<vmem_shared>>
        %dma_start3A_114 = arith.constant 0 : i32
        %dma_start3A_115 = tpu.memref_slice %arg11[%add3A_33, %dma_start3A_114] : memref<10240x64xf32, #tpu.memory_space<vmem_shared>> -> memref<128x64xf32, #tpu.memory_space<vmem_shared>>
        tpu.enqueue_dma source(%arg10 : memref<128x64xf32, #tpu.memory_space<vmem>>) target(%dma_start3A_115 : memref<128x64xf32, #tpu.memory_space<vmem_shared>>) target_semaphore(%run_scoped3A : memref<!tpu.dma_semaphore, #tpu.memory_space<semaphore_mem>>)
        %dma_wait3A = arith.constant 0 : i32
        %dma_wait3A_116 = tpu.memref_slice %arg11[%add3A_33, %dma_wait3A] : memref<10240x64xf32, #tpu.memory_space<vmem_shared>> -> memref<128x64xf32, #tpu.memory_space<vmem_shared>>
        %dma_wait3A_117 = arith.constant 0 : i32
        %dma_wait3A_118 = tpu.memref_slice %arg11[%add3A_33, %dma_wait3A_117] : memref<10240x64xf32, #tpu.memory_space<vmem_shared>> -> memref<128x64xf32, #tpu.memory_space<vmem_shared>>
        tpu.wait_dma2 semaphore(%run_scoped3A : memref<!tpu.dma_semaphore, #tpu.memory_space<semaphore_mem>>) src(%arg10 : memref<128x64xf32, #tpu.memory_space<vmem>>) dst(%dma_wait3A_118 : memref<128x64xf32, #tpu.memory_space<vmem_shared>>)
        tpu.yield
      }) : () -> ()
      %add3A_34 = arith.constant 512 : i32
      %add3A_35 = arith.addi %mul3A_0, %add3A_34 : i32
      "tpu.region"() ({
        %run_scoped3A = tpu.sem_alloc : memref<!tpu.dma_semaphore, #tpu.memory_space<semaphore_mem>>
        %dma_start3A_112 = arith.constant 0 : i32
        %dma_start3A_113 = tpu.memref_slice %arg11[%add3A_35, %dma_start3A_112] : memref<10240x64xf32, #tpu.memory_space<vmem_shared>> -> memref<128x64xf32, #tpu.memory_space<vmem_shared>>
        %dma_start3A_114 = arith.constant 0 : i32
        %dma_start3A_115 = tpu.memref_slice %arg11[%add3A_35, %dma_start3A_114] : memref<10240x64xf32, #tpu.memory_space<vmem_shared>> -> memref<128x64xf32, #tpu.memory_space<vmem_shared>>
        tpu.enqueue_dma source(%arg10 : memref<128x64xf32, #tpu.memory_space<vmem>>) target(%dma_start3A_115 : memref<128x64xf32, #tpu.memory_space<vmem_shared>>) target_semaphore(%run_scoped3A : memref<!tpu.dma_semaphore, #tpu.memory_space<semaphore_mem>>)
        %dma_wait3A = arith.constant 0 : i32
        %dma_wait3A_116 = tpu.memref_slice %arg11[%add3A_35, %dma_wait3A] : memref<10240x64xf32, #tpu.memory_space<vmem_shared>> -> memref<128x64xf32, #tpu.memory_space<vmem_shared>>
        %dma_wait3A_117 = arith.constant 0 : i32
        %dma_wait3A_118 = tpu.memref_slice %arg11[%add3A_35, %dma_wait3A_117] : memref<10240x64xf32, #tpu.memory_space<vmem_shared>> -> memref<128x64xf32, #tpu.memory_space<vmem_shared>>
        tpu.wait_dma2 semaphore(%run_scoped3A : memref<!tpu.dma_semaphore, #tpu.memory_space<semaphore_mem>>) src(%arg10 : memref<128x64xf32, #tpu.memory_space<vmem>>) dst(%dma_wait3A_118 : memref<128x64xf32, #tpu.memory_space<vmem_shared>>)
        tpu.yield
      }) : () -> ()
      %barrier3A = arith.constant 0 : index
      tpu.barrier barrier_id(%barrier3A)
      %dma_start3A = arith.constant 0 : i32
      %dma_start3A_36 = arith.constant 0 : i32
      %dma_start3A_37 = arith.constant 0 : i32
      %dma_start3A_38 = tpu.memref_slice %arg6[%dma_start3A_36, %dma_start3A_37] : memref<158x128xi32, #tpu.memory_space<vmem>> -> memref<1x128xi32, #tpu.memory_space<vmem>>
      %dma_start3A_39 = tpu.memref_squeeze %dma_start3A_38 : memref<1x128xi32, #tpu.memory_space<vmem>> -> memref<128xi32, #tpu.memory_space<vmem>>
      %dma_start3A_40 = arith.constant 0 : i32
      %dma_start3A_41 = arith.constant 0 : i32
      %dma_start3A_42 = tpu.memref_slice %arg4[%dma_start3A, %dma_start3A_40, %dma_start3A_41] : memref<4x10240x64xf32, #tpu.memory_space<hbm>> -> memref<1x10240x64xf32, #tpu.memory_space<hbm>>
      %dma_start3A_43 = tpu.memref_squeeze %dma_start3A_42 : memref<1x10240x64xf32, #tpu.memory_space<hbm>> -> memref<10240x64xf32, #tpu.memory_space<hbm>>
      %dma_start3A_44 = arith.constant 0 : i32
      %dma_start3A_45 = arith.constant 0 : i32
      %dma_start3A_46 = tpu.memref_slice %dma_start3A_43[%dma_start3A_44, %dma_start3A_45] : memref<10240x64xf32, #tpu.memory_space<hbm>> -> memref<10240x64xf32, #tpu.memory_space<hbm>>
      tpu.enqueue_indirect_dma source(%dma_start3A_46 : memref<10240x64xf32, #tpu.memory_space<hbm>>) target(%arg8 : memref<128x64xf32, #tpu.memory_space<vmem>>) offsets(%dma_start3A_39 : memref<128xi32, #tpu.memory_space<vmem>>) semaphore(%arg12 : memref<!tpu.dma_semaphore, #tpu.memory_space<semaphore_mem>>)
      %dma_start3A_47 = arith.constant 0 : i32
      %dma_start3A_48 = arith.constant 1 : i32
      %dma_start3A_49 = arith.constant 0 : i32
      %dma_start3A_50 = tpu.memref_slice %arg6[%dma_start3A_48, %dma_start3A_49] : memref<158x128xi32, #tpu.memory_space<vmem>> -> memref<1x128xi32, #tpu.memory_space<vmem>>
      %dma_start3A_51 = tpu.memref_squeeze %dma_start3A_50 : memref<1x128xi32, #tpu.memory_space<vmem>> -> memref<128xi32, #tpu.memory_space<vmem>>
      %dma_start3A_52 = arith.constant 0 : i32
      %dma_start3A_53 = arith.constant 0 : i32
      %dma_start3A_54 = tpu.memref_slice %arg4[%dma_start3A_47, %dma_start3A_52, %dma_start3A_53] : memref<4x10240x64xf32, #tpu.memory_space<hbm>> -> memref<1x10240x64xf32, #tpu.memory_space<hbm>>
      %dma_start3A_55 = tpu.memref_squeeze %dma_start3A_54 : memref<1x10240x64xf32, #tpu.memory_space<hbm>> -> memref<10240x64xf32, #tpu.memory_space<hbm>>
      %dma_start3A_56 = arith.constant 0 : i32
      %dma_start3A_57 = arith.constant 0 : i32
      %dma_start3A_58 = tpu.memref_slice %dma_start3A_55[%dma_start3A_56, %dma_start3A_57] : memref<10240x64xf32, #tpu.memory_space<hbm>> -> memref<10240x64xf32, #tpu.memory_space<hbm>>
      tpu.enqueue_indirect_dma source(%dma_start3A_58 : memref<10240x64xf32, #tpu.memory_space<hbm>>) target(%arg9 : memref<128x64xf32, #tpu.memory_space<vmem>>) offsets(%dma_start3A_51 : memref<128xi32, #tpu.memory_space<vmem>>) semaphore(%arg13 : memref<!tpu.dma_semaphore, #tpu.memory_space<semaphore_mem>>)
      %scan3A_59 = arith.constant 0 : i32
      %scan3A_60 = arith.constant 0 : i32
      %scan3A_61 = arith.constant 0 : i32
      %scan3A_62 = arith.constant 79 : i32
      %scan3A_63 = arith.addi %scan3A_61, %scan3A_62 : i32
      %scan3A_64 = arith.constant 1 : i32
      %scan3A_65 = scf.for %scan3A_112 = %scan3A_61 to %scan3A_63 step %scan3A_64 iter_args(%scan3A_113 = %scan3A_60) -> (i32)  : i32 {
        %mul3A_114 = arith.constant 2 : i32
        %mul3A_115 = arith.muli %mul3A_114, %scan3A_112 : i32
        %dma_wait3A = arith.constant 0 : i32
        %dma_wait3A_116 = arith.constant 0 : i32
        %dma_wait3A_117 = tpu.memref_slice %arg6[%dma_wait3A, %dma_wait3A_116] : memref<158x128xi32, #tpu.memory_space<vmem>> -> memref<1x128xi32, #tpu.memory_space<vmem>>
        %dma_wait3A_118 = tpu.memref_squeeze %dma_wait3A_117 : memref<1x128xi32, #tpu.memory_space<vmem>> -> memref<128xi32, #tpu.memory_space<vmem>>
        %dma_wait3A_119 = arith.constant 0 : i32
        %dma_wait3A_120 = arith.constant 0 : i32
        %dma_wait3A_121 = tpu.memref_slice %arg4[%scan3A_59, %dma_wait3A_119, %dma_wait3A_120] : memref<4x10240x64xf32, #tpu.memory_space<hbm>> -> memref<1x10240x64xf32, #tpu.memory_space<hbm>>
        %dma_wait3A_122 = tpu.memref_squeeze %dma_wait3A_121 : memref<1x10240x64xf32, #tpu.memory_space<hbm>> -> memref<10240x64xf32, #tpu.memory_space<hbm>>
        %dma_wait3A_123 = arith.constant 0 : i32
        %dma_wait3A_124 = arith.constant 0 : i32
        %dma_wait3A_125 = tpu.memref_slice %dma_wait3A_122[%dma_wait3A_123, %dma_wait3A_124] : memref<10240x64xf32, #tpu.memory_space<hbm>> -> memref<10240x64xf32, #tpu.memory_space<hbm>>
        tpu.wait_indirect_dma semaphore(%arg12 : memref<!tpu.dma_semaphore, #tpu.memory_space<semaphore_mem>>) src(%dma_wait3A_125 : memref<10240x64xf32, #tpu.memory_space<hbm>>) dst(%arg8 : memref<128x64xf32, #tpu.memory_space<vmem>>)
        "tpu.region"() ({
          %run_scoped3A = tpu.sem_alloc : memref<!tpu.dma_semaphore, #tpu.memory_space<semaphore_mem>>
          %dma_start3A_153 = arith.constant 0 : i32
          %dma_start3A_154 = tpu.memref_slice %arg7[%mul3A_115, %dma_start3A_153] : memref<158x128xi32, #tpu.memory_space<vmem>> -> memref<1x128xi32, #tpu.memory_space<vmem>>
          %dma_start3A_155 = tpu.memref_squeeze %dma_start3A_154 : memref<1x128xi32, #tpu.memory_space<vmem>> -> memref<128xi32, #tpu.memory_space<vmem>>
          %dma_start3A_156 = arith.constant 0 : i32
          %dma_start3A_157 = arith.constant 0 : i32
          %dma_start3A_158 = tpu.memref_slice %arg11[%dma_start3A_156, %dma_start3A_157] : memref<10240x64xf32, #tpu.memory_space<vmem_shared>> -> memref<10240x64xf32, #tpu.memory_space<vmem_shared>>
          tpu.enqueue_indirect_dma source(%arg8 : memref<128x64xf32, #tpu.memory_space<vmem>>) target(%dma_start3A_158 : memref<10240x64xf32, #tpu.memory_space<vmem_shared>>) offsets(%dma_start3A_155 : memref<128xi32, #tpu.memory_space<vmem>>) semaphore(%run_scoped3A : memref<!tpu.dma_semaphore, #tpu.memory_space<semaphore_mem>>) {add = true}
          %dma_wait3A_159 = arith.constant 0 : i32
          %dma_wait3A_160 = tpu.memref_slice %arg7[%mul3A_115, %dma_wait3A_159] : memref<158x128xi32, #tpu.memory_space<vmem>> -> memref<1x128xi32, #tpu.memory_space<vmem>>
          %dma_wait3A_161 = tpu.memref_squeeze %dma_wait3A_160 : memref<1x128xi32, #tpu.memory_space<vmem>> -> memref<128xi32, #tpu.memory_space<vmem>>
          %dma_wait3A_162 = arith.constant 0 : i32
          %dma_wait3A_163 = arith.constant 0 : i32
          %dma_wait3A_164 = tpu.memref_slice %arg11[%dma_wait3A_162, %dma_wait3A_163] : memref<10240x64xf32, #tpu.memory_space<vmem_shared>> -> memref<10240x64xf32, #tpu.memory_space<vmem_shared>>
          tpu.wait_indirect_dma semaphore(%run_scoped3A : memref<!tpu.dma_semaphore, #tpu.memory_space<semaphore_mem>>) src(%arg8 : memref<128x64xf32, #tpu.memory_space<vmem>>) dst(%dma_wait3A_164 : memref<10240x64xf32, #tpu.memory_space<vmem_shared>>)
          tpu.yield
        }) : () -> ()
        %add3A_126 = arith.constant 2 : i32
        %add3A_127 = arith.addi %mul3A_115, %add3A_126 : i32
        %lt3A = arith.constant 158 : i32
        %lt3A_128 = arith.cmpi slt, %add3A_127, %lt3A : i32
        %convert_element_type3A_129 = arith.extui %lt3A_128 : i1 to i32
        %cond3A_130 = arith.constant 0 : i32
        %cond3A_131 = arith.cmpi ne, %convert_element_type3A_129, %cond3A_130 : i32
        scf.if %cond3A_131 {
          %add3A_153 = arith.constant 2 : i32
          %add3A_154 = arith.addi %mul3A_115, %add3A_153 : i32
          %dma_start3A_155 = arith.constant 0 : i32
          %dma_start3A_156 = tpu.memref_slice %arg6[%add3A_154, %dma_start3A_155] : memref<158x128xi32, #tpu.memory_space<vmem>> -> memref<1x128xi32, #tpu.memory_space<vmem>>
          %dma_start3A_157 = tpu.memref_squeeze %dma_start3A_156 : memref<1x128xi32, #tpu.memory_space<vmem>> -> memref<128xi32, #tpu.memory_space<vmem>>
          %dma_start3A_158 = arith.constant 0 : i32
          %dma_start3A_159 = arith.constant 0 : i32
          %dma_start3A_160 = tpu.memref_slice %arg4[%scan3A_59, %dma_start3A_158, %dma_start3A_159] : memref<4x10240x64xf32, #tpu.memory_space<hbm>> -> memref<1x10240x64xf32, #tpu.memory_space<hbm>>
          %dma_start3A_161 = tpu.memref_squeeze %dma_start3A_160 : memref<1x10240x64xf32, #tpu.memory_space<hbm>> -> memref<10240x64xf32, #tpu.memory_space<hbm>>
          %dma_start3A_162 = arith.constant 0 : i32
          %dma_start3A_163 = arith.constant 0 : i32
          %dma_start3A_164 = tpu.memref_slice %dma_start3A_161[%dma_start3A_162, %dma_start3A_163] : memref<10240x64xf32, #tpu.memory_space<hbm>> -> memref<10240x64xf32, #tpu.memory_space<hbm>>
          tpu.enqueue_indirect_dma source(%dma_start3A_164 : memref<10240x64xf32, #tpu.memory_space<hbm>>) target(%arg8 : memref<128x64xf32, #tpu.memory_space<vmem>>) offsets(%dma_start3A_157 : memref<128xi32, #tpu.memory_space<vmem>>) semaphore(%arg12 : memref<!tpu.dma_semaphore, #tpu.memory_space<semaphore_mem>>)
        } else {
        }
        %dma_wait3A_132 = arith.constant 1 : i32
        %dma_wait3A_133 = arith.constant 0 : i32
        %dma_wait3A_134 = tpu.memref_slice %arg6[%dma_wait3A_132, %dma_wait3A_133] : memref<158x128xi32, #tpu.memory_space<vmem>> -> memref<1x128xi32, #tpu.memory_space<vmem>>
        %dma_wait3A_135 = tpu.memref_squeeze %dma_wait3A_134 : memref<1x128xi32, #tpu.memory_space<vmem>> -> memref<128xi32, #tpu.memory_space<vmem>>
        %dma_wait3A_136 = arith.constant 0 : i32
        %dma_wait3A_137 = arith.constant 0 : i32
        %dma_wait3A_138 = tpu.memref_slice %arg4[%scan3A_59, %dma_wait3A_136, %dma_wait3A_137] : memref<4x10240x64xf32, #tpu.memory_space<hbm>> -> memref<1x10240x64xf32, #tpu.memory_space<hbm>>
        %dma_wait3A_139 = tpu.memref_squeeze %dma_wait3A_138 : memref<1x10240x64xf32, #tpu.memory_space<hbm>> -> memref<10240x64xf32, #tpu.memory_space<hbm>>
        %dma_wait3A_140 = arith.constant 0 : i32
        %dma_wait3A_141 = arith.constant 0 : i32
        %dma_wait3A_142 = tpu.memref_slice %dma_wait3A_139[%dma_wait3A_140, %dma_wait3A_141] : memref<10240x64xf32, #tpu.memory_space<hbm>> -> memref<10240x64xf32, #tpu.memory_space<hbm>>
        tpu.wait_indirect_dma semaphore(%arg13 : memref<!tpu.dma_semaphore, #tpu.memory_space<semaphore_mem>>) src(%dma_wait3A_142 : memref<10240x64xf32, #tpu.memory_space<hbm>>) dst(%arg9 : memref<128x64xf32, #tpu.memory_space<vmem>>)
        %add3A_143 = arith.constant 1 : i32
        %add3A_144 = arith.addi %mul3A_115, %add3A_143 : i32
        "tpu.region"() ({
          %run_scoped3A = tpu.sem_alloc : memref<!tpu.dma_semaphore, #tpu.memory_space<semaphore_mem>>
          %dma_start3A_153 = arith.constant 0 : i32
          %dma_start3A_154 = tpu.memref_slice %arg7[%add3A_144, %dma_start3A_153] : memref<158x128xi32, #tpu.memory_space<vmem>> -> memref<1x128xi32, #tpu.memory_space<vmem>>
          %dma_start3A_155 = tpu.memref_squeeze %dma_start3A_154 : memref<1x128xi32, #tpu.memory_space<vmem>> -> memref<128xi32, #tpu.memory_space<vmem>>
          %dma_start3A_156 = arith.constant 0 : i32
          %dma_start3A_157 = arith.constant 0 : i32
          %dma_start3A_158 = tpu.memref_slice %arg11[%dma_start3A_156, %dma_start3A_157] : memref<10240x64xf32, #tpu.memory_space<vmem_shared>> -> memref<10240x64xf32, #tpu.memory_space<vmem_shared>>
          tpu.enqueue_indirect_dma source(%arg9 : memref<128x64xf32, #tpu.memory_space<vmem>>) target(%dma_start3A_158 : memref<10240x64xf32, #tpu.memory_space<vmem_shared>>) offsets(%dma_start3A_155 : memref<128xi32, #tpu.memory_space<vmem>>) semaphore(%run_scoped3A : memref<!tpu.dma_semaphore, #tpu.memory_space<semaphore_mem>>) {add = true}
          %dma_wait3A_159 = arith.constant 0 : i32
          %dma_wait3A_160 = tpu.memref_slice %arg7[%add3A_144, %dma_wait3A_159] : memref<158x128xi32, #tpu.memory_space<vmem>> -> memref<1x128xi32, #tpu.memory_space<vmem>>
          %dma_wait3A_161 = tpu.memref_squeeze %dma_wait3A_160 : memref<1x128xi32, #tpu.memory_space<vmem>> -> memref<128xi32, #tpu.memory_space<vmem>>
          %dma_wait3A_162 = arith.constant 0 : i32
          %dma_wait3A_163 = arith.constant 0 : i32
          %dma_wait3A_164 = tpu.memref_slice %arg11[%dma_wait3A_162, %dma_wait3A_163] : memref<10240x64xf32, #tpu.memory_space<vmem_shared>> -> memref<10240x64xf32, #tpu.memory_space<vmem_shared>>
          tpu.wait_indirect_dma semaphore(%run_scoped3A : memref<!tpu.dma_semaphore, #tpu.memory_space<semaphore_mem>>) src(%arg9 : memref<128x64xf32, #tpu.memory_space<vmem>>) dst(%dma_wait3A_164 : memref<10240x64xf32, #tpu.memory_space<vmem_shared>>)
          tpu.yield
        }) : () -> ()
        %add3A_145 = arith.constant 3 : i32
        %add3A_146 = arith.addi %mul3A_115, %add3A_145 : i32
        %lt3A_147 = arith.constant 158 : i32
        %lt3A_148 = arith.cmpi slt, %add3A_146, %lt3A_147 : i32
        %convert_element_type3A_149 = arith.extui %lt3A_148 : i1 to i32
        %cond3A_150 = arith.constant 0 : i32
        %cond3A_151 = arith.cmpi ne, %convert_element_type3A_149, %cond3A_150 : i32
        scf.if %cond3A_151 {
          %add3A_153 = arith.constant 3 : i32
          %add3A_154 = arith.addi %mul3A_115, %add3A_153 : i32
          %dma_start3A_155 = arith.constant 0 : i32
          %dma_start3A_156 = tpu.memref_slice %arg6[%add3A_154, %dma_start3A_155] : memref<158x128xi32, #tpu.memory_space<vmem>> -> memref<1x128xi32, #tpu.memory_space<vmem>>
          %dma_start3A_157 = tpu.memref_squeeze %dma_start3A_156 : memref<1x128xi32, #tpu.memory_space<vmem>> -> memref<128xi32, #tpu.memory_space<vmem>>
          %dma_start3A_158 = arith.constant 0 : i32
          %dma_start3A_159 = arith.constant 0 : i32
          %dma_start3A_160 = tpu.memref_slice %arg4[%scan3A_59, %dma_start3A_158, %dma_start3A_159] : memref<4x10240x64xf32, #tpu.memory_space<hbm>> -> memref<1x10240x64xf32, #tpu.memory_space<hbm>>
          %dma_start3A_161 = tpu.memref_squeeze %dma_start3A_160 : memref<1x10240x64xf32, #tpu.memory_space<hbm>> -> memref<10240x64xf32, #tpu.memory_space<hbm>>
          %dma_start3A_162 = arith.constant 0 : i32
          %dma_start3A_163 = arith.constant 0 : i32
          %dma_start3A_164 = tpu.memref_slice %dma_start3A_161[%dma_start3A_162, %dma_start3A_163] : memref<10240x64xf32, #tpu.memory_space<hbm>> -> memref<10240x64xf32, #tpu.memory_space<hbm>>
          tpu.enqueue_indirect_dma source(%dma_start3A_164 : memref<10240x64xf32, #tpu.memory_space<hbm>>) target(%arg9 : memref<128x64xf32, #tpu.memory_space<vmem>>) offsets(%dma_start3A_157 : memref<128xi32, #tpu.memory_space<vmem>>) semaphore(%arg13 : memref<!tpu.dma_semaphore, #tpu.memory_space<semaphore_mem>>)
        } else {
        }
        %scan3A_152 = arith.constant 0 : i32
        scf.yield %scan3A_152 : i32
      }
      %scan3A_66 = arith.constant 79 : i32
      %barrier3A_67 = arith.constant 0 : index
      tpu.barrier barrier_id(%barrier3A_67)
      "tpu.region"() ({
        %run_scoped3A = tpu.sem_alloc : memref<!tpu.dma_semaphore, #tpu.memory_space<semaphore_mem>>
        %dma_start3A_112 = arith.constant 0 : i32
        %dma_start3A_113 = tpu.memref_slice %arg5[%mul3A_0, %dma_start3A_112] : memref<10240x256xf32, #tpu.memory_space<hbm>> -> memref<640x64xf32, #tpu.memory_space<hbm>>
        %dma_start3A_114 = arith.constant 0 : i32
        %dma_start3A_115 = tpu.memref_slice %arg11[%mul3A_0, %dma_start3A_114] : memref<10240x64xf32, #tpu.memory_space<vmem_shared>> -> memref<640x64xf32, #tpu.memory_space<vmem_shared>>
        tpu.enqueue_dma source(%dma_start3A_115 : memref<640x64xf32, #tpu.memory_space<vmem_shared>>) target(%dma_start3A_113 : memref<640x64xf32, #tpu.memory_space<hbm>>) target_semaphore(%run_scoped3A : memref<!tpu.dma_semaphore, #tpu.memory_space<semaphore_mem>>)
        %dma_wait3A = arith.constant 0 : i32
        %dma_wait3A_116 = tpu.memref_slice %arg5[%mul3A_0, %dma_wait3A] : memref<10240x256xf32, #tpu.memory_space<hbm>> -> memref<640x64xf32, #tpu.memory_space<hbm>>
        %dma_wait3A_117 = arith.constant 0 : i32
        %dma_wait3A_118 = tpu.memref_slice %arg11[%mul3A_0, %dma_wait3A_117] : memref<10240x64xf32, #tpu.memory_space<vmem_shared>> -> memref<640x64xf32, #tpu.memory_space<vmem_shared>>
        tpu.wait_dma2 semaphore(%run_scoped3A : memref<!tpu.dma_semaphore, #tpu.memory_space<semaphore_mem>>) src(%dma_wait3A_118 : memref<640x64xf32, #tpu.memory_space<vmem_shared>>) dst(%dma_wait3A_116 : memref<640x64xf32, #tpu.memory_space<hbm>>)
        tpu.yield
      }) : () -> ()
      %add3A_68 = arith.constant 0 : i32
      %add3A_69 = arith.addi %mul3A_0, %add3A_68 : i32
      "tpu.region"() ({
        %run_scoped3A = tpu.sem_alloc : memref<!tpu.dma_semaphore, #tpu.memory_space<semaphore_mem>>
        %dma_start3A_112 = arith.constant 0 : i32
        %dma_start3A_113 = tpu.memref_slice %arg11[%add3A_69, %dma_start3A_112] : memref<10240x64xf32, #tpu.memory_space<vmem_shared>> -> memref<128x64xf32, #tpu.memory_space<vmem_shared>>
        %dma_start3A_114 = arith.constant 0 : i32
        %dma_start3A_115 = tpu.memref_slice %arg11[%add3A_69, %dma_start3A_114] : memref<10240x64xf32, #tpu.memory_space<vmem_shared>> -> memref<128x64xf32, #tpu.memory_space<vmem_shared>>
        tpu.enqueue_dma source(%arg10 : memref<128x64xf32, #tpu.memory_space<vmem>>) target(%dma_start3A_115 : memref<128x64xf32, #tpu.memory_space<vmem_shared>>) target_semaphore(%run_scoped3A : memref<!tpu.dma_semaphore, #tpu.memory_space<semaphore_mem>>)
        %dma_wait3A = arith.constant 0 : i32
        %dma_wait3A_116 = tpu.memref_slice %arg11[%add3A_69, %dma_wait3A] : memref<10240x64xf32, #tpu.memory_space<vmem_shared>> -> memref<128x64xf32, #tpu.memory_space<vmem_shared>>
        %dma_wait3A_117 = arith.constant 0 : i32
        %dma_wait3A_118 = tpu.memref_slice %arg11[%add3A_69, %dma_wait3A_117] : memref<10240x64xf32, #tpu.memory_space<vmem_shared>> -> memref<128x64xf32, #tpu.memory_space<vmem_shared>>
        tpu.wait_dma2 semaphore(%run_scoped3A : memref<!tpu.dma_semaphore, #tpu.memory_space<semaphore_mem>>) src(%arg10 : memref<128x64xf32, #tpu.memory_space<vmem>>) dst(%dma_wait3A_118 : memref<128x64xf32, #tpu.memory_space<vmem_shared>>)
        tpu.yield
      }) : () -> ()
      %add3A_70 = arith.constant 128 : i32
      %add3A_71 = arith.addi %mul3A_0, %add3A_70 : i32
      "tpu.region"() ({
        %run_scoped3A = tpu.sem_alloc : memref<!tpu.dma_semaphore, #tpu.memory_space<semaphore_mem>>
        %dma_start3A_112 = arith.constant 0 : i32
        %dma_start3A_113 = tpu.memref_slice %arg11[%add3A_71, %dma_start3A_112] : memref<10240x64xf32, #tpu.memory_space<vmem_shared>> -> memref<128x64xf32, #tpu.memory_space<vmem_shared>>
        %dma_start3A_114 = arith.constant 0 : i32
        %dma_start3A_115 = tpu.memref_slice %arg11[%add3A_71, %dma_start3A_114] : memref<10240x64xf32, #tpu.memory_space<vmem_shared>> -> memref<128x64xf32, #tpu.memory_space<vmem_shared>>
        tpu.enqueue_dma source(%arg10 : memref<128x64xf32, #tpu.memory_space<vmem>>) target(%dma_start3A_115 : memref<128x64xf32, #tpu.memory_space<vmem_shared>>) target_semaphore(%run_scoped3A : memref<!tpu.dma_semaphore, #tpu.memory_space<semaphore_mem>>)
        %dma_wait3A = arith.constant 0 : i32
        %dma_wait3A_116 = tpu.memref_slice %arg11[%add3A_71, %dma_wait3A] : memref<10240x64xf32, #tpu.memory_space<vmem_shared>> -> memref<128x64xf32, #tpu.memory_space<vmem_shared>>
        %dma_wait3A_117 = arith.constant 0 : i32
        %dma_wait3A_118 = tpu.memref_slice %arg11[%add3A_71, %dma_wait3A_117] : memref<10240x64xf32, #tpu.memory_space<vmem_shared>> -> memref<128x64xf32, #tpu.memory_space<vmem_shared>>
        tpu.wait_dma2 semaphore(%run_scoped3A : memref<!tpu.dma_semaphore, #tpu.memory_space<semaphore_mem>>) src(%arg10 : memref<128x64xf32, #tpu.memory_space<vmem>>) dst(%dma_wait3A_118 : memref<128x64xf32, #tpu.memory_space<vmem_shared>>)
        tpu.yield
      }) : () -> ()
      %add3A_72 = arith.constant 256 : i32
      %add3A_73 = arith.addi %mul3A_0, %add3A_72 : i32
      "tpu.region"() ({
        %run_scoped3A = tpu.sem_alloc : memref<!tpu.dma_semaphore, #tpu.memory_space<semaphore_mem>>
        %dma_start3A_112 = arith.constant 0 : i32
        %dma_start3A_113 = tpu.memref_slice %arg11[%add3A_73, %dma_start3A_112] : memref<10240x64xf32, #tpu.memory_space<vmem_shared>> -> memref<128x64xf32, #tpu.memory_space<vmem_shared>>
        %dma_start3A_114 = arith.constant 0 : i32
        %dma_start3A_115 = tpu.memref_slice %arg11[%add3A_73, %dma_start3A_114] : memref<10240x64xf32, #tpu.memory_space<vmem_shared>> -> memref<128x64xf32, #tpu.memory_space<vmem_shared>>
        tpu.enqueue_dma source(%arg10 : memref<128x64xf32, #tpu.memory_space<vmem>>) target(%dma_start3A_115 : memref<128x64xf32, #tpu.memory_space<vmem_shared>>) target_semaphore(%run_scoped3A : memref<!tpu.dma_semaphore, #tpu.memory_space<semaphore_mem>>)
        %dma_wait3A = arith.constant 0 : i32
        %dma_wait3A_116 = tpu.memref_slice %arg11[%add3A_73, %dma_wait3A] : memref<10240x64xf32, #tpu.memory_space<vmem_shared>> -> memref<128x64xf32, #tpu.memory_space<vmem_shared>>
        %dma_wait3A_117 = arith.constant 0 : i32
        %dma_wait3A_118 = tpu.memref_slice %arg11[%add3A_73, %dma_wait3A_117] : memref<10240x64xf32, #tpu.memory_space<vmem_shared>> -> memref<128x64xf32, #tpu.memory_space<vmem_shared>>
        tpu.wait_dma2 semaphore(%run_scoped3A : memref<!tpu.dma_semaphore, #tpu.memory_space<semaphore_mem>>) src(%arg10 : memref<128x64xf32, #tpu.memory_space<vmem>>) dst(%dma_wait3A_118 : memref<128x64xf32, #tpu.memory_space<vmem_shared>>)
        tpu.yield
      }) : () -> ()
      %add3A_74 = arith.constant 384 : i32
      %add3A_75 = arith.addi %mul3A_0, %add3A_74 : i32
      "tpu.region"() ({
        %run_scoped3A = tpu.sem_alloc : memref<!tpu.dma_semaphore, #tpu.memory_space<semaphore_mem>>
        %dma_start3A_112 = arith.constant 0 : i32
        %dma_start3A_113 = tpu.memref_slice %arg11[%add3A_75, %dma_start3A_112] : memref<10240x64xf32, #tpu.memory_space<vmem_shared>> -> memref<128x64xf32, #tpu.memory_space<vmem_shared>>
        %dma_start3A_114 = arith.constant 0 : i32
        %dma_start3A_115 = tpu.memref_slice %arg11[%add3A_75, %dma_start3A_114] : memref<10240x64xf32, #tpu.memory_space<vmem_shared>> -> memref<128x64xf32, #tpu.memory_space<vmem_shared>>
        tpu.enqueue_dma source(%arg10 : memref<128x64xf32, #tpu.memory_space<vmem>>) target(%dma_start3A_115 : memref<128x64xf32, #tpu.memory_space<vmem_shared>>) target_semaphore(%run_scoped3A : memref<!tpu.dma_semaphore, #tpu.memory_space<semaphore_mem>>)
        %dma_wait3A = arith.constant 0 : i32
        %dma_wait3A_116 = tpu.memref_slice %arg11[%add3A_75, %dma_wait3A] : memref<10240x64xf32, #tpu.memory_space<vmem_shared>> -> memref<128x64xf32, #tpu.memory_space<vmem_shared>>
        %dma_wait3A_117 = arith.constant 0 : i32
        %dma_wait3A_118 = tpu.memref_slice %arg11[%add3A_75, %dma_wait3A_117] : memref<10240x64xf32, #tpu.memory_space<vmem_shared>> -> memref<128x64xf32, #tpu.memory_space<vmem_shared>>
        tpu.wait_dma2 semaphore(%run_scoped3A : memref<!tpu.dma_semaphore, #tpu.memory_space<semaphore_mem>>) src(%arg10 : memref<128x64xf32, #tpu.memory_space<vmem>>) dst(%dma_wait3A_118 : memref<128x64xf32, #tpu.memory_space<vmem_shared>>)
        tpu.yield
      }) : () -> ()
      %add3A_76 = arith.constant 512 : i32
      %add3A_77 = arith.addi %mul3A_0, %add3A_76 : i32
      "tpu.region"() ({
        %run_scoped3A = tpu.sem_alloc : memref<!tpu.dma_semaphore, #tpu.memory_space<semaphore_mem>>
        %dma_start3A_112 = arith.constant 0 : i32
        %dma_start3A_113 = tpu.memref_slice %arg11[%add3A_77, %dma_start3A_112] : memref<10240x64xf32, #tpu.memory_space<vmem_shared>> -> memref<128x64xf32, #tpu.memory_space<vmem_shared>>
        %dma_start3A_114 = arith.constant 0 : i32
        %dma_start3A_115 = tpu.memref_slice %arg11[%add3A_77, %dma_start3A_114] : memref<10240x64xf32, #tpu.memory_space<vmem_shared>> -> memref<128x64xf32, #tpu.memory_space<vmem_shared>>
        tpu.enqueue_dma source(%arg10 : memref<128x64xf32, #tpu.memory_space<vmem>>) target(%dma_start3A_115 : memref<128x64xf32, #tpu.memory_space<vmem_shared>>) target_semaphore(%run_scoped3A : memref<!tpu.dma_semaphore, #tpu.memory_space<semaphore_mem>>)
        %dma_wait3A = arith.constant 0 : i32
        %dma_wait3A_116 = tpu.memref_slice %arg11[%add3A_77, %dma_wait3A] : memref<10240x64xf32, #tpu.memory_space<vmem_shared>> -> memref<128x64xf32, #tpu.memory_space<vmem_shared>>
        %dma_wait3A_117 = arith.constant 0 : i32
        %dma_wait3A_118 = tpu.memref_slice %arg11[%add3A_77, %dma_wait3A_117] : memref<10240x64xf32, #tpu.memory_space<vmem_shared>> -> memref<128x64xf32, #tpu.memory_space<vmem_shared>>
        tpu.wait_dma2 semaphore(%run_scoped3A : memref<!tpu.dma_semaphore, #tpu.memory_space<semaphore_mem>>) src(%arg10 : memref<128x64xf32, #tpu.memory_space<vmem>>) dst(%dma_wait3A_118 : memref<128x64xf32, #tpu.memory_space<vmem_shared>>)
        tpu.yield
      }) : () -> ()
      %barrier3A_78 = arith.constant 0 : index
      tpu.barrier barrier_id(%barrier3A_78)
      %dma_start3A_79 = arith.constant 1 : i32
      %dma_start3A_80 = arith.constant 0 : i32
      %dma_start3A_81 = arith.constant 0 : i32
      %dma_start3A_82 = tpu.memref_slice %arg6[%dma_start3A_80, %dma_start3A_81] : memref<158x128xi32, #tpu.memory_space<vmem>> -> memref<1x128xi32, #tpu.memory_space<vmem>>
      %dma_start3A_83 = tpu.memref_squeeze %dma_start3A_82 : memref<1x128xi32, #tpu.memory_space<vmem>> -> memref<128xi32, #tpu.memory_space<vmem>>
      %dma_start3A_84 = arith.constant 0 : i32
      %dma_start3A_85 = arith.constant 0 : i32
      %dma_start3A_86 = tpu.memref_slice %arg4[%dma_start3A_79, %dma_start3A_84, %dma_start3A_85] : memref<4x10240x64xf32, #tpu.memory_space<hbm>> -> memref<1x10240x64xf32, #tpu.memory_space<hbm>>
      %dma_start3A_87 = tpu.memref_squeeze %dma_start3A_86 : memref<1x10240x64xf32, #tpu.memory_space<hbm>> -> memref<10240x64xf32, #tpu.memory_space<hbm>>
      %dma_start3A_88 = arith.constant 0 : i32
      %dma_start3A_89 = arith.constant 0 : i32
      %dma_start3A_90 = tpu.memref_slice %dma_start3A_87[%dma_start3A_88, %dma_start3A_89] : memref<10240x64xf32, #tpu.memory_space<hbm>> -> memref<10240x64xf32, #tpu.memory_space<hbm>>
      tpu.enqueue_indirect_dma source(%dma_start3A_90 : memref<10240x64xf32, #tpu.memory_space<hbm>>) target(%arg8 : memref<128x64xf32, #tpu.memory_space<vmem>>) offsets(%dma_start3A_83 : memref<128xi32, #tpu.memory_space<vmem>>) semaphore(%arg12 : memref<!tpu.dma_semaphore, #tpu.memory_space<semaphore_mem>>)
      %dma_start3A_91 = arith.constant 1 : i32
      %dma_start3A_92 = arith.constant 1 : i32
      %dma_start3A_93 = arith.constant 0 : i32
      %dma_start3A_94 = tpu.memref_slice %arg6[%dma_start3A_92, %dma_start3A_93] : memref<158x128xi32, #tpu.memory_space<vmem>> -> memref<1x128xi32, #tpu.memory_space<vmem>>
      %dma_start3A_95 = tpu.memref_squeeze %dma_start3A_94 : memref<1x128xi32, #tpu.memory_space<vmem>> -> memref<128xi32, #tpu.memory_space<vmem>>
      %dma_start3A_96 = arith.constant 0 : i32
      %dma_start3A_97 = arith.constant 0 : i32
      %dma_start3A_98 = tpu.memref_slice %arg4[%dma_start3A_91, %dma_start3A_96, %dma_start3A_97] : memref<4x10240x64xf32, #tpu.memory_space<hbm>> -> memref<1x10240x64xf32, #tpu.memory_space<hbm>>
      %dma_start3A_99 = tpu.memref_squeeze %dma_start3A_98 : memref<1x10240x64xf32, #tpu.memory_space<hbm>> -> memref<10240x64xf32, #tpu.memory_space<hbm>>
      %dma_start3A_100 = arith.constant 0 : i32
      %dma_start3A_101 = arith.constant 0 : i32
      %dma_start3A_102 = tpu.memref_slice %dma_start3A_99[%dma_start3A_100, %dma_start3A_101] : memref<10240x64xf32, #tpu.memory_space<hbm>> -> memref<10240x64xf32, #tpu.memory_space<hbm>>
      tpu.enqueue_indirect_dma source(%dma_start3A_102 : memref<10240x64xf32, #tpu.memory_space<hbm>>) target(%arg9 : memref<128x64xf32, #tpu.memory_space<vmem>>) offsets(%dma_start3A_95 : memref<128xi32, #tpu.memory_space<vmem>>) semaphore(%arg13 : memref<!tpu.dma_semaphore, #tpu.memory_space<semaphore_mem>>)
      %scan3A_103 = arith.constant 1 : i32
      %scan3A_104 = arith.constant 0 : i32
      %scan3A_105 = arith.constant 0 : i32
      %scan3A_106 = arith.constant 79 : i32
      %scan3A_107 = arith.addi %scan3A_105, %scan3A_106 : i32
      %scan3A_108 = arith.constant 1 : i32
      %scan3A_109 = scf.for %scan3A_112 = %scan3A_105 to %scan3A_107 step %scan3A_108 iter_args(%scan3A_113 = %scan3A_104) -> (i32)  : i32 {
        %mul3A_114 = arith.constant 2 : i32
        %mul3A_115 = arith.muli %mul3A_114, %scan3A_112 : i32
        %dma_wait3A = arith.constant 0 : i32
        %dma_wait3A_116 = arith.constant 0 : i32
        %dma_wait3A_117 = tpu.memref_slice %arg6[%dma_wait3A, %dma_wait3A_116] : memref<158x128xi32, #tpu.memory_space<vmem>> -> memref<1x128xi32, #tpu.memory_space<vmem>>
        %dma_wait3A_118 = tpu.memref_squeeze %dma_wait3A_117 : memref<1x128xi32, #tpu.memory_space<vmem>> -> memref<128xi32, #tpu.memory_space<vmem>>
        %dma_wait3A_119 = arith.constant 0 : i32
        %dma_wait3A_120 = arith.constant 0 : i32
        %dma_wait3A_121 = tpu.memref_slice %arg4[%scan3A_103, %dma_wait3A_119, %dma_wait3A_120] : memref<4x10240x64xf32, #tpu.memory_space<hbm>> -> memref<1x10240x64xf32, #tpu.memory_space<hbm>>
        %dma_wait3A_122 = tpu.memref_squeeze %dma_wait3A_121 : memref<1x10240x64xf32, #tpu.memory_space<hbm>> -> memref<10240x64xf32, #tpu.memory_space<hbm>>
        %dma_wait3A_123 = arith.constant 0 : i32
        %dma_wait3A_124 = arith.constant 0 : i32
        %dma_wait3A_125 = tpu.memref_slice %dma_wait3A_122[%dma_wait3A_123, %dma_wait3A_124] : memref<10240x64xf32, #tpu.memory_space<hbm>> -> memref<10240x64xf32, #tpu.memory_space<hbm>>
        tpu.wait_indirect_dma semaphore(%arg12 : memref<!tpu.dma_semaphore, #tpu.memory_space<semaphore_mem>>) src(%dma_wait3A_125 : memref<10240x64xf32, #tpu.memory_space<hbm>>) dst(%arg8 : memref<128x64xf32, #tpu.memory_space<vmem>>)
        "tpu.region"() ({
          %run_scoped3A = tpu.sem_alloc : memref<!tpu.dma_semaphore, #tpu.memory_space<semaphore_mem>>
          %dma_start3A_153 = arith.constant 0 : i32
          %dma_start3A_154 = tpu.memref_slice %arg7[%mul3A_115, %dma_start3A_153] : memref<158x128xi32, #tpu.memory_space<vmem>> -> memref<1x128xi32, #tpu.memory_space<vmem>>
          %dma_start3A_155 = tpu.memref_squeeze %dma_start3A_154 : memref<1x128xi32, #tpu.memory_space<vmem>> -> memref<128xi32, #tpu.memory_space<vmem>>
          %dma_start3A_156 = arith.constant 0 : i32
          %dma_start3A_157 = arith.constant 0 : i32
          %dma_start3A_158 = tpu.memref_slice %arg11[%dma_start3A_156, %dma_start3A_157] : memref<10240x64xf32, #tpu.memory_space<vmem_shared>> -> memref<10240x64xf32, #tpu.memory_space<vmem_shared>>
          tpu.enqueue_indirect_dma source(%arg8 : memref<128x64xf32, #tpu.memory_space<vmem>>) target(%dma_start3A_158 : memref<10240x64xf32, #tpu.memory_space<vmem_shared>>) offsets(%dma_start3A_155 : memref<128xi32, #tpu.memory_space<vmem>>) semaphore(%run_scoped3A : memref<!tpu.dma_semaphore, #tpu.memory_space<semaphore_mem>>) {add = true}
          %dma_wait3A_159 = arith.constant 0 : i32
          %dma_wait3A_160 = tpu.memref_slice %arg7[%mul3A_115, %dma_wait3A_159] : memref<158x128xi32, #tpu.memory_space<vmem>> -> memref<1x128xi32, #tpu.memory_space<vmem>>
          %dma_wait3A_161 = tpu.memref_squeeze %dma_wait3A_160 : memref<1x128xi32, #tpu.memory_space<vmem>> -> memref<128xi32, #tpu.memory_space<vmem>>
          %dma_wait3A_162 = arith.constant 0 : i32
          %dma_wait3A_163 = arith.constant 0 : i32
          %dma_wait3A_164 = tpu.memref_slice %arg11[%dma_wait3A_162, %dma_wait3A_163] : memref<10240x64xf32, #tpu.memory_space<vmem_shared>> -> memref<10240x64xf32, #tpu.memory_space<vmem_shared>>
          tpu.wait_indirect_dma semaphore(%run_scoped3A : memref<!tpu.dma_semaphore, #tpu.memory_space<semaphore_mem>>) src(%arg8 : memref<128x64xf32, #tpu.memory_space<vmem>>) dst(%dma_wait3A_164 : memref<10240x64xf32, #tpu.memory_space<vmem_shared>>)
          tpu.yield
        }) : () -> ()
        %add3A_126 = arith.constant 2 : i32
        %add3A_127 = arith.addi %mul3A_115, %add3A_126 : i32
        %lt3A = arith.constant 158 : i32
        %lt3A_128 = arith.cmpi slt, %add3A_127, %lt3A : i32
        %convert_element_type3A_129 = arith.extui %lt3A_128 : i1 to i32
        %cond3A_130 = arith.constant 0 : i32
        %cond3A_131 = arith.cmpi ne, %convert_element_type3A_129, %cond3A_130 : i32
        scf.if %cond3A_131 {
          %add3A_153 = arith.constant 2 : i32
          %add3A_154 = arith.addi %mul3A_115, %add3A_153 : i32
          %dma_start3A_155 = arith.constant 0 : i32
          %dma_start3A_156 = tpu.memref_slice %arg6[%add3A_154, %dma_start3A_155] : memref<158x128xi32, #tpu.memory_space<vmem>> -> memref<1x128xi32, #tpu.memory_space<vmem>>
          %dma_start3A_157 = tpu.memref_squeeze %dma_start3A_156 : memref<1x128xi32, #tpu.memory_space<vmem>> -> memref<128xi32, #tpu.memory_space<vmem>>
          %dma_start3A_158 = arith.constant 0 : i32
          %dma_start3A_159 = arith.constant 0 : i32
          %dma_start3A_160 = tpu.memref_slice %arg4[%scan3A_103, %dma_start3A_158, %dma_start3A_159] : memref<4x10240x64xf32, #tpu.memory_space<hbm>> -> memref<1x10240x64xf32, #tpu.memory_space<hbm>>
          %dma_start3A_161 = tpu.memref_squeeze %dma_start3A_160 : memref<1x10240x64xf32, #tpu.memory_space<hbm>> -> memref<10240x64xf32, #tpu.memory_space<hbm>>
          %dma_start3A_162 = arith.constant 0 : i32
          %dma_start3A_163 = arith.constant 0 : i32
          %dma_start3A_164 = tpu.memref_slice %dma_start3A_161[%dma_start3A_162, %dma_start3A_163] : memref<10240x64xf32, #tpu.memory_space<hbm>> -> memref<10240x64xf32, #tpu.memory_space<hbm>>
          tpu.enqueue_indirect_dma source(%dma_start3A_164 : memref<10240x64xf32, #tpu.memory_space<hbm>>) target(%arg8 : memref<128x64xf32, #tpu.memory_space<vmem>>) offsets(%dma_start3A_157 : memref<128xi32, #tpu.memory_space<vmem>>) semaphore(%arg12 : memref<!tpu.dma_semaphore, #tpu.memory_space<semaphore_mem>>)
        } else {
        }
        %dma_wait3A_132 = arith.constant 1 : i32
        %dma_wait3A_133 = arith.constant 0 : i32
        %dma_wait3A_134 = tpu.memref_slice %arg6[%dma_wait3A_132, %dma_wait3A_133] : memref<158x128xi32, #tpu.memory_space<vmem>> -> memref<1x128xi32, #tpu.memory_space<vmem>>
        %dma_wait3A_135 = tpu.memref_squeeze %dma_wait3A_134 : memref<1x128xi32, #tpu.memory_space<vmem>> -> memref<128xi32, #tpu.memory_space<vmem>>
        %dma_wait3A_136 = arith.constant 0 : i32
        %dma_wait3A_137 = arith.constant 0 : i32
        %dma_wait3A_138 = tpu.memref_slice %arg4[%scan3A_103, %dma_wait3A_136, %dma_wait3A_137] : memref<4x10240x64xf32, #tpu.memory_space<hbm>> -> memref<1x10240x64xf32, #tpu.memory_space<hbm>>
        %dma_wait3A_139 = tpu.memref_squeeze %dma_wait3A_138 : memref<1x10240x64xf32, #tpu.memory_space<hbm>> -> memref<10240x64xf32, #tpu.memory_space<hbm>>
        %dma_wait3A_140 = arith.constant 0 : i32
        %dma_wait3A_141 = arith.constant 0 : i32
        %dma_wait3A_142 = tpu.memref_slice %dma_wait3A_139[%dma_wait3A_140, %dma_wait3A_141] : memref<10240x64xf32, #tpu.memory_space<hbm>> -> memref<10240x64xf32, #tpu.memory_space<hbm>>
        tpu.wait_indirect_dma semaphore(%arg13 : memref<!tpu.dma_semaphore, #tpu.memory_space<semaphore_mem>>) src(%dma_wait3A_142 : memref<10240x64xf32, #tpu.memory_space<hbm>>) dst(%arg9 : memref<128x64xf32, #tpu.memory_space<vmem>>)
        %add3A_143 = arith.constant 1 : i32
        %add3A_144 = arith.addi %mul3A_115, %add3A_143 : i32
        "tpu.region"() ({
          %run_scoped3A = tpu.sem_alloc : memref<!tpu.dma_semaphore, #tpu.memory_space<semaphore_mem>>
          %dma_start3A_153 = arith.constant 0 : i32
          %dma_start3A_154 = tpu.memref_slice %arg7[%add3A_144, %dma_start3A_153] : memref<158x128xi32, #tpu.memory_space<vmem>> -> memref<1x128xi32, #tpu.memory_space<vmem>>
          %dma_start3A_155 = tpu.memref_squeeze %dma_start3A_154 : memref<1x128xi32, #tpu.memory_space<vmem>> -> memref<128xi32, #tpu.memory_space<vmem>>
          %dma_start3A_156 = arith.constant 0 : i32
          %dma_start3A_157 = arith.constant 0 : i32
          %dma_start3A_158 = tpu.memref_slice %arg11[%dma_start3A_156, %dma_start3A_157] : memref<10240x64xf32, #tpu.memory_space<vmem_shared>> -> memref<10240x64xf32, #tpu.memory_space<vmem_shared>>
          tpu.enqueue_indirect_dma source(%arg9 : memref<128x64xf32, #tpu.memory_space<vmem>>) target(%dma_start3A_158 : memref<10240x64xf32, #tpu.memory_space<vmem_shared>>) offsets(%dma_start3A_155 : memref<128xi32, #tpu.memory_space<vmem>>) semaphore(%run_scoped3A : memref<!tpu.dma_semaphore, #tpu.memory_space<semaphore_mem>>) {add = true}
          %dma_wait3A_159 = arith.constant 0 : i32
          %dma_wait3A_160 = tpu.memref_slice %arg7[%add3A_144, %dma_wait3A_159] : memref<158x128xi32, #tpu.memory_space<vmem>> -> memref<1x128xi32, #tpu.memory_space<vmem>>
          %dma_wait3A_161 = tpu.memref_squeeze %dma_wait3A_160 : memref<1x128xi32, #tpu.memory_space<vmem>> -> memref<128xi32, #tpu.memory_space<vmem>>
          %dma_wait3A_162 = arith.constant 0 : i32
          %dma_wait3A_163 = arith.constant 0 : i32
          %dma_wait3A_164 = tpu.memref_slice %arg11[%dma_wait3A_162, %dma_wait3A_163] : memref<10240x64xf32, #tpu.memory_space<vmem_shared>> -> memref<10240x64xf32, #tpu.memory_space<vmem_shared>>
          tpu.wait_indirect_dma semaphore(%run_scoped3A : memref<!tpu.dma_semaphore, #tpu.memory_space<semaphore_mem>>) src(%arg9 : memref<128x64xf32, #tpu.memory_space<vmem>>) dst(%dma_wait3A_164 : memref<10240x64xf32, #tpu.memory_space<vmem_shared>>)
          tpu.yield
        }) : () -> ()
        %add3A_145 = arith.constant 3 : i32
        %add3A_146 = arith.addi %mul3A_115, %add3A_145 : i32
        %lt3A_147 = arith.constant 158 : i32
        %lt3A_148 = arith.cmpi slt, %add3A_146, %lt3A_147 : i32
        %convert_element_type3A_149 = arith.extui %lt3A_148 : i1 to i32
        %cond3A_150 = arith.constant 0 : i32
        %cond3A_151 = arith.cmpi ne, %convert_element_type3A_149, %cond3A_150 : i32
        scf.if %cond3A_151 {
          %add3A_153 = arith.constant 3 : i32
          %add3A_154 = arith.addi %mul3A_115, %add3A_153 : i32
          %dma_start3A_155 = arith.constant 0 : i32
          %dma_start3A_156 = tpu.memref_slice %arg6[%add3A_154, %dma_start3A_155] : memref<158x128xi32, #tpu.memory_space<vmem>> -> memref<1x128xi32, #tpu.memory_space<vmem>>
          %dma_start3A_157 = tpu.memref_squeeze %dma_start3A_156 : memref<1x128xi32, #tpu.memory_space<vmem>> -> memref<128xi32, #tpu.memory_space<vmem>>
          %dma_start3A_158 = arith.constant 0 : i32
          %dma_start3A_159 = arith.constant 0 : i32
          %dma_start3A_160 = tpu.memref_slice %arg4[%scan3A_103, %dma_start3A_158, %dma_start3A_159] : memref<4x10240x64xf32, #tpu.memory_space<hbm>> -> memref<1x10240x64xf32, #tpu.memory_space<hbm>>
          %dma_start3A_161 = tpu.memref_squeeze %dma_start3A_160 : memref<1x10240x64xf32, #tpu.memory_space<hbm>> -> memref<10240x64xf32, #tpu.memory_space<hbm>>
          %dma_start3A_162 = arith.constant 0 : i32
          %dma_start3A_163 = arith.constant 0 : i32
          %dma_start3A_164 = tpu.memref_slice %dma_start3A_161[%dma_start3A_162, %dma_start3A_163] : memref<10240x64xf32, #tpu.memory_space<hbm>> -> memref<10240x64xf32, #tpu.memory_space<hbm>>
          tpu.enqueue_indirect_dma source(%dma_start3A_164 : memref<10240x64xf32, #tpu.memory_space<hbm>>) target(%arg9 : memref<128x64xf32, #tpu.memory_space<vmem>>) offsets(%dma_start3A_157 : memref<128xi32, #tpu.memory_space<vmem>>) semaphore(%arg13 : memref<!tpu.dma_semaphore, #tpu.memory_space<semaphore_mem>>)
        } else {
        }
        %scan3A_152 = arith.constant 0 : i32
        scf.yield %scan3A_152 : i32
      }
      %scan3A_110 = arith.constant 79 : i32
      %barrier3A_111 = arith.constant 0 : index
      tpu.barrier barrier_id(%barrier3A_111)
      "tpu.region"() ({
        %run_scoped3A = tpu.sem_alloc : memref<!tpu.dma_semaphore, #tpu.memory_space<semaphore_mem>>
        %dma_start3A_112 = arith.constant 64 : i32
        %dma_start3A_113 = tpu.memref_slice %arg5[%mul3A_0, %dma_start3A_112] : memref<10240x256xf32, #tpu.memory_space<hbm>> -> memref<640x64xf32, #tpu.memory_space<hbm>>
        %dma_start3A_114 = arith.constant 0 : i32
        %dma_start3A_115 = tpu.memref_slice %arg11[%mul3A_0, %dma_start3A_114] : memref<10240x64xf32, #tpu.memory_space<vmem_shared>> -> memref<640x64xf32, #tpu.memory_space<vmem_shared>>
        tpu.enqueue_dma source(%dma_start3A_115 : memref<640x64xf32, #tpu.memory_space<vmem_shared>>) target(%dma_start3A_113 : memref<640x64xf32, #tpu.memory_space<hbm>>) target_semaphore(%run_scoped3A : memref<!tpu.dma_semaphore, #tpu.memory_space<semaphore_mem>>)
        %dma_wait3A = arith.constant 64 : i32
        %dma_wait3A_116 = tpu.memref_slice %arg5[%mul3A_0, %dma_wait3A] : memref<10240x256xf32, #tpu.memory_space<hbm>> -> memref<640x64xf32, #tpu.memory_space<hbm>>
        %dma_wait3A_117 = arith.constant 0 : i32
        %dma_wait3A_118 = tpu.memref_slice %arg11[%mul3A_0, %dma_wait3A_117] : memref<10240x64xf32, #tpu.memory_space<vmem_shared>> -> memref<640x64xf32, #tpu.memory_space<vmem_shared>>
        tpu.wait_dma2 semaphore(%run_scoped3A : memref<!tpu.dma_semaphore, #tpu.memory_space<semaphore_mem>>) src(%dma_wait3A_118 : memref<640x64xf32, #tpu.memory_space<vmem_shared>>) dst(%dma_wait3A_116 : memref<640x64xf32, #tpu.memory_space<hbm>>)
        tpu.yield
      }) : () -> ()
    } else {
    }
    %eq3A_21 = arith.constant 1 : i32
    %eq3A_22 = arith.cmpi eq, %arg0, %eq3A_21 : i32
    %convert_element_type3A_23 = arith.extui %eq3A_22 : i1 to i32
    %cond3A_24 = arith.constant 0 : i32
    %cond3A_25 = arith.cmpi ne, %convert_element_type3A_23, %cond3A_24 : i32
    scf.if %cond3A_25 {
      %add3A_26 = arith.constant 0 : i32
      %add3A_27 = arith.addi %mul3A_0, %add3A_26 : i32
      "tpu.region"() ({
        %run_scoped3A = tpu.sem_alloc : memref<!tpu.dma_semaphore, #tpu.memory_space<semaphore_mem>>
        %dma_start3A_112 = arith.constant 0 : i32
        %dma_start3A_113 = tpu.memref_slice %arg11[%add3A_27, %dma_start3A_112] : memref<10240x64xf32, #tpu.memory_space<vmem_shared>> -> memref<128x64xf32, #tpu.memory_space<vmem_shared>>
        %dma_start3A_114 = arith.constant 0 : i32
        %dma_start3A_115 = tpu.memref_slice %arg11[%add3A_27, %dma_start3A_114] : memref<10240x64xf32, #tpu.memory_space<vmem_shared>> -> memref<128x64xf32, #tpu.memory_space<vmem_shared>>
        tpu.enqueue_dma source(%arg10 : memref<128x64xf32, #tpu.memory_space<vmem>>) target(%dma_start3A_115 : memref<128x64xf32, #tpu.memory_space<vmem_shared>>) target_semaphore(%run_scoped3A : memref<!tpu.dma_semaphore, #tpu.memory_space<semaphore_mem>>)
        %dma_wait3A = arith.constant 0 : i32
        %dma_wait3A_116 = tpu.memref_slice %arg11[%add3A_27, %dma_wait3A] : memref<10240x64xf32, #tpu.memory_space<vmem_shared>> -> memref<128x64xf32, #tpu.memory_space<vmem_shared>>
        %dma_wait3A_117 = arith.constant 0 : i32
        %dma_wait3A_118 = tpu.memref_slice %arg11[%add3A_27, %dma_wait3A_117] : memref<10240x64xf32, #tpu.memory_space<vmem_shared>> -> memref<128x64xf32, #tpu.memory_space<vmem_shared>>
        tpu.wait_dma2 semaphore(%run_scoped3A : memref<!tpu.dma_semaphore, #tpu.memory_space<semaphore_mem>>) src(%arg10 : memref<128x64xf32, #tpu.memory_space<vmem>>) dst(%dma_wait3A_118 : memref<128x64xf32, #tpu.memory_space<vmem_shared>>)
        tpu.yield
      }) : () -> ()
      %add3A_28 = arith.constant 128 : i32
      %add3A_29 = arith.addi %mul3A_0, %add3A_28 : i32
      "tpu.region"() ({
        %run_scoped3A = tpu.sem_alloc : memref<!tpu.dma_semaphore, #tpu.memory_space<semaphore_mem>>
        %dma_start3A_112 = arith.constant 0 : i32
        %dma_start3A_113 = tpu.memref_slice %arg11[%add3A_29, %dma_start3A_112] : memref<10240x64xf32, #tpu.memory_space<vmem_shared>> -> memref<128x64xf32, #tpu.memory_space<vmem_shared>>
        %dma_start3A_114 = arith.constant 0 : i32
        %dma_start3A_115 = tpu.memref_slice %arg11[%add3A_29, %dma_start3A_114] : memref<10240x64xf32, #tpu.memory_space<vmem_shared>> -> memref<128x64xf32, #tpu.memory_space<vmem_shared>>
        tpu.enqueue_dma source(%arg10 : memref<128x64xf32, #tpu.memory_space<vmem>>) target(%dma_start3A_115 : memref<128x64xf32, #tpu.memory_space<vmem_shared>>) target_semaphore(%run_scoped3A : memref<!tpu.dma_semaphore, #tpu.memory_space<semaphore_mem>>)
        %dma_wait3A = arith.constant 0 : i32
        %dma_wait3A_116 = tpu.memref_slice %arg11[%add3A_29, %dma_wait3A] : memref<10240x64xf32, #tpu.memory_space<vmem_shared>> -> memref<128x64xf32, #tpu.memory_space<vmem_shared>>
        %dma_wait3A_117 = arith.constant 0 : i32
        %dma_wait3A_118 = tpu.memref_slice %arg11[%add3A_29, %dma_wait3A_117] : memref<10240x64xf32, #tpu.memory_space<vmem_shared>> -> memref<128x64xf32, #tpu.memory_space<vmem_shared>>
        tpu.wait_dma2 semaphore(%run_scoped3A : memref<!tpu.dma_semaphore, #tpu.memory_space<semaphore_mem>>) src(%arg10 : memref<128x64xf32, #tpu.memory_space<vmem>>) dst(%dma_wait3A_118 : memref<128x64xf32, #tpu.memory_space<vmem_shared>>)
        tpu.yield
      }) : () -> ()
      %add3A_30 = arith.constant 256 : i32
      %add3A_31 = arith.addi %mul3A_0, %add3A_30 : i32
      "tpu.region"() ({
        %run_scoped3A = tpu.sem_alloc : memref<!tpu.dma_semaphore, #tpu.memory_space<semaphore_mem>>
        %dma_start3A_112 = arith.constant 0 : i32
        %dma_start3A_113 = tpu.memref_slice %arg11[%add3A_31, %dma_start3A_112] : memref<10240x64xf32, #tpu.memory_space<vmem_shared>> -> memref<128x64xf32, #tpu.memory_space<vmem_shared>>
        %dma_start3A_114 = arith.constant 0 : i32
        %dma_start3A_115 = tpu.memref_slice %arg11[%add3A_31, %dma_start3A_114] : memref<10240x64xf32, #tpu.memory_space<vmem_shared>> -> memref<128x64xf32, #tpu.memory_space<vmem_shared>>
        tpu.enqueue_dma source(%arg10 : memref<128x64xf32, #tpu.memory_space<vmem>>) target(%dma_start3A_115 : memref<128x64xf32, #tpu.memory_space<vmem_shared>>) target_semaphore(%run_scoped3A : memref<!tpu.dma_semaphore, #tpu.memory_space<semaphore_mem>>)
        %dma_wait3A = arith.constant 0 : i32
        %dma_wait3A_116 = tpu.memref_slice %arg11[%add3A_31, %dma_wait3A] : memref<10240x64xf32, #tpu.memory_space<vmem_shared>> -> memref<128x64xf32, #tpu.memory_space<vmem_shared>>
        %dma_wait3A_117 = arith.constant 0 : i32
        %dma_wait3A_118 = tpu.memref_slice %arg11[%add3A_31, %dma_wait3A_117] : memref<10240x64xf32, #tpu.memory_space<vmem_shared>> -> memref<128x64xf32, #tpu.memory_space<vmem_shared>>
        tpu.wait_dma2 semaphore(%run_scoped3A : memref<!tpu.dma_semaphore, #tpu.memory_space<semaphore_mem>>) src(%arg10 : memref<128x64xf32, #tpu.memory_space<vmem>>) dst(%dma_wait3A_118 : memref<128x64xf32, #tpu.memory_space<vmem_shared>>)
        tpu.yield
      }) : () -> ()
      %add3A_32 = arith.constant 384 : i32
      %add3A_33 = arith.addi %mul3A_0, %add3A_32 : i32
      "tpu.region"() ({
        %run_scoped3A = tpu.sem_alloc : memref<!tpu.dma_semaphore, #tpu.memory_space<semaphore_mem>>
        %dma_start3A_112 = arith.constant 0 : i32
        %dma_start3A_113 = tpu.memref_slice %arg11[%add3A_33, %dma_start3A_112] : memref<10240x64xf32, #tpu.memory_space<vmem_shared>> -> memref<128x64xf32, #tpu.memory_space<vmem_shared>>
        %dma_start3A_114 = arith.constant 0 : i32
        %dma_start3A_115 = tpu.memref_slice %arg11[%add3A_33, %dma_start3A_114] : memref<10240x64xf32, #tpu.memory_space<vmem_shared>> -> memref<128x64xf32, #tpu.memory_space<vmem_shared>>
        tpu.enqueue_dma source(%arg10 : memref<128x64xf32, #tpu.memory_space<vmem>>) target(%dma_start3A_115 : memref<128x64xf32, #tpu.memory_space<vmem_shared>>) target_semaphore(%run_scoped3A : memref<!tpu.dma_semaphore, #tpu.memory_space<semaphore_mem>>)
        %dma_wait3A = arith.constant 0 : i32
        %dma_wait3A_116 = tpu.memref_slice %arg11[%add3A_33, %dma_wait3A] : memref<10240x64xf32, #tpu.memory_space<vmem_shared>> -> memref<128x64xf32, #tpu.memory_space<vmem_shared>>
        %dma_wait3A_117 = arith.constant 0 : i32
        %dma_wait3A_118 = tpu.memref_slice %arg11[%add3A_33, %dma_wait3A_117] : memref<10240x64xf32, #tpu.memory_space<vmem_shared>> -> memref<128x64xf32, #tpu.memory_space<vmem_shared>>
        tpu.wait_dma2 semaphore(%run_scoped3A : memref<!tpu.dma_semaphore, #tpu.memory_space<semaphore_mem>>) src(%arg10 : memref<128x64xf32, #tpu.memory_space<vmem>>) dst(%dma_wait3A_118 : memref<128x64xf32, #tpu.memory_space<vmem_shared>>)
        tpu.yield
      }) : () -> ()
      %add3A_34 = arith.constant 512 : i32
      %add3A_35 = arith.addi %mul3A_0, %add3A_34 : i32
      "tpu.region"() ({
        %run_scoped3A = tpu.sem_alloc : memref<!tpu.dma_semaphore, #tpu.memory_space<semaphore_mem>>
        %dma_start3A_112 = arith.constant 0 : i32
        %dma_start3A_113 = tpu.memref_slice %arg11[%add3A_35, %dma_start3A_112] : memref<10240x64xf32, #tpu.memory_space<vmem_shared>> -> memref<128x64xf32, #tpu.memory_space<vmem_shared>>
        %dma_start3A_114 = arith.constant 0 : i32
        %dma_start3A_115 = tpu.memref_slice %arg11[%add3A_35, %dma_start3A_114] : memref<10240x64xf32, #tpu.memory_space<vmem_shared>> -> memref<128x64xf32, #tpu.memory_space<vmem_shared>>
        tpu.enqueue_dma source(%arg10 : memref<128x64xf32, #tpu.memory_space<vmem>>) target(%dma_start3A_115 : memref<128x64xf32, #tpu.memory_space<vmem_shared>>) target_semaphore(%run_scoped3A : memref<!tpu.dma_semaphore, #tpu.memory_space<semaphore_mem>>)
        %dma_wait3A = arith.constant 0 : i32
        %dma_wait3A_116 = tpu.memref_slice %arg11[%add3A_35, %dma_wait3A] : memref<10240x64xf32, #tpu.memory_space<vmem_shared>> -> memref<128x64xf32, #tpu.memory_space<vmem_shared>>
        %dma_wait3A_117 = arith.constant 0 : i32
        %dma_wait3A_118 = tpu.memref_slice %arg11[%add3A_35, %dma_wait3A_117] : memref<10240x64xf32, #tpu.memory_space<vmem_shared>> -> memref<128x64xf32, #tpu.memory_space<vmem_shared>>
        tpu.wait_dma2 semaphore(%run_scoped3A : memref<!tpu.dma_semaphore, #tpu.memory_space<semaphore_mem>>) src(%arg10 : memref<128x64xf32, #tpu.memory_space<vmem>>) dst(%dma_wait3A_118 : memref<128x64xf32, #tpu.memory_space<vmem_shared>>)
        tpu.yield
      }) : () -> ()
      %barrier3A = arith.constant 0 : index
      tpu.barrier barrier_id(%barrier3A)
      %dma_start3A = arith.constant 2 : i32
      %dma_start3A_36 = arith.constant 0 : i32
      %dma_start3A_37 = arith.constant 0 : i32
      %dma_start3A_38 = tpu.memref_slice %arg6[%dma_start3A_36, %dma_start3A_37] : memref<158x128xi32, #tpu.memory_space<vmem>> -> memref<1x128xi32, #tpu.memory_space<vmem>>
      %dma_start3A_39 = tpu.memref_squeeze %dma_start3A_38 : memref<1x128xi32, #tpu.memory_space<vmem>> -> memref<128xi32, #tpu.memory_space<vmem>>
      %dma_start3A_40 = arith.constant 0 : i32
      %dma_start3A_41 = arith.constant 0 : i32
      %dma_start3A_42 = tpu.memref_slice %arg4[%dma_start3A, %dma_start3A_40, %dma_start3A_41] : memref<4x10240x64xf32, #tpu.memory_space<hbm>> -> memref<1x10240x64xf32, #tpu.memory_space<hbm>>
      %dma_start3A_43 = tpu.memref_squeeze %dma_start3A_42 : memref<1x10240x64xf32, #tpu.memory_space<hbm>> -> memref<10240x64xf32, #tpu.memory_space<hbm>>
      %dma_start3A_44 = arith.constant 0 : i32
      %dma_start3A_45 = arith.constant 0 : i32
      %dma_start3A_46 = tpu.memref_slice %dma_start3A_43[%dma_start3A_44, %dma_start3A_45] : memref<10240x64xf32, #tpu.memory_space<hbm>> -> memref<10240x64xf32, #tpu.memory_space<hbm>>
      tpu.enqueue_indirect_dma source(%dma_start3A_46 : memref<10240x64xf32, #tpu.memory_space<hbm>>) target(%arg8 : memref<128x64xf32, #tpu.memory_space<vmem>>) offsets(%dma_start3A_39 : memref<128xi32, #tpu.memory_space<vmem>>) semaphore(%arg12 : memref<!tpu.dma_semaphore, #tpu.memory_space<semaphore_mem>>)
      %dma_start3A_47 = arith.constant 2 : i32
      %dma_start3A_48 = arith.constant 1 : i32
      %dma_start3A_49 = arith.constant 0 : i32
      %dma_start3A_50 = tpu.memref_slice %arg6[%dma_start3A_48, %dma_start3A_49] : memref<158x128xi32, #tpu.memory_space<vmem>> -> memref<1x128xi32, #tpu.memory_space<vmem>>
      %dma_start3A_51 = tpu.memref_squeeze %dma_start3A_50 : memref<1x128xi32, #tpu.memory_space<vmem>> -> memref<128xi32, #tpu.memory_space<vmem>>
      %dma_start3A_52 = arith.constant 0 : i32
      %dma_start3A_53 = arith.constant 0 : i32
      %dma_start3A_54 = tpu.memref_slice %arg4[%dma_start3A_47, %dma_start3A_52, %dma_start3A_53] : memref<4x10240x64xf32, #tpu.memory_space<hbm>> -> memref<1x10240x64xf32, #tpu.memory_space<hbm>>
      %dma_start3A_55 = tpu.memref_squeeze %dma_start3A_54 : memref<1x10240x64xf32, #tpu.memory_space<hbm>> -> memref<10240x64xf32, #tpu.memory_space<hbm>>
      %dma_start3A_56 = arith.constant 0 : i32
      %dma_start3A_57 = arith.constant 0 : i32
      %dma_start3A_58 = tpu.memref_slice %dma_start3A_55[%dma_start3A_56, %dma_start3A_57] : memref<10240x64xf32, #tpu.memory_space<hbm>> -> memref<10240x64xf32, #tpu.memory_space<hbm>>
      tpu.enqueue_indirect_dma source(%dma_start3A_58 : memref<10240x64xf32, #tpu.memory_space<hbm>>) target(%arg9 : memref<128x64xf32, #tpu.memory_space<vmem>>) offsets(%dma_start3A_51 : memref<128xi32, #tpu.memory_space<vmem>>) semaphore(%arg13 : memref<!tpu.dma_semaphore, #tpu.memory_space<semaphore_mem>>)
      %scan3A_59 = arith.constant 2 : i32
      %scan3A_60 = arith.constant 0 : i32
      %scan3A_61 = arith.constant 0 : i32
      %scan3A_62 = arith.constant 79 : i32
      %scan3A_63 = arith.addi %scan3A_61, %scan3A_62 : i32
      %scan3A_64 = arith.constant 1 : i32
      %scan3A_65 = scf.for %scan3A_112 = %scan3A_61 to %scan3A_63 step %scan3A_64 iter_args(%scan3A_113 = %scan3A_60) -> (i32)  : i32 {
        %mul3A_114 = arith.constant 2 : i32
        %mul3A_115 = arith.muli %mul3A_114, %scan3A_112 : i32
        %dma_wait3A = arith.constant 0 : i32
        %dma_wait3A_116 = arith.constant 0 : i32
        %dma_wait3A_117 = tpu.memref_slice %arg6[%dma_wait3A, %dma_wait3A_116] : memref<158x128xi32, #tpu.memory_space<vmem>> -> memref<1x128xi32, #tpu.memory_space<vmem>>
        %dma_wait3A_118 = tpu.memref_squeeze %dma_wait3A_117 : memref<1x128xi32, #tpu.memory_space<vmem>> -> memref<128xi32, #tpu.memory_space<vmem>>
        %dma_wait3A_119 = arith.constant 0 : i32
        %dma_wait3A_120 = arith.constant 0 : i32
        %dma_wait3A_121 = tpu.memref_slice %arg4[%scan3A_59, %dma_wait3A_119, %dma_wait3A_120] : memref<4x10240x64xf32, #tpu.memory_space<hbm>> -> memref<1x10240x64xf32, #tpu.memory_space<hbm>>
        %dma_wait3A_122 = tpu.memref_squeeze %dma_wait3A_121 : memref<1x10240x64xf32, #tpu.memory_space<hbm>> -> memref<10240x64xf32, #tpu.memory_space<hbm>>
        %dma_wait3A_123 = arith.constant 0 : i32
        %dma_wait3A_124 = arith.constant 0 : i32
        %dma_wait3A_125 = tpu.memref_slice %dma_wait3A_122[%dma_wait3A_123, %dma_wait3A_124] : memref<10240x64xf32, #tpu.memory_space<hbm>> -> memref<10240x64xf32, #tpu.memory_space<hbm>>
        tpu.wait_indirect_dma semaphore(%arg12 : memref<!tpu.dma_semaphore, #tpu.memory_space<semaphore_mem>>) src(%dma_wait3A_125 : memref<10240x64xf32, #tpu.memory_space<hbm>>) dst(%arg8 : memref<128x64xf32, #tpu.memory_space<vmem>>)
        "tpu.region"() ({
          %run_scoped3A = tpu.sem_alloc : memref<!tpu.dma_semaphore, #tpu.memory_space<semaphore_mem>>
          %dma_start3A_153 = arith.constant 0 : i32
          %dma_start3A_154 = tpu.memref_slice %arg7[%mul3A_115, %dma_start3A_153] : memref<158x128xi32, #tpu.memory_space<vmem>> -> memref<1x128xi32, #tpu.memory_space<vmem>>
          %dma_start3A_155 = tpu.memref_squeeze %dma_start3A_154 : memref<1x128xi32, #tpu.memory_space<vmem>> -> memref<128xi32, #tpu.memory_space<vmem>>
          %dma_start3A_156 = arith.constant 0 : i32
          %dma_start3A_157 = arith.constant 0 : i32
          %dma_start3A_158 = tpu.memref_slice %arg11[%dma_start3A_156, %dma_start3A_157] : memref<10240x64xf32, #tpu.memory_space<vmem_shared>> -> memref<10240x64xf32, #tpu.memory_space<vmem_shared>>
          tpu.enqueue_indirect_dma source(%arg8 : memref<128x64xf32, #tpu.memory_space<vmem>>) target(%dma_start3A_158 : memref<10240x64xf32, #tpu.memory_space<vmem_shared>>) offsets(%dma_start3A_155 : memref<128xi32, #tpu.memory_space<vmem>>) semaphore(%run_scoped3A : memref<!tpu.dma_semaphore, #tpu.memory_space<semaphore_mem>>) {add = true}
          %dma_wait3A_159 = arith.constant 0 : i32
          %dma_wait3A_160 = tpu.memref_slice %arg7[%mul3A_115, %dma_wait3A_159] : memref<158x128xi32, #tpu.memory_space<vmem>> -> memref<1x128xi32, #tpu.memory_space<vmem>>
          %dma_wait3A_161 = tpu.memref_squeeze %dma_wait3A_160 : memref<1x128xi32, #tpu.memory_space<vmem>> -> memref<128xi32, #tpu.memory_space<vmem>>
          %dma_wait3A_162 = arith.constant 0 : i32
          %dma_wait3A_163 = arith.constant 0 : i32
          %dma_wait3A_164 = tpu.memref_slice %arg11[%dma_wait3A_162, %dma_wait3A_163] : memref<10240x64xf32, #tpu.memory_space<vmem_shared>> -> memref<10240x64xf32, #tpu.memory_space<vmem_shared>>
          tpu.wait_indirect_dma semaphore(%run_scoped3A : memref<!tpu.dma_semaphore, #tpu.memory_space<semaphore_mem>>) src(%arg8 : memref<128x64xf32, #tpu.memory_space<vmem>>) dst(%dma_wait3A_164 : memref<10240x64xf32, #tpu.memory_space<vmem_shared>>)
          tpu.yield
        }) : () -> ()
        %add3A_126 = arith.constant 2 : i32
        %add3A_127 = arith.addi %mul3A_115, %add3A_126 : i32
        %lt3A = arith.constant 158 : i32
        %lt3A_128 = arith.cmpi slt, %add3A_127, %lt3A : i32
        %convert_element_type3A_129 = arith.extui %lt3A_128 : i1 to i32
        %cond3A_130 = arith.constant 0 : i32
        %cond3A_131 = arith.cmpi ne, %convert_element_type3A_129, %cond3A_130 : i32
        scf.if %cond3A_131 {
          %add3A_153 = arith.constant 2 : i32
          %add3A_154 = arith.addi %mul3A_115, %add3A_153 : i32
          %dma_start3A_155 = arith.constant 0 : i32
          %dma_start3A_156 = tpu.memref_slice %arg6[%add3A_154, %dma_start3A_155] : memref<158x128xi32, #tpu.memory_space<vmem>> -> memref<1x128xi32, #tpu.memory_space<vmem>>
          %dma_start3A_157 = tpu.memref_squeeze %dma_start3A_156 : memref<1x128xi32, #tpu.memory_space<vmem>> -> memref<128xi32, #tpu.memory_space<vmem>>
          %dma_start3A_158 = arith.constant 0 : i32
          %dma_start3A_159 = arith.constant 0 : i32
          %dma_start3A_160 = tpu.memref_slice %arg4[%scan3A_59, %dma_start3A_158, %dma_start3A_159] : memref<4x10240x64xf32, #tpu.memory_space<hbm>> -> memref<1x10240x64xf32, #tpu.memory_space<hbm>>
          %dma_start3A_161 = tpu.memref_squeeze %dma_start3A_160 : memref<1x10240x64xf32, #tpu.memory_space<hbm>> -> memref<10240x64xf32, #tpu.memory_space<hbm>>
          %dma_start3A_162 = arith.constant 0 : i32
          %dma_start3A_163 = arith.constant 0 : i32
          %dma_start3A_164 = tpu.memref_slice %dma_start3A_161[%dma_start3A_162, %dma_start3A_163] : memref<10240x64xf32, #tpu.memory_space<hbm>> -> memref<10240x64xf32, #tpu.memory_space<hbm>>
          tpu.enqueue_indirect_dma source(%dma_start3A_164 : memref<10240x64xf32, #tpu.memory_space<hbm>>) target(%arg8 : memref<128x64xf32, #tpu.memory_space<vmem>>) offsets(%dma_start3A_157 : memref<128xi32, #tpu.memory_space<vmem>>) semaphore(%arg12 : memref<!tpu.dma_semaphore, #tpu.memory_space<semaphore_mem>>)
        } else {
        }
        %dma_wait3A_132 = arith.constant 1 : i32
        %dma_wait3A_133 = arith.constant 0 : i32
        %dma_wait3A_134 = tpu.memref_slice %arg6[%dma_wait3A_132, %dma_wait3A_133] : memref<158x128xi32, #tpu.memory_space<vmem>> -> memref<1x128xi32, #tpu.memory_space<vmem>>
        %dma_wait3A_135 = tpu.memref_squeeze %dma_wait3A_134 : memref<1x128xi32, #tpu.memory_space<vmem>> -> memref<128xi32, #tpu.memory_space<vmem>>
        %dma_wait3A_136 = arith.constant 0 : i32
        %dma_wait3A_137 = arith.constant 0 : i32
        %dma_wait3A_138 = tpu.memref_slice %arg4[%scan3A_59, %dma_wait3A_136, %dma_wait3A_137] : memref<4x10240x64xf32, #tpu.memory_space<hbm>> -> memref<1x10240x64xf32, #tpu.memory_space<hbm>>
        %dma_wait3A_139 = tpu.memref_squeeze %dma_wait3A_138 : memref<1x10240x64xf32, #tpu.memory_space<hbm>> -> memref<10240x64xf32, #tpu.memory_space<hbm>>
        %dma_wait3A_140 = arith.constant 0 : i32
        %dma_wait3A_141 = arith.constant 0 : i32
        %dma_wait3A_142 = tpu.memref_slice %dma_wait3A_139[%dma_wait3A_140, %dma_wait3A_141] : memref<10240x64xf32, #tpu.memory_space<hbm>> -> memref<10240x64xf32, #tpu.memory_space<hbm>>
        tpu.wait_indirect_dma semaphore(%arg13 : memref<!tpu.dma_semaphore, #tpu.memory_space<semaphore_mem>>) src(%dma_wait3A_142 : memref<10240x64xf32, #tpu.memory_space<hbm>>) dst(%arg9 : memref<128x64xf32, #tpu.memory_space<vmem>>)
        %add3A_143 = arith.constant 1 : i32
        %add3A_144 = arith.addi %mul3A_115, %add3A_143 : i32
        "tpu.region"() ({
          %run_scoped3A = tpu.sem_alloc : memref<!tpu.dma_semaphore, #tpu.memory_space<semaphore_mem>>
          %dma_start3A_153 = arith.constant 0 : i32
          %dma_start3A_154 = tpu.memref_slice %arg7[%add3A_144, %dma_start3A_153] : memref<158x128xi32, #tpu.memory_space<vmem>> -> memref<1x128xi32, #tpu.memory_space<vmem>>
          %dma_start3A_155 = tpu.memref_squeeze %dma_start3A_154 : memref<1x128xi32, #tpu.memory_space<vmem>> -> memref<128xi32, #tpu.memory_space<vmem>>
          %dma_start3A_156 = arith.constant 0 : i32
          %dma_start3A_157 = arith.constant 0 : i32
          %dma_start3A_158 = tpu.memref_slice %arg11[%dma_start3A_156, %dma_start3A_157] : memref<10240x64xf32, #tpu.memory_space<vmem_shared>> -> memref<10240x64xf32, #tpu.memory_space<vmem_shared>>
          tpu.enqueue_indirect_dma source(%arg9 : memref<128x64xf32, #tpu.memory_space<vmem>>) target(%dma_start3A_158 : memref<10240x64xf32, #tpu.memory_space<vmem_shared>>) offsets(%dma_start3A_155 : memref<128xi32, #tpu.memory_space<vmem>>) semaphore(%run_scoped3A : memref<!tpu.dma_semaphore, #tpu.memory_space<semaphore_mem>>) {add = true}
          %dma_wait3A_159 = arith.constant 0 : i32
          %dma_wait3A_160 = tpu.memref_slice %arg7[%add3A_144, %dma_wait3A_159] : memref<158x128xi32, #tpu.memory_space<vmem>> -> memref<1x128xi32, #tpu.memory_space<vmem>>
          %dma_wait3A_161 = tpu.memref_squeeze %dma_wait3A_160 : memref<1x128xi32, #tpu.memory_space<vmem>> -> memref<128xi32, #tpu.memory_space<vmem>>
          %dma_wait3A_162 = arith.constant 0 : i32
          %dma_wait3A_163 = arith.constant 0 : i32
          %dma_wait3A_164 = tpu.memref_slice %arg11[%dma_wait3A_162, %dma_wait3A_163] : memref<10240x64xf32, #tpu.memory_space<vmem_shared>> -> memref<10240x64xf32, #tpu.memory_space<vmem_shared>>
          tpu.wait_indirect_dma semaphore(%run_scoped3A : memref<!tpu.dma_semaphore, #tpu.memory_space<semaphore_mem>>) src(%arg9 : memref<128x64xf32, #tpu.memory_space<vmem>>) dst(%dma_wait3A_164 : memref<10240x64xf32, #tpu.memory_space<vmem_shared>>)
          tpu.yield
        }) : () -> ()
        %add3A_145 = arith.constant 3 : i32
        %add3A_146 = arith.addi %mul3A_115, %add3A_145 : i32
        %lt3A_147 = arith.constant 158 : i32
        %lt3A_148 = arith.cmpi slt, %add3A_146, %lt3A_147 : i32
        %convert_element_type3A_149 = arith.extui %lt3A_148 : i1 to i32
        %cond3A_150 = arith.constant 0 : i32
        %cond3A_151 = arith.cmpi ne, %convert_element_type3A_149, %cond3A_150 : i32
        scf.if %cond3A_151 {
          %add3A_153 = arith.constant 3 : i32
          %add3A_154 = arith.addi %mul3A_115, %add3A_153 : i32
          %dma_start3A_155 = arith.constant 0 : i32
          %dma_start3A_156 = tpu.memref_slice %arg6[%add3A_154, %dma_start3A_155] : memref<158x128xi32, #tpu.memory_space<vmem>> -> memref<1x128xi32, #tpu.memory_space<vmem>>
          %dma_start3A_157 = tpu.memref_squeeze %dma_start3A_156 : memref<1x128xi32, #tpu.memory_space<vmem>> -> memref<128xi32, #tpu.memory_space<vmem>>
          %dma_start3A_158 = arith.constant 0 : i32
          %dma_start3A_159 = arith.constant 0 : i32
          %dma_start3A_160 = tpu.memref_slice %arg4[%scan3A_59, %dma_start3A_158, %dma_start3A_159] : memref<4x10240x64xf32, #tpu.memory_space<hbm>> -> memref<1x10240x64xf32, #tpu.memory_space<hbm>>
          %dma_start3A_161 = tpu.memref_squeeze %dma_start3A_160 : memref<1x10240x64xf32, #tpu.memory_space<hbm>> -> memref<10240x64xf32, #tpu.memory_space<hbm>>
          %dma_start3A_162 = arith.constant 0 : i32
          %dma_start3A_163 = arith.constant 0 : i32
          %dma_start3A_164 = tpu.memref_slice %dma_start3A_161[%dma_start3A_162, %dma_start3A_163] : memref<10240x64xf32, #tpu.memory_space<hbm>> -> memref<10240x64xf32, #tpu.memory_space<hbm>>
          tpu.enqueue_indirect_dma source(%dma_start3A_164 : memref<10240x64xf32, #tpu.memory_space<hbm>>) target(%arg9 : memref<128x64xf32, #tpu.memory_space<vmem>>) offsets(%dma_start3A_157 : memref<128xi32, #tpu.memory_space<vmem>>) semaphore(%arg13 : memref<!tpu.dma_semaphore, #tpu.memory_space<semaphore_mem>>)
        } else {
        }
        %scan3A_152 = arith.constant 0 : i32
        scf.yield %scan3A_152 : i32
      }
      %scan3A_66 = arith.constant 79 : i32
      %barrier3A_67 = arith.constant 0 : index
      tpu.barrier barrier_id(%barrier3A_67)
      "tpu.region"() ({
        %run_scoped3A = tpu.sem_alloc : memref<!tpu.dma_semaphore, #tpu.memory_space<semaphore_mem>>
        %dma_start3A_112 = arith.constant 128 : i32
        %dma_start3A_113 = tpu.memref_slice %arg5[%mul3A_0, %dma_start3A_112] : memref<10240x256xf32, #tpu.memory_space<hbm>> -> memref<640x64xf32, #tpu.memory_space<hbm>>
        %dma_start3A_114 = arith.constant 0 : i32
        %dma_start3A_115 = tpu.memref_slice %arg11[%mul3A_0, %dma_start3A_114] : memref<10240x64xf32, #tpu.memory_space<vmem_shared>> -> memref<640x64xf32, #tpu.memory_space<vmem_shared>>
        tpu.enqueue_dma source(%dma_start3A_115 : memref<640x64xf32, #tpu.memory_space<vmem_shared>>) target(%dma_start3A_113 : memref<640x64xf32, #tpu.memory_space<hbm>>) target_semaphore(%run_scoped3A : memref<!tpu.dma_semaphore, #tpu.memory_space<semaphore_mem>>)
        %dma_wait3A = arith.constant 128 : i32
        %dma_wait3A_116 = tpu.memref_slice %arg5[%mul3A_0, %dma_wait3A] : memref<10240x256xf32, #tpu.memory_space<hbm>> -> memref<640x64xf32, #tpu.memory_space<hbm>>
        %dma_wait3A_117 = arith.constant 0 : i32
        %dma_wait3A_118 = tpu.memref_slice %arg11[%mul3A_0, %dma_wait3A_117] : memref<10240x64xf32, #tpu.memory_space<vmem_shared>> -> memref<640x64xf32, #tpu.memory_space<vmem_shared>>
        tpu.wait_dma2 semaphore(%run_scoped3A : memref<!tpu.dma_semaphore, #tpu.memory_space<semaphore_mem>>) src(%dma_wait3A_118 : memref<640x64xf32, #tpu.memory_space<vmem_shared>>) dst(%dma_wait3A_116 : memref<640x64xf32, #tpu.memory_space<hbm>>)
        tpu.yield
      }) : () -> ()
      %add3A_68 = arith.constant 0 : i32
      %add3A_69 = arith.addi %mul3A_0, %add3A_68 : i32
      "tpu.region"() ({
        %run_scoped3A = tpu.sem_alloc : memref<!tpu.dma_semaphore, #tpu.memory_space<semaphore_mem>>
        %dma_start3A_112 = arith.constant 0 : i32
        %dma_start3A_113 = tpu.memref_slice %arg11[%add3A_69, %dma_start3A_112] : memref<10240x64xf32, #tpu.memory_space<vmem_shared>> -> memref<128x64xf32, #tpu.memory_space<vmem_shared>>
        %dma_start3A_114 = arith.constant 0 : i32
        %dma_start3A_115 = tpu.memref_slice %arg11[%add3A_69, %dma_start3A_114] : memref<10240x64xf32, #tpu.memory_space<vmem_shared>> -> memref<128x64xf32, #tpu.memory_space<vmem_shared>>
        tpu.enqueue_dma source(%arg10 : memref<128x64xf32, #tpu.memory_space<vmem>>) target(%dma_start3A_115 : memref<128x64xf32, #tpu.memory_space<vmem_shared>>) target_semaphore(%run_scoped3A : memref<!tpu.dma_semaphore, #tpu.memory_space<semaphore_mem>>)
        %dma_wait3A = arith.constant 0 : i32
        %dma_wait3A_116 = tpu.memref_slice %arg11[%add3A_69, %dma_wait3A] : memref<10240x64xf32, #tpu.memory_space<vmem_shared>> -> memref<128x64xf32, #tpu.memory_space<vmem_shared>>
        %dma_wait3A_117 = arith.constant 0 : i32
        %dma_wait3A_118 = tpu.memref_slice %arg11[%add3A_69, %dma_wait3A_117] : memref<10240x64xf32, #tpu.memory_space<vmem_shared>> -> memref<128x64xf32, #tpu.memory_space<vmem_shared>>
        tpu.wait_dma2 semaphore(%run_scoped3A : memref<!tpu.dma_semaphore, #tpu.memory_space<semaphore_mem>>) src(%arg10 : memref<128x64xf32, #tpu.memory_space<vmem>>) dst(%dma_wait3A_118 : memref<128x64xf32, #tpu.memory_space<vmem_shared>>)
        tpu.yield
      }) : () -> ()
      %add3A_70 = arith.constant 128 : i32
      %add3A_71 = arith.addi %mul3A_0, %add3A_70 : i32
      "tpu.region"() ({
        %run_scoped3A = tpu.sem_alloc : memref<!tpu.dma_semaphore, #tpu.memory_space<semaphore_mem>>
        %dma_start3A_112 = arith.constant 0 : i32
        %dma_start3A_113 = tpu.memref_slice %arg11[%add3A_71, %dma_start3A_112] : memref<10240x64xf32, #tpu.memory_space<vmem_shared>> -> memref<128x64xf32, #tpu.memory_space<vmem_shared>>
        %dma_start3A_114 = arith.constant 0 : i32
        %dma_start3A_115 = tpu.memref_slice %arg11[%add3A_71, %dma_start3A_114] : memref<10240x64xf32, #tpu.memory_space<vmem_shared>> -> memref<128x64xf32, #tpu.memory_space<vmem_shared>>
        tpu.enqueue_dma source(%arg10 : memref<128x64xf32, #tpu.memory_space<vmem>>) target(%dma_start3A_115 : memref<128x64xf32, #tpu.memory_space<vmem_shared>>) target_semaphore(%run_scoped3A : memref<!tpu.dma_semaphore, #tpu.memory_space<semaphore_mem>>)
        %dma_wait3A = arith.constant 0 : i32
        %dma_wait3A_116 = tpu.memref_slice %arg11[%add3A_71, %dma_wait3A] : memref<10240x64xf32, #tpu.memory_space<vmem_shared>> -> memref<128x64xf32, #tpu.memory_space<vmem_shared>>
        %dma_wait3A_117 = arith.constant 0 : i32
        %dma_wait3A_118 = tpu.memref_slice %arg11[%add3A_71, %dma_wait3A_117] : memref<10240x64xf32, #tpu.memory_space<vmem_shared>> -> memref<128x64xf32, #tpu.memory_space<vmem_shared>>
        tpu.wait_dma2 semaphore(%run_scoped3A : memref<!tpu.dma_semaphore, #tpu.memory_space<semaphore_mem>>) src(%arg10 : memref<128x64xf32, #tpu.memory_space<vmem>>) dst(%dma_wait3A_118 : memref<128x64xf32, #tpu.memory_space<vmem_shared>>)
        tpu.yield
      }) : () -> ()
      %add3A_72 = arith.constant 256 : i32
      %add3A_73 = arith.addi %mul3A_0, %add3A_72 : i32
      "tpu.region"() ({
        %run_scoped3A = tpu.sem_alloc : memref<!tpu.dma_semaphore, #tpu.memory_space<semaphore_mem>>
        %dma_start3A_112 = arith.constant 0 : i32
        %dma_start3A_113 = tpu.memref_slice %arg11[%add3A_73, %dma_start3A_112] : memref<10240x64xf32, #tpu.memory_space<vmem_shared>> -> memref<128x64xf32, #tpu.memory_space<vmem_shared>>
        %dma_start3A_114 = arith.constant 0 : i32
        %dma_start3A_115 = tpu.memref_slice %arg11[%add3A_73, %dma_start3A_114] : memref<10240x64xf32, #tpu.memory_space<vmem_shared>> -> memref<128x64xf32, #tpu.memory_space<vmem_shared>>
        tpu.enqueue_dma source(%arg10 : memref<128x64xf32, #tpu.memory_space<vmem>>) target(%dma_start3A_115 : memref<128x64xf32, #tpu.memory_space<vmem_shared>>) target_semaphore(%run_scoped3A : memref<!tpu.dma_semaphore, #tpu.memory_space<semaphore_mem>>)
        %dma_wait3A = arith.constant 0 : i32
        %dma_wait3A_116 = tpu.memref_slice %arg11[%add3A_73, %dma_wait3A] : memref<10240x64xf32, #tpu.memory_space<vmem_shared>> -> memref<128x64xf32, #tpu.memory_space<vmem_shared>>
        %dma_wait3A_117 = arith.constant 0 : i32
        %dma_wait3A_118 = tpu.memref_slice %arg11[%add3A_73, %dma_wait3A_117] : memref<10240x64xf32, #tpu.memory_space<vmem_shared>> -> memref<128x64xf32, #tpu.memory_space<vmem_shared>>
        tpu.wait_dma2 semaphore(%run_scoped3A : memref<!tpu.dma_semaphore, #tpu.memory_space<semaphore_mem>>) src(%arg10 : memref<128x64xf32, #tpu.memory_space<vmem>>) dst(%dma_wait3A_118 : memref<128x64xf32, #tpu.memory_space<vmem_shared>>)
        tpu.yield
      }) : () -> ()
      %add3A_74 = arith.constant 384 : i32
      %add3A_75 = arith.addi %mul3A_0, %add3A_74 : i32
      "tpu.region"() ({
        %run_scoped3A = tpu.sem_alloc : memref<!tpu.dma_semaphore, #tpu.memory_space<semaphore_mem>>
        %dma_start3A_112 = arith.constant 0 : i32
        %dma_start3A_113 = tpu.memref_slice %arg11[%add3A_75, %dma_start3A_112] : memref<10240x64xf32, #tpu.memory_space<vmem_shared>> -> memref<128x64xf32, #tpu.memory_space<vmem_shared>>
        %dma_start3A_114 = arith.constant 0 : i32
        %dma_start3A_115 = tpu.memref_slice %arg11[%add3A_75, %dma_start3A_114] : memref<10240x64xf32, #tpu.memory_space<vmem_shared>> -> memref<128x64xf32, #tpu.memory_space<vmem_shared>>
        tpu.enqueue_dma source(%arg10 : memref<128x64xf32, #tpu.memory_space<vmem>>) target(%dma_start3A_115 : memref<128x64xf32, #tpu.memory_space<vmem_shared>>) target_semaphore(%run_scoped3A : memref<!tpu.dma_semaphore, #tpu.memory_space<semaphore_mem>>)
        %dma_wait3A = arith.constant 0 : i32
        %dma_wait3A_116 = tpu.memref_slice %arg11[%add3A_75, %dma_wait3A] : memref<10240x64xf32, #tpu.memory_space<vmem_shared>> -> memref<128x64xf32, #tpu.memory_space<vmem_shared>>
        %dma_wait3A_117 = arith.constant 0 : i32
        %dma_wait3A_118 = tpu.memref_slice %arg11[%add3A_75, %dma_wait3A_117] : memref<10240x64xf32, #tpu.memory_space<vmem_shared>> -> memref<128x64xf32, #tpu.memory_space<vmem_shared>>
        tpu.wait_dma2 semaphore(%run_scoped3A : memref<!tpu.dma_semaphore, #tpu.memory_space<semaphore_mem>>) src(%arg10 : memref<128x64xf32, #tpu.memory_space<vmem>>) dst(%dma_wait3A_118 : memref<128x64xf32, #tpu.memory_space<vmem_shared>>)
        tpu.yield
      }) : () -> ()
      %add3A_76 = arith.constant 512 : i32
      %add3A_77 = arith.addi %mul3A_0, %add3A_76 : i32
      "tpu.region"() ({
        %run_scoped3A = tpu.sem_alloc : memref<!tpu.dma_semaphore, #tpu.memory_space<semaphore_mem>>
        %dma_start3A_112 = arith.constant 0 : i32
        %dma_start3A_113 = tpu.memref_slice %arg11[%add3A_77, %dma_start3A_112] : memref<10240x64xf32, #tpu.memory_space<vmem_shared>> -> memref<128x64xf32, #tpu.memory_space<vmem_shared>>
        %dma_start3A_114 = arith.constant 0 : i32
        %dma_start3A_115 = tpu.memref_slice %arg11[%add3A_77, %dma_start3A_114] : memref<10240x64xf32, #tpu.memory_space<vmem_shared>> -> memref<128x64xf32, #tpu.memory_space<vmem_shared>>
        tpu.enqueue_dma source(%arg10 : memref<128x64xf32, #tpu.memory_space<vmem>>) target(%dma_start3A_115 : memref<128x64xf32, #tpu.memory_space<vmem_shared>>) target_semaphore(%run_scoped3A : memref<!tpu.dma_semaphore, #tpu.memory_space<semaphore_mem>>)
        %dma_wait3A = arith.constant 0 : i32
        %dma_wait3A_116 = tpu.memref_slice %arg11[%add3A_77, %dma_wait3A] : memref<10240x64xf32, #tpu.memory_space<vmem_shared>> -> memref<128x64xf32, #tpu.memory_space<vmem_shared>>
        %dma_wait3A_117 = arith.constant 0 : i32
        %dma_wait3A_118 = tpu.memref_slice %arg11[%add3A_77, %dma_wait3A_117] : memref<10240x64xf32, #tpu.memory_space<vmem_shared>> -> memref<128x64xf32, #tpu.memory_space<vmem_shared>>
        tpu.wait_dma2 semaphore(%run_scoped3A : memref<!tpu.dma_semaphore, #tpu.memory_space<semaphore_mem>>) src(%arg10 : memref<128x64xf32, #tpu.memory_space<vmem>>) dst(%dma_wait3A_118 : memref<128x64xf32, #tpu.memory_space<vmem_shared>>)
        tpu.yield
      }) : () -> ()
      %barrier3A_78 = arith.constant 0 : index
      tpu.barrier barrier_id(%barrier3A_78)
      %dma_start3A_79 = arith.constant 3 : i32
      %dma_start3A_80 = arith.constant 0 : i32
      %dma_start3A_81 = arith.constant 0 : i32
      %dma_start3A_82 = tpu.memref_slice %arg6[%dma_start3A_80, %dma_start3A_81] : memref<158x128xi32, #tpu.memory_space<vmem>> -> memref<1x128xi32, #tpu.memory_space<vmem>>
      %dma_start3A_83 = tpu.memref_squeeze %dma_start3A_82 : memref<1x128xi32, #tpu.memory_space<vmem>> -> memref<128xi32, #tpu.memory_space<vmem>>
      %dma_start3A_84 = arith.constant 0 : i32
      %dma_start3A_85 = arith.constant 0 : i32
      %dma_start3A_86 = tpu.memref_slice %arg4[%dma_start3A_79, %dma_start3A_84, %dma_start3A_85] : memref<4x10240x64xf32, #tpu.memory_space<hbm>> -> memref<1x10240x64xf32, #tpu.memory_space<hbm>>
      %dma_start3A_87 = tpu.memref_squeeze %dma_start3A_86 : memref<1x10240x64xf32, #tpu.memory_space<hbm>> -> memref<10240x64xf32, #tpu.memory_space<hbm>>
      %dma_start3A_88 = arith.constant 0 : i32
      %dma_start3A_89 = arith.constant 0 : i32
      %dma_start3A_90 = tpu.memref_slice %dma_start3A_87[%dma_start3A_88, %dma_start3A_89] : memref<10240x64xf32, #tpu.memory_space<hbm>> -> memref<10240x64xf32, #tpu.memory_space<hbm>>
      tpu.enqueue_indirect_dma source(%dma_start3A_90 : memref<10240x64xf32, #tpu.memory_space<hbm>>) target(%arg8 : memref<128x64xf32, #tpu.memory_space<vmem>>) offsets(%dma_start3A_83 : memref<128xi32, #tpu.memory_space<vmem>>) semaphore(%arg12 : memref<!tpu.dma_semaphore, #tpu.memory_space<semaphore_mem>>)
      %dma_start3A_91 = arith.constant 3 : i32
      %dma_start3A_92 = arith.constant 1 : i32
      %dma_start3A_93 = arith.constant 0 : i32
      %dma_start3A_94 = tpu.memref_slice %arg6[%dma_start3A_92, %dma_start3A_93] : memref<158x128xi32, #tpu.memory_space<vmem>> -> memref<1x128xi32, #tpu.memory_space<vmem>>
      %dma_start3A_95 = tpu.memref_squeeze %dma_start3A_94 : memref<1x128xi32, #tpu.memory_space<vmem>> -> memref<128xi32, #tpu.memory_space<vmem>>
      %dma_start3A_96 = arith.constant 0 : i32
      %dma_start3A_97 = arith.constant 0 : i32
      %dma_start3A_98 = tpu.memref_slice %arg4[%dma_start3A_91, %dma_start3A_96, %dma_start3A_97] : memref<4x10240x64xf32, #tpu.memory_space<hbm>> -> memref<1x10240x64xf32, #tpu.memory_space<hbm>>
      %dma_start3A_99 = tpu.memref_squeeze %dma_start3A_98 : memref<1x10240x64xf32, #tpu.memory_space<hbm>> -> memref<10240x64xf32, #tpu.memory_space<hbm>>
      %dma_start3A_100 = arith.constant 0 : i32
      %dma_start3A_101 = arith.constant 0 : i32
      %dma_start3A_102 = tpu.memref_slice %dma_start3A_99[%dma_start3A_100, %dma_start3A_101] : memref<10240x64xf32, #tpu.memory_space<hbm>> -> memref<10240x64xf32, #tpu.memory_space<hbm>>
      tpu.enqueue_indirect_dma source(%dma_start3A_102 : memref<10240x64xf32, #tpu.memory_space<hbm>>) target(%arg9 : memref<128x64xf32, #tpu.memory_space<vmem>>) offsets(%dma_start3A_95 : memref<128xi32, #tpu.memory_space<vmem>>) semaphore(%arg13 : memref<!tpu.dma_semaphore, #tpu.memory_space<semaphore_mem>>)
      %scan3A_103 = arith.constant 3 : i32
      %scan3A_104 = arith.constant 0 : i32
      %scan3A_105 = arith.constant 0 : i32
      %scan3A_106 = arith.constant 79 : i32
      %scan3A_107 = arith.addi %scan3A_105, %scan3A_106 : i32
      %scan3A_108 = arith.constant 1 : i32
      %scan3A_109 = scf.for %scan3A_112 = %scan3A_105 to %scan3A_107 step %scan3A_108 iter_args(%scan3A_113 = %scan3A_104) -> (i32)  : i32 {
        %mul3A_114 = arith.constant 2 : i32
        %mul3A_115 = arith.muli %mul3A_114, %scan3A_112 : i32
        %dma_wait3A = arith.constant 0 : i32
        %dma_wait3A_116 = arith.constant 0 : i32
        %dma_wait3A_117 = tpu.memref_slice %arg6[%dma_wait3A, %dma_wait3A_116] : memref<158x128xi32, #tpu.memory_space<vmem>> -> memref<1x128xi32, #tpu.memory_space<vmem>>
        %dma_wait3A_118 = tpu.memref_squeeze %dma_wait3A_117 : memref<1x128xi32, #tpu.memory_space<vmem>> -> memref<128xi32, #tpu.memory_space<vmem>>
        %dma_wait3A_119 = arith.constant 0 : i32
        %dma_wait3A_120 = arith.constant 0 : i32
        %dma_wait3A_121 = tpu.memref_slice %arg4[%scan3A_103, %dma_wait3A_119, %dma_wait3A_120] : memref<4x10240x64xf32, #tpu.memory_space<hbm>> -> memref<1x10240x64xf32, #tpu.memory_space<hbm>>
        %dma_wait3A_122 = tpu.memref_squeeze %dma_wait3A_121 : memref<1x10240x64xf32, #tpu.memory_space<hbm>> -> memref<10240x64xf32, #tpu.memory_space<hbm>>
        %dma_wait3A_123 = arith.constant 0 : i32
        %dma_wait3A_124 = arith.constant 0 : i32
        %dma_wait3A_125 = tpu.memref_slice %dma_wait3A_122[%dma_wait3A_123, %dma_wait3A_124] : memref<10240x64xf32, #tpu.memory_space<hbm>> -> memref<10240x64xf32, #tpu.memory_space<hbm>>
        tpu.wait_indirect_dma semaphore(%arg12 : memref<!tpu.dma_semaphore, #tpu.memory_space<semaphore_mem>>) src(%dma_wait3A_125 : memref<10240x64xf32, #tpu.memory_space<hbm>>) dst(%arg8 : memref<128x64xf32, #tpu.memory_space<vmem>>)
        "tpu.region"() ({
          %run_scoped3A = tpu.sem_alloc : memref<!tpu.dma_semaphore, #tpu.memory_space<semaphore_mem>>
          %dma_start3A_153 = arith.constant 0 : i32
          %dma_start3A_154 = tpu.memref_slice %arg7[%mul3A_115, %dma_start3A_153] : memref<158x128xi32, #tpu.memory_space<vmem>> -> memref<1x128xi32, #tpu.memory_space<vmem>>
          %dma_start3A_155 = tpu.memref_squeeze %dma_start3A_154 : memref<1x128xi32, #tpu.memory_space<vmem>> -> memref<128xi32, #tpu.memory_space<vmem>>
          %dma_start3A_156 = arith.constant 0 : i32
          %dma_start3A_157 = arith.constant 0 : i32
          %dma_start3A_158 = tpu.memref_slice %arg11[%dma_start3A_156, %dma_start3A_157] : memref<10240x64xf32, #tpu.memory_space<vmem_shared>> -> memref<10240x64xf32, #tpu.memory_space<vmem_shared>>
          tpu.enqueue_indirect_dma source(%arg8 : memref<128x64xf32, #tpu.memory_space<vmem>>) target(%dma_start3A_158 : memref<10240x64xf32, #tpu.memory_space<vmem_shared>>) offsets(%dma_start3A_155 : memref<128xi32, #tpu.memory_space<vmem>>) semaphore(%run_scoped3A : memref<!tpu.dma_semaphore, #tpu.memory_space<semaphore_mem>>) {add = true}
          %dma_wait3A_159 = arith.constant 0 : i32
          %dma_wait3A_160 = tpu.memref_slice %arg7[%mul3A_115, %dma_wait3A_159] : memref<158x128xi32, #tpu.memory_space<vmem>> -> memref<1x128xi32, #tpu.memory_space<vmem>>
          %dma_wait3A_161 = tpu.memref_squeeze %dma_wait3A_160 : memref<1x128xi32, #tpu.memory_space<vmem>> -> memref<128xi32, #tpu.memory_space<vmem>>
          %dma_wait3A_162 = arith.constant 0 : i32
          %dma_wait3A_163 = arith.constant 0 : i32
          %dma_wait3A_164 = tpu.memref_slice %arg11[%dma_wait3A_162, %dma_wait3A_163] : memref<10240x64xf32, #tpu.memory_space<vmem_shared>> -> memref<10240x64xf32, #tpu.memory_space<vmem_shared>>
          tpu.wait_indirect_dma semaphore(%run_scoped3A : memref<!tpu.dma_semaphore, #tpu.memory_space<semaphore_mem>>) src(%arg8 : memref<128x64xf32, #tpu.memory_space<vmem>>) dst(%dma_wait3A_164 : memref<10240x64xf32, #tpu.memory_space<vmem_shared>>)
          tpu.yield
        }) : () -> ()
        %add3A_126 = arith.constant 2 : i32
        %add3A_127 = arith.addi %mul3A_115, %add3A_126 : i32
        %lt3A = arith.constant 158 : i32
        %lt3A_128 = arith.cmpi slt, %add3A_127, %lt3A : i32
        %convert_element_type3A_129 = arith.extui %lt3A_128 : i1 to i32
        %cond3A_130 = arith.constant 0 : i32
        %cond3A_131 = arith.cmpi ne, %convert_element_type3A_129, %cond3A_130 : i32
        scf.if %cond3A_131 {
          %add3A_153 = arith.constant 2 : i32
          %add3A_154 = arith.addi %mul3A_115, %add3A_153 : i32
          %dma_start3A_155 = arith.constant 0 : i32
          %dma_start3A_156 = tpu.memref_slice %arg6[%add3A_154, %dma_start3A_155] : memref<158x128xi32, #tpu.memory_space<vmem>> -> memref<1x128xi32, #tpu.memory_space<vmem>>
          %dma_start3A_157 = tpu.memref_squeeze %dma_start3A_156 : memref<1x128xi32, #tpu.memory_space<vmem>> -> memref<128xi32, #tpu.memory_space<vmem>>
          %dma_start3A_158 = arith.constant 0 : i32
          %dma_start3A_159 = arith.constant 0 : i32
          %dma_start3A_160 = tpu.memref_slice %arg4[%scan3A_103, %dma_start3A_158, %dma_start3A_159] : memref<4x10240x64xf32, #tpu.memory_space<hbm>> -> memref<1x10240x64xf32, #tpu.memory_space<hbm>>
          %dma_start3A_161 = tpu.memref_squeeze %dma_start3A_160 : memref<1x10240x64xf32, #tpu.memory_space<hbm>> -> memref<10240x64xf32, #tpu.memory_space<hbm>>
          %dma_start3A_162 = arith.constant 0 : i32
          %dma_start3A_163 = arith.constant 0 : i32
          %dma_start3A_164 = tpu.memref_slice %dma_start3A_161[%dma_start3A_162, %dma_start3A_163] : memref<10240x64xf32, #tpu.memory_space<hbm>> -> memref<10240x64xf32, #tpu.memory_space<hbm>>
          tpu.enqueue_indirect_dma source(%dma_start3A_164 : memref<10240x64xf32, #tpu.memory_space<hbm>>) target(%arg8 : memref<128x64xf32, #tpu.memory_space<vmem>>) offsets(%dma_start3A_157 : memref<128xi32, #tpu.memory_space<vmem>>) semaphore(%arg12 : memref<!tpu.dma_semaphore, #tpu.memory_space<semaphore_mem>>)
        } else {
        }
        %dma_wait3A_132 = arith.constant 1 : i32
        %dma_wait3A_133 = arith.constant 0 : i32
        %dma_wait3A_134 = tpu.memref_slice %arg6[%dma_wait3A_132, %dma_wait3A_133] : memref<158x128xi32, #tpu.memory_space<vmem>> -> memref<1x128xi32, #tpu.memory_space<vmem>>
        %dma_wait3A_135 = tpu.memref_squeeze %dma_wait3A_134 : memref<1x128xi32, #tpu.memory_space<vmem>> -> memref<128xi32, #tpu.memory_space<vmem>>
        %dma_wait3A_136 = arith.constant 0 : i32
        %dma_wait3A_137 = arith.constant 0 : i32
        %dma_wait3A_138 = tpu.memref_slice %arg4[%scan3A_103, %dma_wait3A_136, %dma_wait3A_137] : memref<4x10240x64xf32, #tpu.memory_space<hbm>> -> memref<1x10240x64xf32, #tpu.memory_space<hbm>>
        %dma_wait3A_139 = tpu.memref_squeeze %dma_wait3A_138 : memref<1x10240x64xf32, #tpu.memory_space<hbm>> -> memref<10240x64xf32, #tpu.memory_space<hbm>>
        %dma_wait3A_140 = arith.constant 0 : i32
        %dma_wait3A_141 = arith.constant 0 : i32
        %dma_wait3A_142 = tpu.memref_slice %dma_wait3A_139[%dma_wait3A_140, %dma_wait3A_141] : memref<10240x64xf32, #tpu.memory_space<hbm>> -> memref<10240x64xf32, #tpu.memory_space<hbm>>
        tpu.wait_indirect_dma semaphore(%arg13 : memref<!tpu.dma_semaphore, #tpu.memory_space<semaphore_mem>>) src(%dma_wait3A_142 : memref<10240x64xf32, #tpu.memory_space<hbm>>) dst(%arg9 : memref<128x64xf32, #tpu.memory_space<vmem>>)
        %add3A_143 = arith.constant 1 : i32
        %add3A_144 = arith.addi %mul3A_115, %add3A_143 : i32
        "tpu.region"() ({
          %run_scoped3A = tpu.sem_alloc : memref<!tpu.dma_semaphore, #tpu.memory_space<semaphore_mem>>
          %dma_start3A_153 = arith.constant 0 : i32
          %dma_start3A_154 = tpu.memref_slice %arg7[%add3A_144, %dma_start3A_153] : memref<158x128xi32, #tpu.memory_space<vmem>> -> memref<1x128xi32, #tpu.memory_space<vmem>>
          %dma_start3A_155 = tpu.memref_squeeze %dma_start3A_154 : memref<1x128xi32, #tpu.memory_space<vmem>> -> memref<128xi32, #tpu.memory_space<vmem>>
          %dma_start3A_156 = arith.constant 0 : i32
          %dma_start3A_157 = arith.constant 0 : i32
          %dma_start3A_158 = tpu.memref_slice %arg11[%dma_start3A_156, %dma_start3A_157] : memref<10240x64xf32, #tpu.memory_space<vmem_shared>> -> memref<10240x64xf32, #tpu.memory_space<vmem_shared>>
          tpu.enqueue_indirect_dma source(%arg9 : memref<128x64xf32, #tpu.memory_space<vmem>>) target(%dma_start3A_158 : memref<10240x64xf32, #tpu.memory_space<vmem_shared>>) offsets(%dma_start3A_155 : memref<128xi32, #tpu.memory_space<vmem>>) semaphore(%run_scoped3A : memref<!tpu.dma_semaphore, #tpu.memory_space<semaphore_mem>>) {add = true}
          %dma_wait3A_159 = arith.constant 0 : i32
          %dma_wait3A_160 = tpu.memref_slice %arg7[%add3A_144, %dma_wait3A_159] : memref<158x128xi32, #tpu.memory_space<vmem>> -> memref<1x128xi32, #tpu.memory_space<vmem>>
          %dma_wait3A_161 = tpu.memref_squeeze %dma_wait3A_160 : memref<1x128xi32, #tpu.memory_space<vmem>> -> memref<128xi32, #tpu.memory_space<vmem>>
          %dma_wait3A_162 = arith.constant 0 : i32
          %dma_wait3A_163 = arith.constant 0 : i32
          %dma_wait3A_164 = tpu.memref_slice %arg11[%dma_wait3A_162, %dma_wait3A_163] : memref<10240x64xf32, #tpu.memory_space<vmem_shared>> -> memref<10240x64xf32, #tpu.memory_space<vmem_shared>>
          tpu.wait_indirect_dma semaphore(%run_scoped3A : memref<!tpu.dma_semaphore, #tpu.memory_space<semaphore_mem>>) src(%arg9 : memref<128x64xf32, #tpu.memory_space<vmem>>) dst(%dma_wait3A_164 : memref<10240x64xf32, #tpu.memory_space<vmem_shared>>)
          tpu.yield
        }) : () -> ()
        %add3A_145 = arith.constant 3 : i32
        %add3A_146 = arith.addi %mul3A_115, %add3A_145 : i32
        %lt3A_147 = arith.constant 158 : i32
        %lt3A_148 = arith.cmpi slt, %add3A_146, %lt3A_147 : i32
        %convert_element_type3A_149 = arith.extui %lt3A_148 : i1 to i32
        %cond3A_150 = arith.constant 0 : i32
        %cond3A_151 = arith.cmpi ne, %convert_element_type3A_149, %cond3A_150 : i32
        scf.if %cond3A_151 {
          %add3A_153 = arith.constant 3 : i32
          %add3A_154 = arith.addi %mul3A_115, %add3A_153 : i32
          %dma_start3A_155 = arith.constant 0 : i32
          %dma_start3A_156 = tpu.memref_slice %arg6[%add3A_154, %dma_start3A_155] : memref<158x128xi32, #tpu.memory_space<vmem>> -> memref<1x128xi32, #tpu.memory_space<vmem>>
          %dma_start3A_157 = tpu.memref_squeeze %dma_start3A_156 : memref<1x128xi32, #tpu.memory_space<vmem>> -> memref<128xi32, #tpu.memory_space<vmem>>
          %dma_start3A_158 = arith.constant 0 : i32
          %dma_start3A_159 = arith.constant 0 : i32
          %dma_start3A_160 = tpu.memref_slice %arg4[%scan3A_103, %dma_start3A_158, %dma_start3A_159] : memref<4x10240x64xf32, #tpu.memory_space<hbm>> -> memref<1x10240x64xf32, #tpu.memory_space<hbm>>
          %dma_start3A_161 = tpu.memref_squeeze %dma_start3A_160 : memref<1x10240x64xf32, #tpu.memory_space<hbm>> -> memref<10240x64xf32, #tpu.memory_space<hbm>>
          %dma_start3A_162 = arith.constant 0 : i32
          %dma_start3A_163 = arith.constant 0 : i32
          %dma_start3A_164 = tpu.memref_slice %dma_start3A_161[%dma_start3A_162, %dma_start3A_163] : memref<10240x64xf32, #tpu.memory_space<hbm>> -> memref<10240x64xf32, #tpu.memory_space<hbm>>
          tpu.enqueue_indirect_dma source(%dma_start3A_164 : memref<10240x64xf32, #tpu.memory_space<hbm>>) target(%arg9 : memref<128x64xf32, #tpu.memory_space<vmem>>) offsets(%dma_start3A_157 : memref<128xi32, #tpu.memory_space<vmem>>) semaphore(%arg13 : memref<!tpu.dma_semaphore, #tpu.memory_space<semaphore_mem>>)
        } else {
        }
        %scan3A_152 = arith.constant 0 : i32
        scf.yield %scan3A_152 : i32
      }
      %scan3A_110 = arith.constant 79 : i32
      %barrier3A_111 = arith.constant 0 : index
      tpu.barrier barrier_id(%barrier3A_111)
      "tpu.region"() ({
        %run_scoped3A = tpu.sem_alloc : memref<!tpu.dma_semaphore, #tpu.memory_space<semaphore_mem>>
        %dma_start3A_112 = arith.constant 192 : i32
        %dma_start3A_113 = tpu.memref_slice %arg5[%mul3A_0, %dma_start3A_112] : memref<10240x256xf32, #tpu.memory_space<hbm>> -> memref<640x64xf32, #tpu.memory_space<hbm>>
        %dma_start3A_114 = arith.constant 0 : i32
        %dma_start3A_115 = tpu.memref_slice %arg11[%mul3A_0, %dma_start3A_114] : memref<10240x64xf32, #tpu.memory_space<vmem_shared>> -> memref<640x64xf32, #tpu.memory_space<vmem_shared>>
        tpu.enqueue_dma source(%dma_start3A_115 : memref<640x64xf32, #tpu.memory_space<vmem_shared>>) target(%dma_start3A_113 : memref<640x64xf32, #tpu.memory_space<hbm>>) target_semaphore(%run_scoped3A : memref<!tpu.dma_semaphore, #tpu.memory_space<semaphore_mem>>)
        %dma_wait3A = arith.constant 192 : i32
        %dma_wait3A_116 = tpu.memref_slice %arg5[%mul3A_0, %dma_wait3A] : memref<10240x256xf32, #tpu.memory_space<hbm>> -> memref<640x64xf32, #tpu.memory_space<hbm>>
        %dma_wait3A_117 = arith.constant 0 : i32
        %dma_wait3A_118 = tpu.memref_slice %arg11[%mul3A_0, %dma_wait3A_117] : memref<10240x64xf32, #tpu.memory_space<vmem_shared>> -> memref<640x64xf32, #tpu.memory_space<vmem_shared>>
        tpu.wait_dma2 semaphore(%run_scoped3A : memref<!tpu.dma_semaphore, #tpu.memory_space<semaphore_mem>>) src(%dma_wait3A_118 : memref<640x64xf32, #tpu.memory_space<vmem_shared>>) dst(%dma_wait3A_116 : memref<640x64xf32, #tpu.memory_space<hbm>>)
        tpu.yield
      }) : () -> ()
    } else {
    }
    return
  }
}

module attributes {stable_mosaic.version = 14 : i64} {
  func.func @body(%arg0: i32, %arg1: i32, %arg2: memref<2048x128xf32, #tpu.memory_space<vmem>>, %arg3: memref<1x128x128xf32, #tpu.memory_space<vmem>>, %arg4: memref<2x2048x16xf32, #tpu.memory_space<vmem>>, %arg5: memref<2x2048x64xf32, #tpu.memory_space<vmem>>, %arg6: memref<2048x128xf32, #tpu.memory_space<vmem>>) attributes {dimension_semantics = [#tpu.dimension_semantics<arbitrary>, #tpu.dimension_semantics<arbitrary>], iteration_bounds = array<i64: 5, 2>, scalar_prefetch = 0 : i64, scratch_operands = 0 : i64, tpu.core_type = #tpu.core_type<tc>, window_params = [{transform_indices = @transform_0, window_bounds = array<i64: 2048, 128>}, {transform_indices = @transform_1, window_bounds = array<i64: 1, 128, 128>}, {transform_indices = @transform_2, window_bounds = array<i64: 2, 2048, 16>}, {transform_indices = @transform_3, window_bounds = array<i64: 2, 2048, 64>}, {transform_indices = @transform_4, window_bounds = array<i64: 2048, 128>}]} {
    %get3A = arith.constant 0 : index
    %get3A_0 = arith.constant 0 : index
    %get3A_1 = arith.constant 0 : index
    %get3A_2 = vector.load %arg4[%get3A, %get3A_0, %get3A_1] : memref<2x2048x16xf32, #tpu.memory_space<vmem>>, vector<2x2048x16xf32>
    %slice3A = vector.extract_strided_slice %get3A_2 {offsets = [0, 0, 0], sizes = [1, 2048, 1], strides = [1, 1, 1]} : vector<2x2048x16xf32> to vector<1x2048x1xf32>
    %squeeze3A = vector.shape_cast %slice3A : vector<1x2048x1xf32> to vector<2048xf32>
    %add3A = arith.constant 1.000000e+00 : f32
    %add3A_3 = vector.broadcast %add3A : f32 to vector<2048xf32>
    %add3A_4 = arith.addf %add3A_3, %squeeze3A : vector<2048xf32>
    %slice3A_5 = vector.extract_strided_slice %get3A_2 {offsets = [1, 0, 0], sizes = [1, 2048, 1], strides = [1, 1, 1]} : vector<2x2048x16xf32> to vector<1x2048x1xf32>
    %squeeze3A_6 = vector.shape_cast %slice3A_5 : vector<1x2048x1xf32> to vector<2048xf32>
    %add3A_7 = arith.addf %add3A_4, %squeeze3A_6 : vector<2048xf32>
    %rsqrt3A = math.rsqrt %add3A_7 : vector<2048xf32>
    %get3A_8 = arith.constant 0 : index
    %get3A_9 = arith.constant 0 : index
    %get3A_10 = vector.load %arg2[%get3A_8, %get3A_9] : memref<2048x128xf32, #tpu.memory_space<vmem>>, vector<2048x128xf32>
    %get3A_11 = arith.constant 0 : index
    %get3A_12 = arith.constant 0 : index
    %get3A_13 = arith.constant 0 : index
    %get3A_14 = vector.load %arg3[%get3A_11, %get3A_12, %get3A_13] : memref<1x128x128xf32, #tpu.memory_space<vmem>>, vector<1x128x128xf32>
    %get3A_15 = vector.shape_cast %get3A_14 : vector<1x128x128xf32> to vector<128x128xf32>
    %dot_general3A = arith.constant dense<0.000000e+00> : vector<2048x128xf32>
    %dot_general3A_16 = tpu.matmul %get3A_10, %get3A_15, %dot_general3A {dimension_numbers = #tpu.dot_dimension_numbers<[1], [0], [0], [1], [0, 0, 1, 1], [], []>, transpose_lhs_hint = false} : vector<2048x128xf32>, vector<128x128xf32>, vector<2048x128xf32> -> vector<2048x128xf32>
    %broadcast_in_dim3A = vector.shape_cast %rsqrt3A : vector<2048xf32> to vector<2048x1xf32>
    %mul3A = vector.broadcast %broadcast_in_dim3A : vector<2048x1xf32> to vector<2048x128xf32>
    %mul3A_17 = arith.mulf %dot_general3A_16, %mul3A : vector<2048x128xf32>
    %slice3A_18 = vector.extract_strided_slice %mul3A_17 {offsets = [0, 0], sizes = [2048, 64], strides = [1, 1]} : vector<2048x128xf32> to vector<2048x64xf32>
    %slice3A_19 = vector.extract_strided_slice %mul3A_17 {offsets = [0, 64], sizes = [2048, 64], strides = [1, 1]} : vector<2048x128xf32> to vector<2048x64xf32>
    %stack3A = vector.shape_cast %slice3A_18 : vector<2048x64xf32> to vector<1x2048x64xf32>
    %stack3A_20 = vector.shape_cast %slice3A_19 : vector<2048x64xf32> to vector<1x2048x64xf32>
    %stack3A_21 = tpu.concatenate %stack3A, %stack3A_20 in 0 : vector<1x2048x64xf32>, vector<1x2048x64xf32> -> vector<2x2048x64xf32>
    %swap3A = arith.constant 0 : index
    %swap3A_22 = arith.constant 0 : index
    %swap3A_23 = arith.constant 0 : index
    %swap3A_24 = vector.load %arg5[%swap3A, %swap3A_22, %swap3A_23] : memref<2x2048x64xf32, #tpu.memory_space<vmem>>, vector<2x2048x64xf32>
    tpu.vector_store %arg5[%swap3A, %swap3A_22, %swap3A_23], %stack3A_21 {strides = array<i32>} : memref<2x2048x64xf32, #tpu.memory_space<vmem>>, vector<2x2048x64xf32>,
    %swap3A_25 = arith.constant 0 : index
    %swap3A_26 = arith.constant 0 : index
    %swap3A_27 = vector.load %arg6[%swap3A_25, %swap3A_26] : memref<2048x128xf32, #tpu.memory_space<vmem>>, vector<2048x128xf32>
    tpu.vector_store %arg6[%swap3A_25, %swap3A_26], %mul3A_17 {strides = array<i32>} : memref<2048x128xf32, #tpu.memory_space<vmem>>, vector<2048x128xf32>,
    return
  }
  func.func @transform_0(%arg0: i32, %arg1: i32) -> (i32, i32) {
    %c0_i32 = arith.constant 0 : i32
    %c0_i32_0 = arith.constant 0 : i32
    return %arg0, %c0_i32 : i32, i32
  }
  func.func @transform_1(%arg0: i32, %arg1: i32) -> (i32, i32, i32) {
    %c0_i32 = arith.constant 0 : i32
    %c0_i32_0 = arith.constant 0 : i32
    %c0_i32_1 = arith.constant 0 : i32
    return %arg1, %c0_i32, %c0_i32_0 : i32, i32, i32
  }
  func.func @transform_2(%arg0: i32, %arg1: i32) -> (i32, i32, i32) {
    %c0_i32 = arith.constant 0 : i32
    %c0_i32_0 = arith.constant 0 : i32
    %c0_i32_1 = arith.constant 0 : i32
    return %c0_i32, %arg0, %c0_i32_0 : i32, i32, i32
  }
  func.func @transform_3(%arg0: i32, %arg1: i32) -> (i32, i32, i32) {
    %c0_i32 = arith.constant 0 : i32
    %c0_i32_0 = arith.constant 0 : i32
    return %arg1, %arg0, %c0_i32 : i32, i32, i32
  }
  func.func @transform_4(%arg0: i32, %arg1: i32) -> (i32, i32) {
    %c0_i32 = arith.constant 0 : i32
    return %arg0, %arg1 : i32, i32
  }
}

module attributes {stable_mosaic.version = 14 : i64} {
  func.func @body(%arg0: i32, %arg1: memref<2048x256xf32, #tpu.memory_space<vmem>>, %arg2: memref<2048x256xf32, #tpu.memory_space<vmem>>, %arg3: memref<2x2048x16xf32, #tpu.memory_space<vmem>>, %arg4: memref<1x256xf32, #tpu.memory_space<vmem>>, %arg5: memref<256x128xf32, #tpu.memory_space<vmem>>, %arg6: memref<2048x128xf32, #tpu.memory_space<vmem>>, %arg7: memref<2x2048x64xf32, #tpu.memory_space<vmem>>) attributes {dimension_semantics = [#tpu.dimension_semantics<arbitrary>], iteration_bounds = array<i64: 5>, scalar_prefetch = 0 : i64, scratch_operands = 0 : i64, tpu.core_type = #tpu.core_type<tc>, window_params = [{transform_indices = @transform_0, window_bounds = array<i64: 2048, 256>}, {transform_indices = @transform_1, window_bounds = array<i64: 2048, 256>}, {transform_indices = @transform_2, window_bounds = array<i64: 2, 2048, 16>}, {pipeline_mode = #tpu.pipeline_mode<synchronous>, transform_indices = @transform_3, window_bounds = array<i64: 1, 256>}, {pipeline_mode = #tpu.pipeline_mode<synchronous>, transform_indices = @transform_4, window_bounds = array<i64: 256, 128>}, {transform_indices = @transform_5, window_bounds = array<i64: 2048, 128>}, {transform_indices = @transform_6, window_bounds = array<i64: 2, 2048, 64>}]} {
    %get3A = arith.constant 0 : index
    %get3A_0 = arith.constant 0 : index
    %get3A_1 = arith.constant 0 : index
    %get3A_2 = vector.load %arg3[%get3A, %get3A_0, %get3A_1] : memref<2x2048x16xf32, #tpu.memory_space<vmem>>, vector<2x2048x16xf32>
    %slice3A = vector.extract_strided_slice %get3A_2 {offsets = [0, 0, 0], sizes = [1, 2048, 1], strides = [1, 1, 1]} : vector<2x2048x16xf32> to vector<1x2048x1xf32>
    %squeeze3A = vector.shape_cast %slice3A : vector<1x2048x1xf32> to vector<2048xf32>
    %add3A = arith.constant 1.000000e+00 : f32
    %add3A_3 = vector.broadcast %add3A : f32 to vector<2048xf32>
    %add3A_4 = arith.addf %add3A_3, %squeeze3A : vector<2048xf32>
    %slice3A_5 = vector.extract_strided_slice %get3A_2 {offsets = [1, 0, 0], sizes = [1, 2048, 1], strides = [1, 1, 1]} : vector<2x2048x16xf32> to vector<1x2048x1xf32>
    %squeeze3A_6 = vector.shape_cast %slice3A_5 : vector<1x2048x1xf32> to vector<2048xf32>
    %add3A_7 = arith.addf %add3A_4, %squeeze3A_6 : vector<2048xf32>
    %rsqrt3A = math.rsqrt %add3A_7 : vector<2048xf32>
    %broadcast_in_dim3A = vector.shape_cast %rsqrt3A : vector<2048xf32> to vector<2048x1xf32>
    %get3A_8 = arith.constant 0 : index
    %get3A_9 = arith.constant 0 : index
    %get3A_10 = vector.load %arg1[%get3A_8, %get3A_9] : memref<2048x256xf32, #tpu.memory_space<vmem>>, vector<2048x256xf32>
    %get3A_11 = arith.constant 0 : index
    %get3A_12 = arith.constant 0 : index
    %get3A_13 = vector.load %arg2[%get3A_11, %get3A_12] : memref<2048x256xf32, #tpu.memory_space<vmem>>, vector<2048x256xf32>
    %add3A_14 = arith.addf %get3A_10, %get3A_13 : vector<2048x256xf32>
    %mul3A = vector.broadcast %broadcast_in_dim3A : vector<2048x1xf32> to vector<2048x256xf32>
    %mul3A_15 = arith.mulf %add3A_14, %mul3A : vector<2048x256xf32>
    %get3A_16 = arith.constant 0 : index
    %get3A_17 = arith.constant 0 : index
    %get3A_18 = vector.load %arg4[%get3A_16, %get3A_17] : memref<1x256xf32, #tpu.memory_space<vmem>>, vector<1x256xf32>
    %add3A_19 = vector.broadcast %get3A_18 : vector<1x256xf32> to vector<2048x256xf32>
    %add3A_20 = arith.addf %mul3A_15, %add3A_19 : vector<2048x256xf32>
    %max3A = arith.constant 0.000000e+00 : f32
    %max3A_21 = vector.broadcast %max3A : f32 to vector<2048x256xf32>
    %max3A_22 = arith.maximumf %add3A_20, %max3A_21 : vector<2048x256xf32>
    %get3A_23 = arith.constant 0 : index
    %get3A_24 = arith.constant 0 : index
    %get3A_25 = vector.load %arg5[%get3A_23, %get3A_24] : memref<256x128xf32, #tpu.memory_space<vmem>>, vector<256x128xf32>
    %dot_general3A = arith.constant dense<0.000000e+00> : vector<2048x128xf32>
    %dot_general3A_26 = tpu.matmul %max3A_22, %get3A_25, %dot_general3A {dimension_numbers = #tpu.dot_dimension_numbers<[1], [0], [0], [1], [0, 0, 1, 1], [], []>, transpose_lhs_hint = false} : vector<2048x256xf32>, vector<256x128xf32>, vector<2048x128xf32> -> vector<2048x128xf32>
    %mul3A_27 = vector.broadcast %broadcast_in_dim3A : vector<2048x1xf32> to vector<2048x128xf32>
    %mul3A_28 = arith.mulf %dot_general3A_26, %mul3A_27 : vector<2048x128xf32>
    %swap3A = arith.constant 0 : index
    %swap3A_29 = arith.constant 0 : index
    %swap3A_30 = vector.load %arg6[%swap3A, %swap3A_29] : memref<2048x128xf32, #tpu.memory_space<vmem>>, vector<2048x128xf32>
    tpu.vector_store %arg6[%swap3A, %swap3A_29], %mul3A_28 {strides = array<i32>} : memref<2048x128xf32, #tpu.memory_space<vmem>>, vector<2048x128xf32>,
    %slice3A_31 = vector.extract_strided_slice %mul3A_28 {offsets = [0, 0], sizes = [2048, 64], strides = [1, 1]} : vector<2048x128xf32> to vector<2048x64xf32>
    %slice3A_32 = vector.extract_strided_slice %mul3A_28 {offsets = [0, 64], sizes = [2048, 64], strides = [1, 1]} : vector<2048x128xf32> to vector<2048x64xf32>
    %stack3A = vector.shape_cast %slice3A_31 : vector<2048x64xf32> to vector<1x2048x64xf32>
    %stack3A_33 = vector.shape_cast %slice3A_32 : vector<2048x64xf32> to vector<1x2048x64xf32>
    %stack3A_34 = tpu.concatenate %stack3A, %stack3A_33 in 0 : vector<1x2048x64xf32>, vector<1x2048x64xf32> -> vector<2x2048x64xf32>
    %swap3A_35 = arith.constant 0 : index
    %swap3A_36 = arith.constant 0 : index
    %swap3A_37 = arith.constant 0 : index
    %swap3A_38 = vector.load %arg7[%swap3A_35, %swap3A_36, %swap3A_37] : memref<2x2048x64xf32, #tpu.memory_space<vmem>>, vector<2x2048x64xf32>
    tpu.vector_store %arg7[%swap3A_35, %swap3A_36, %swap3A_37], %stack3A_34 {strides = array<i32>} : memref<2x2048x64xf32, #tpu.memory_space<vmem>>, vector<2x2048x64xf32>,
    return
  }
  func.func @transform_0(%arg0: i32) -> (i32, i32) {
    %c0_i32 = arith.constant 0 : i32
    %c0_i32_0 = arith.constant 0 : i32
    return %arg0, %c0_i32 : i32, i32
  }
  func.func @transform_1(%arg0: i32) -> (i32, i32) {
    %c0_i32 = arith.constant 0 : i32
    %c0_i32_0 = arith.constant 0 : i32
    return %arg0, %c0_i32 : i32, i32
  }
  func.func @transform_2(%arg0: i32) -> (i32, i32, i32) {
    %c0_i32 = arith.constant 0 : i32
    %c0_i32_0 = arith.constant 0 : i32
    %c0_i32_1 = arith.constant 0 : i32
    return %c0_i32, %arg0, %c0_i32_0 : i32, i32, i32
  }
  func.func @transform_3(%arg0: i32) -> (i32, i32) {
    %c0_i32 = arith.constant 0 : i32
    %c0_i32_0 = arith.constant 0 : i32
    %c0_i32_1 = arith.constant 0 : i32
    return %c0_i32, %c0_i32_0 : i32, i32
  }
  func.func @transform_4(%arg0: i32) -> (i32, i32) {
    %c0_i32 = arith.constant 0 : i32
    %c0_i32_0 = arith.constant 0 : i32
    %c0_i32_1 = arith.constant 0 : i32
    return %c0_i32, %c0_i32_0 : i32, i32
  }
  func.func @transform_5(%arg0: i32) -> (i32, i32) {
    %c0_i32 = arith.constant 0 : i32
    %c0_i32_0 = arith.constant 0 : i32
    return %arg0, %c0_i32 : i32, i32
  }
  func.func @transform_6(%arg0: i32) -> (i32, i32, i32) {
    %c0_i32 = arith.constant 0 : i32
    %c0_i32_0 = arith.constant 0 : i32
    %c0_i32_1 = arith.constant 0 : i32
    return %c0_i32, %arg0, %c0_i32_0 : i32, i32, i32
  }
}

module attributes {stable_mosaic.version = 14 : i64} {
  func.func @body(%arg0: i32, %arg1: memref<2048x128xf32, #tpu.memory_space<vmem>>, %arg2: memref<2048x128xf32, #tpu.memory_space<vmem>>, %arg3: memref<2x2048x16xf32, #tpu.memory_space<vmem>>, %arg4: memref<1x128xf32, #tpu.memory_space<vmem>>, %arg5: memref<2048x128xf32, #tpu.memory_space<vmem>>) attributes {dimension_semantics = [#tpu.dimension_semantics<arbitrary>], iteration_bounds = array<i64: 5>, scalar_prefetch = 0 : i64, scratch_operands = 0 : i64, tpu.core_type = #tpu.core_type<tc>, window_params = [{transform_indices = @transform_0, window_bounds = array<i64: 2048, 128>}, {transform_indices = @transform_1, window_bounds = array<i64: 2048, 128>}, {transform_indices = @transform_2, window_bounds = array<i64: 2, 2048, 16>}, {pipeline_mode = #tpu.pipeline_mode<synchronous>, transform_indices = @transform_3, window_bounds = array<i64: 1, 128>}, {transform_indices = @transform_4, window_bounds = array<i64: 2048, 128>}]} {
    %get3A = arith.constant 0 : index
    %get3A_0 = arith.constant 0 : index
    %get3A_1 = arith.constant 0 : index
    %get3A_2 = vector.load %arg3[%get3A, %get3A_0, %get3A_1] : memref<2x2048x16xf32, #tpu.memory_space<vmem>>, vector<2x2048x16xf32>
    %slice3A = vector.extract_strided_slice %get3A_2 {offsets = [0, 0, 0], sizes = [1, 2048, 1], strides = [1, 1, 1]} : vector<2x2048x16xf32> to vector<1x2048x1xf32>
    %squeeze3A = vector.shape_cast %slice3A : vector<1x2048x1xf32> to vector<2048xf32>
    %add3A = arith.constant 1.000000e+00 : f32
    %add3A_3 = vector.broadcast %add3A : f32 to vector<2048xf32>
    %add3A_4 = arith.addf %add3A_3, %squeeze3A : vector<2048xf32>
    %slice3A_5 = vector.extract_strided_slice %get3A_2 {offsets = [1, 0, 0], sizes = [1, 2048, 1], strides = [1, 1, 1]} : vector<2x2048x16xf32> to vector<1x2048x1xf32>
    %squeeze3A_6 = vector.shape_cast %slice3A_5 : vector<1x2048x1xf32> to vector<2048xf32>
    %add3A_7 = arith.addf %add3A_4, %squeeze3A_6 : vector<2048xf32>
    %rsqrt3A = math.rsqrt %add3A_7 : vector<2048xf32>
    %broadcast_in_dim3A = vector.shape_cast %rsqrt3A : vector<2048xf32> to vector<2048x1xf32>
    %get3A_8 = arith.constant 0 : index
    %get3A_9 = arith.constant 0 : index
    %get3A_10 = vector.load %arg1[%get3A_8, %get3A_9] : memref<2048x128xf32, #tpu.memory_space<vmem>>, vector<2048x128xf32>
    %get3A_11 = arith.constant 0 : index
    %get3A_12 = arith.constant 0 : index
    %get3A_13 = vector.load %arg2[%get3A_11, %get3A_12] : memref<2048x128xf32, #tpu.memory_space<vmem>>, vector<2048x128xf32>
    %add3A_14 = arith.addf %get3A_10, %get3A_13 : vector<2048x128xf32>
    %mul3A = vector.broadcast %broadcast_in_dim3A : vector<2048x1xf32> to vector<2048x128xf32>
    %mul3A_15 = arith.mulf %add3A_14, %mul3A : vector<2048x128xf32>
    %get3A_16 = arith.constant 0 : index
    %get3A_17 = arith.constant 0 : index
    %get3A_18 = vector.load %arg4[%get3A_16, %get3A_17] : memref<1x128xf32, #tpu.memory_space<vmem>>, vector<1x128xf32>
    %add3A_19 = vector.broadcast %get3A_18 : vector<1x128xf32> to vector<2048x128xf32>
    %add3A_20 = arith.addf %mul3A_15, %add3A_19 : vector<2048x128xf32>
    %swap3A = arith.constant 0 : index
    %swap3A_21 = arith.constant 0 : index
    %swap3A_22 = vector.load %arg5[%swap3A, %swap3A_21] : memref<2048x128xf32, #tpu.memory_space<vmem>>, vector<2048x128xf32>
    tpu.vector_store %arg5[%swap3A, %swap3A_21], %add3A_20 {strides = array<i32>} : memref<2048x128xf32, #tpu.memory_space<vmem>>, vector<2048x128xf32>,
    return
  }
  func.func @transform_0(%arg0: i32) -> (i32, i32) {
    %c0_i32 = arith.constant 0 : i32
    %c0_i32_0 = arith.constant 0 : i32
    return %arg0, %c0_i32 : i32, i32
  }
  func.func @transform_1(%arg0: i32) -> (i32, i32) {
    %c0_i32 = arith.constant 0 : i32
    %c0_i32_0 = arith.constant 0 : i32
    return %arg0, %c0_i32 : i32, i32
  }
  func.func @transform_2(%arg0: i32) -> (i32, i32, i32) {
    %c0_i32 = arith.constant 0 : i32
    %c0_i32_0 = arith.constant 0 : i32
    %c0_i32_1 = arith.constant 0 : i32
    return %c0_i32, %arg0, %c0_i32_0 : i32, i32, i32
  }
  func.func @transform_3(%arg0: i32) -> (i32, i32) {
    %c0_i32 = arith.constant 0 : i32
    %c0_i32_0 = arith.constant 0 : i32
    %c0_i32_1 = arith.constant 0 : i32
    return %c0_i32, %c0_i32_0 : i32, i32
  }
  func.func @transform_4(%arg0: i32) -> (i32, i32) {
    %c0_i32 = arith.constant 0 : i32
    %c0_i32_0 = arith.constant 0 : i32
    return %arg0, %c0_i32 : i32, i32
  }
}

</mosaic_0001>

<sc_bundles>
// kernel: kernel.11.cloned.1.call-start
scs
__scs_entry_jumppad:
0x0: {  	(pc) =	sbr.rel $0x88, $3  }
0x1: {  	(tag) =	ssettag $0x0;
	lr =	simm.s32 $0x1  }
0x2: {  	[smem:$0x3F9B] =	sst lr;
	_ =	strace $0xD0000000  }
0x3: {  	_ = 	snop  }
0x4: {  	_ = 	snop  }
0x5: {  	_ = 	snop  }
0x6: {  	_ = 	snop  }
0x7: {  	_ = 	snop  }
__scs_overlays_trampoline_lowered:
0x8: {  	[smem:$0x3FAA] =	sst s0  }
0x9: {  	[smem:$0x3FAB] =	sst s1  }
0xa: {  	[smem:$0x3FAC] =	sst s2  }
0xb: {  	[smem:$0x3FAD] =	sst s3  }
0xc: {  	[smem:$0x3FAE] =	sst s4  }
0xd: {  	[smem:$0x3FAF] =	sst s5  }
0xe: {  	[smem:$0x3FB0] =	sst s6  }
0xf: {  	[smem:$0x3FB1] =	sst s7  }
0x10: {  	[smem:$0x3FB2] =	sst s8  }
0x11: {  	[smem:$0x3FB3] =	sst s9;
	s0 =	simm.s32 @!p0 $0x0  }
0x12: {  	s1 =	sld [smem:$0x3F99];
	s0 =	simm.s32 @p0 $0x1  }
0x13: {  	[smem:$0x3FB4] =	sst s0;
	s0 =	simm.s32 @!p1 $0x0  }
0x14: {  	s2 =	sld [smem:$0x3F98];
	s0 =	simm.s32 @p1 $0x1  }
0x15: {  	[smem:$0x3FB5] =	sst s0;
	s0 =	simm.s32 @!p2 $0x0  }
0x16: {  	s3 =	sld [smem:$0x3FDB];
	s0 =	simm.s32 @p2 $0x1  }
0x17: {  	s4 =	simm.s32 $0x1BF5;
	[smem:$0x3FB7] =	sst s0  }
0x18: {  	s0 =	sld [smem:$0x3F9A];
	_ =	swait.ge [sflag:s4], $0x0  }
0x19: {  	s7 =	sld [smem:$0x3F9B]  }
0x1a: {  	s8 =	sadd.s32 $0xFFFFE003, lr  }
0x1b: {  	s9 =	sadd.s32 $0xFFFFFEF7, lr;
	s5 =	simm.s32 $0xFFFFFFFF;
	p2 =	slt.u32 s8, $0xFFFFF086  }
0x1c: {  	p1 =	slt.u32 s9, $0xF7A;
	s5 =	simm.s32 @!p2 $0x0  }
0x1d: {  	s5 =	simm.s32 @p1 $0x1;
	p0 =	seq.s32 s7, s2  }
0x1e: {  	s7 =	smul.u32 @!p0 $0xF7A, s2;
	p2 =	seq.s32 @!p0 s5, $0x0  }
0x1f: {  	s9 =	smul.u32 $0xF7A, s1;
	s8 =	simm.s32 @!p0 $0x1BF5;
	p2 =	por !p2, p0  }
0x20: {  	[sflag:s8] =	ssyncset.s32 @!p0 $0xFFFFF086;
	s6 =	sadd.s32 @!p0 s3, s7;
	s7 =	simm.s32 @!p0 $0x108  }
0x21: {  	s3 =	sadd.s32 s3, s9;
	s6 =	sadd.s32 @!p0 $0x88, s6;
	s7 =	simm.s32 @p2 $0x1082  }
0x22: {  	[simem:s7], [sflag:s8] =	dma.local @!p0 [hbm:s6], $0xF7A  }
0x23: {  	s9 =	sor.u32 $0xD0000000, s2;
	s6 =	simm.s32 $0x108;
	_ =	swait.ge @!p0 [sflag:s8], $0x0  }
0x24: {  	s3 =	sadd.s32 $0x88, s3;
	s6 =	simm.s32 @!p1 $0x1082;
	[sflag:s4] =	ssyncset.s32 $0xFFFFF086  }
0x25: {  	[simem:s6], [sflag:s4] =	dma.local [hbm:s3], $0xF7A  }
0x26: {  	[smem:$0x3F9B] =	sst s1;
	(tag) =	ssettag s2;
	_ =	strace s9  }
0x27: {  	s1 =	sld [smem:$0x3FAB]  }
0x28: {  	s2 =	sld [smem:$0x3FAC]  }
0x29: {  	s4 =	sld [smem:$0x3FAE]  }
0x2a: {  	p0 =	seq.s32 s5, $0x0;
	s5 =	sld [smem:$0x3FAF]  }
0x2b: {  	s6 =	sld [smem:$0x3FB0]  }
0x2c: {  	s7 =	sld [smem:$0x3FB1]  }
0x2d: {  	s3 =	simm.s32 $0x108;
	s8 =	sld [smem:$0x3FB2]  }
0x2e: {  	s3 =	simm.s32 @!p0 $0x1082;
	s9 =	sld [smem:$0x3FB3]  }
0x2f: {  	lr =	sadd.s32 s0, s3;
	s0 =	sld [smem:$0x3FAA]  }
0x30: {  	s3 =	sld [smem:$0x3FAD]  }
0x31: {  	[smem:$0x3FB6] =	sst s10  }
0x32: {  	s10 =	sld [smem:$0x3FB4];
	_ =	sdelay $0x3  }
0x33: {  	p0 =	seq.s32 s10, $0x1;
	s10 =	sld [smem:$0x3FB6];
	_ =	sdelay $0x3  }
0x34: {  	[smem:$0x3FB6] =	sst s10  }
0x35: {  	s10 =	sld [smem:$0x3FB5];
	_ =	sdelay $0x3  }
0x36: {  	p1 =	seq.s32 s10, $0x1;
	s10 =	sld [smem:$0x3FB6];
	_ =	sdelay $0x3  }
0x37: {  	[smem:$0x3FB6] =	sst s10  }
0x38: {  	s10 =	sld [smem:$0x3FB7]  }
0x39: {  	_ = 	snop;
	(pc) =	sbr.ind lr, $3  }
0x3a: {  	_ = 	snop  }
0x3b: {  	_ = 	snop  }
0x3c: {  	p2 =	seq.s32 s10, $0x1;
	s10 =	sld [smem:$0x3FB6]  }
0x3d: {  	_ =	shalt  }
0x3e: {  	_ =	shalt  }
0x3f: {  	_ =	shalt  }
0x40: {  	_ =	shalt  }
0x41: {  	_ =	shalt  }
0x42: {  	_ =	shalt  }
0x43: {  	_ =	shalt  }
0x44: {  	_ =	shalt  }
0x45: {  	_ =	shalt  }
0x46: {  	_ =	shalt  }
0x47: {  	_ =	shalt  }
0x48: {  	_ =	shalt  }
0x49: {  	_ =	shalt  }
0x4a: {  	_ =	shalt  }
0x4b: {  	_ =	shalt  }
0x4c: {  	_ =	shalt  }
0x4d: {  	_ =	shalt  }
0x4e: {  	_ =	shalt  }
0x4f: {  	_ =	shalt  }
0x50: {  	_ =	shalt  }
0x51: {  	_ =	shalt  }
0x52: {  	_ =	shalt  }
0x53: {  	_ =	shalt  }
0x54: {  	_ =	shalt  }
0x55: {  	_ =	shalt  }
0x56: {  	_ =	shalt  }
0x57: {  	_ =	shalt  }
0x58: {  	_ =	shalt  }
0x59: {  	_ =	shalt  }
0x5a: {  	_ =	shalt  }
0x5b: {  	_ =	shalt  }
0x5c: {  	_ =	shalt  }
0x5d: {  	_ =	shalt  }
0x5e: {  	_ =	shalt  }
0x5f: {  	_ =	shalt  }
0x60: {  	_ =	shalt  }
0x61: {  	_ =	shalt  }
0x62: {  	_ =	shalt  }
0x63: {  	_ =	shalt  }
0x64: {  	_ =	shalt  }
0x65: {  	_ =	shalt  }
0x66: {  	_ =	shalt  }
0x67: {  	_ =	shalt  }
0x68: {  	_ =	shalt  }
0x69: {  	_ =	shalt  }
0x6a: {  	_ =	shalt  }
0x6b: {  	_ =	shalt  }
0x6c: {  	_ =	shalt  }
0x6d: {  	_ =	shalt  }
0x6e: {  	_ =	shalt  }
0x6f: {  	_ =	shalt  }
0x70: {  	_ =	shalt  }
0x71: {  	_ =	shalt  }
0x72: {  	_ =	shalt  }
0x73: {  	_ =	shalt  }
0x74: {  	_ =	shalt  }
0x75: {  	_ =	shalt  }
0x76: {  	_ =	shalt  }
0x77: {  	_ =	shalt  }
0x78: {  	_ =	shalt  }
0x79: {  	_ =	shalt  }
0x7a: {  	_ =	shalt  }
0x7b: {  	_ =	shalt  }
0x7c: {  	_ =	shalt  }
0x7d: {  	_ =	shalt  }
0x7e: {  	_ =	shalt  }
0x7f: {  	_ =	shalt  }
0x80: {  	_ =	shalt  }
0x81: {  	_ =	shalt  }
0x82: {  	_ =	shalt  }
0x83: {  	_ =	shalt  }
0x84: {  	_ =	shalt  }
0x85: {  	_ =	shalt  }
0x86: {  	_ =	shalt  }
0x87: {  	_ =	shalt  }
.Lfunc_end0:
.L_simem_size_0:
called_computation.1_lowered:
.L_overlay_start_0:
0x88: {  	s2 =	sld [smem:$0x3FD9]  }
0x89: {  	s3 =	sld [smem:$0x3FFE];
	_ =	sdelay $0x1  }
0x8a: {  	s1 =	srdreg.scid  }
0x8b: {  	s0 =	sand.u32 $0x1, s1  }
0x8c: {  	s16 =	sshll.u32 s0, $0xA;
	s2 =	sadd.s32 s3, s2  }
0x8d: {  	s2 =	sadd.s32 s2, s16  }
0x8e: {  	[smem:$0x3FC2] =	sst s2  }
0x8f: {  	_ = 	snop  }
0x90: {  	(tm) =	ssettm $0x1  }
0x91: {  	s17 =	sld [smem:$0x3FFB];
	_ =	sdelay $0x3  }
0x92: {  	_ =	strace s17  }
0x93: {  	s2 =	sld [smem:$0x3FFC];
	_ =	sdelay $0x3  }
0x94: {  	_ =	strace s2  }
0x95: {  	s2 =	sld [smem:$0x3FFD];
	_ =	sdelay $0x3  }
0x96: {  	_ =	strace s2  }
0x97: {  	_ =	strace $0x8FFFFFFF  }
0x98: {  	s18 =	sld [smem:$0x3FDB];
	_ =	sdelay $0x1  }
0x99: {  	s19 =	simm.s32 $_scs_section_size  }
0x9a: {  	s4 =	simm.s32 $_size__tile_overlayer_lowered;
	s5 =	simm.s32 $_tile_overlayer_lowered  }
0x9b: {  	s22 =	simm.s32 $0x1BFF;
	s21 =	sshll.u32 s5, $0x1;
	s2 =	sadd.s32 s19, s18  }
0x9c: {  	s6 =	simm.s32 $0x0;
	s20 =	sshll.u32 s4, $0x1;
	s4 =	sadd.s32 s21, s2  }
0x9d: {  	[timem:s6], [sflag:s22] =	dma.local [hbm:s4], s20  }
0x9e: {  	_ =	swait.ge [sflag:s22], s20  }
0x9f: {  	s3 =	ssub.s32 $0x0, s20;
	[sflag:s22] =	ssyncset.done $0x0  }
0xa0: {  	[sflag:s22] =	ssyncadd.s32 s3;
	_ =	sdelay $0x1  }
0xa1: {  	s23 =	simm.s32 $0x1B8B  }
0xa2: {  	_ =	swait.ge [sflag:s23], $0x1  }
0xa3: {  	[sflag:s23] =	ssyncset.done $0x0  }
0xa4: {  	s25 =	simm.s32 $0x1B8E;
	s24 =	sld [smem:$0x3FFE];
	[sflag:s23] =	ssyncadd.s32 $0xFFFFFFFF  }
0xa5: {  	s26 =	simm.s32 $execute0_lowered;
	[smem:$0x3FD2] =	sst s25  }
0xa6: {  	s4 =	sshll.u32 s26, $0x1;
	_ =	strace $0x80000049;
	[dreg:$0x1] =	wrdreg $0xFFFFFFFF  }
0xa7: {  	s28 =	simm.s32 $_size_execute0_lowered;
	s2 =	sadd.s32 s2, s4;
	[dreg:$0x0] =	wrdreg $0x0  }
0xa8: {  	s4 =	sshll.u32 s28, $0x1;
	[dreg:$0x2] =	wrdreg s2  }
0xa9: {  	[dreg:$0x3] =	wrdreg s4  }
0xaa: {  	[dreg:$0x4] =	wrdreg $0xC0  }
0xab: {  	_ =	task [dreg:s6], $0x5FFFF  }
0xac: {  	[dreg:$0x1] =	wrdreg $0xFFFFFFFF  }
0xad: {  	[dreg:$0x0] =	wrdreg $0x60  }
0xae: {  	[dreg:$0x2] =	wrdreg s24  }
0xaf: {  	[dreg:$0x3] =	wrdreg $0xFE000  }
0xb0: {  	[dreg:$0x4] =	wrdreg $0x9  }
0xb1: {  	_ =	task.clear_ibuf [dreg:s6], $0x5FFFF;
	_ =	strace $0x90000049  }
0xb2: {  	s29 =	simm.s32 $0x9;
	_ =	strace $0x8000004B  }
0xb3: {  	_ =	swait.ge [sflag:s29], $0x1  }
0xb4: {  	[sflag:s29] =	ssyncadd.s32 $0xFFFFFFFF  }
0xb5: {  	_ =	strace $0x9000004B  }
0xb6: {  	_ =	sfence  }
0xb7: {  	s30 =	sld [smem:$0x0];
	_ =	sdelay $0x2  }
0xb8: {  	s31 =	sshll.u32 s1, $0xD;
	s1 =	sshrl.u32 s1, $0x2  }
0xb9: {  	s3 =	sand.u32 $0x4000, s31;
	s1 =	sadd.s32 s1, s30  }
0xba: {  	s0 =	sor.u32 s3, s0;
	s1 =	sshll.u32 s1, $0x11  }
0xbb: {  	s0 =	sor.u32 s1, s0  }
0xbc: {  	s0 =	sadd.s32 $0x8F2B, s0  }
0xbd: {  	[sflag:s0] =	ssyncadd.remote.s32 $0x1  }
0xbe: {  	_ =	sfence.sel $0xFFFF  }
0xbf: {  	[dreg:$0x0] =	wrdreg $0xFFFFFFFF;
	(pc) =	sbr.abs _section_cstart, $3  }
0xc0: {  	[dreg:$0x1] =	wrdreg $0xFFFFFFFF  }
0xc1: {  	_ =	task.clear_ibuf [dreg:s6], $0x2FFFF;
	_ =	strace $0x9FFFFFFF  }
0xc2: {  	(tm) =	ssettm $0x7FFFFFFF  }
0xc3: {  	_ =	shalt  }
tec
execute0_lowered:
.L_overlay_start_1:
0x0: {  	(tag) =	ssettag $0x1  }
0x1: {  	s0 =	rddreg [dreg:$0x0]  }
0x2: {  	s1 =	rddreg [dreg:$0x1]  }
0x3: {  	s3 =	simm.s32 $0x0;
	s11 =	stileid.u32;
	s5 =	srdreg.scid  }
0x4: {  	s28 =	simm.s32 $0xDE00;
	s29 =	simm.s32 $0x80;
	s30 =	simm.s32 $0x9E00  }
0x5: {  	s31 =	simm.s32 $0xBE00;
	s19 =	simm.s32 $0x8;
	[smem:$0x7FF] =	sst s3  }
0x6: {  	s2 =	sadd.s32 $0x5C600, s0;
	s9 =	smul.u32 $0x28000, s11;
	s4 =	sadd.s32 $0x156400, s0  }
0x7: {  	s6 =	sadd.s32 $0x52800, s0;
	s7 =	smul.u32 $0x4F00, s11;
	s16 =	sadd.s32 $0x16A400, s0  }
0x8: {  	s11 =	smul.u32 $0x9E0, s11;
	s25 =	sadd.s32 $0x66408, s0;
	s18 =	sadd.s32 $0x17E400, s0  }
0x9: {  	s10 =	sand.u32 $0x1, s5;
	s20 =	sadd.s32 $0x192400, s0;
	_ =	strace $0x8000004A  }
0xa: {  	s8 =	ssub.s32 $0x2, s10;
	p0 =	seq.s32 s10, $0x1;
	[dreg:$0x6] =	wrdreg s25  }
0xb: {  	s25 =	simm.s32 $0x9D00;
	s5 =	sshrl.u32 s9, $0x3;
	s12 =	sshrl.u32 s8, $0x1  }
0xc: {  	s7 =	sshrl.u32 s7, $0x3;
	s21 =	sadd.s32 s2, s11;
	s23 =	sshrl.u32 s9, $0x2  }
0xd: {  	s15 =	sadd.s32 s5, s0;
	s17 =	ssub.s32 s8, s12;
	[dreg:$0x3] =	wrdreg s21  }
0xe: {  	s22 =	sadd.s32 $0x4F0, s7;
	s8 =	sadd.s32 s6, s11;
	s10 =	sadd.s32 s23, s1  }
0xf: {  	s0 =	sadd.s32 $0x66418, s0;
	s23 =	simm.s32 $0x3;
	s2 =	sadd.s32 s2, s22  }
0x10: {  	s9 =	sadd.s32 s6, s22;
	s11 =	sadd.s32 $0x2000, s10;
	s12 =	sadd.s32 $0x4000, s10  }
.Ltmp0:
0x11: {  	s13 =	sadd.s32 $0x6000, s10;
	s14 =	sadd.s32 $0x8000, s10;
	(pc) =	sbr.rel .LBB2_1-.Ltmp0, $4  }
0x12: {  	s24 =	sadd.s32 $0x66400, s15;
	s26 =	sadd.s32 $0x66410, s15;
	[dreg:$0x8] =	wrdreg s0  }
0x13: {  	s22 =	smax.u32 s17, $0x1;
	s0 =	simm.s32 $0x1;
	[dreg:$0x4] =	wrdreg s2  }
0x14: {  	s15 =	simm.s32 $0x20;
	s17 =	simm.s32 $0x0;
	[dreg:$0x5] =	wrdreg s24  }
0x15: {  	v0 =	vimm.f32 $0.0e+00;
	[dreg:$0x7] =	wrdreg s26;
	s24 =	simm.s32 $0x2;
	s26 =	simm.s32 $0x9D80  }
.LBB2_8:
0x16: {  	[tilespmem:s31], [sflag:$0x2] =	stream.indirect.gather [hbm4b:s16+s29], $0x40, s6, s29, $0xb8;
	[tilespmem:$0x19E00] =	vst v63  }
0x17: {  	s2 =	rddreg [dreg:$0x6]  }
.LBB2_14:
0x18: {  	_ =	swait.ge [sflag:s0], $0x2000  }
0x19: {  	[sflag:s0] =	ssyncset.done $0x0  }
0x1a: {  	[sflag:s0] =	ssyncadd.s32 $0xFFFFE000  }
0x1b: {  	[spmem:s1] =	stream.indirect.scatter.add.f32 [tilespmem:s30], [sflag:$0x3], $0x40, s25, s29, $0xb8;
	[tilespmem:$0x19E00] =	vst v63  }
0x1c: {  	_ =	swait.ge [sflag:s23], $0x2000  }
0x1d: {  	[sflag:s23] =	ssyncset.done $0x0  }
0x1e: {  	[sflag:s23] =	ssyncadd.s32 $0xFFFFE000  }
0x1f: {  	_ =	swait.ge [sflag:s24], $0x2000  }
0x20: {  	[sflag:s24] =	ssyncset.done $0x0  }
0x21: {  	[sflag:s24] =	ssyncadd.s32 $0xFFFFE000  }
0x22: {  	[spmem:s1] =	stream.indirect.scatter.add.f32 [tilespmem:s31], [sflag:$0x3], $0x40, s26, s29, $0xb8;
	[tilespmem:$0x19E00] =	vst v63  }
0x23: {  	_ =	swait.ge [sflag:s23], $0x2000  }
0x24: {  	s17 =	sadd.s32 $0x1, s17;
	[sflag:s23] =	ssyncset.done $0x0  }
0x25: {  	s2 =	sadd.s32 s5, s2;
	p1 =	sne.s32 s17, s22;
	[sflag:s23] =	ssyncadd.s32 $0xFFFFE000  }
.Ltmp1:
0x26: {  	s6 =	sshrl.u32 s10, $0x3;
	[bflag:$0x0] =	sbarrier.arrive $0xFFFF;
	(pc) =	sbr.rel @!p1 .LBB2_15-.Ltmp1, $4  }
0x27: {  	[hbm:s2@s15], [sflag:s21] =	dma.strided [spmem:s6@s19], $0x1400, s0, $0x8   }
0x28: {  	_ =	swait.ge [sflag:s23], $0x1400  }
0x29: {  	[sflag:s23] =	ssyncset.done $0x0  }
0x2a: {  	[sflag:s23] =	ssyncadd.s32 $0xFFFFEC00  }
.LBB2_1:
0x2b: {  	s2 =	rddreg [dreg:$0x3]  }
0x2c: {  	[tilespmem:s3], [sflag:$0x3] =	stream.linear.gather [hbm4b:s2+s3], $0x2780, $0x38;
	[tilespmem:$0x19E00] =	vst v63  }
0x2d: {  	_ =	swait.ge [sflag:s23], $0x2780  }
0x2e: {  	[sflag:s23] =	ssyncset.done $0x0  }
0x2f: {  	s6 =	simm.s32 $0x2780;
	s21 =	rddreg [dreg:$0x4];
	[sflag:s23] =	ssyncadd.s32 $0xFFFFD880  }
0x30: {  	[tilespmem:s6], [sflag:$0x3] =	stream.linear.gather [hbm4b:s21+s3], $0x2780, $0x38;
	[tilespmem:$0x19E00] =	vst v63  }
0x31: {  	_ =	swait.ge [sflag:s23], $0x2780  }
0x32: {  	[sflag:s23] =	ssyncset.done $0x0  }
0x33: {  	s7 =	simm.s32 $0x4F00;
	[sflag:s23] =	ssyncadd.s32 $0xFFFFD880  }
0x34: {  	[tilespmem:s7], [sflag:$0x3] =	stream.linear.gather [hbm4b:s8+s3], $0x2780, $0x38;
	[tilespmem:$0x19E00] =	vst v63  }
0x35: {  	_ =	swait.ge [sflag:s23], $0x2780  }
0x36: {  	[sflag:s23] =	ssyncset.done $0x0  }
0x37: {  	s21 =	simm.s32 $0x7680;
	[sflag:s23] =	ssyncadd.s32 $0xFFFFD880  }
0x38: {  	[tilespmem:s21], [sflag:$0x3] =	stream.linear.gather [hbm4b:s9+s3], $0x2780, $0x38;
	[tilespmem:$0x19E00] =	vst v63  }
0x39: {  	_ =	swait.ge [sflag:s23], $0x2780  }
0x3a: {  	[sflag:s23] =	ssyncset.done $0x0  }
0x3b: {  	s2 =	simm.s32 $0x0;
	s21 =	simm.s32 $0x100;
	[sflag:s23] =	ssyncadd.s32 $0xFFFFD880  }
.LBB2_2:
0x3c: {  	p1 =	sne.s32 s21, $0x7F00;
	[tilespmem:s2+$0xDE30] =	vst v0;
	s6 =	smov.u32 s21;
	s21 =	sadd.s32 $0x100, s21  }
.Ltmp2:
0x3d: {  	[tilespmem:s2+$0xDE20] =	vst v0;
	(pc) =	sbr.rel @p1 .LBB2_2-.Ltmp2, $3  }
0x3e: {  	[tilespmem:s2+$0xDE00] =	vst v0  }
0x3f: {  	[tilespmem:s2+$0xDE10] =	vst v0;
	_ =	sdelay $0x1  }
0x40: {  	s2 =	sshra.s32 s6, $0x2  }
0x41: {  	[tilespmem:s2+$0xDE30] =	vst v0  }
0x42: {  	[tilespmem:s2+$0xDE20] =	vst v0  }
0x43: {  	[tilespmem:s2+$0xDE00] =	vst v0  }
0x44: {  	[tilespmem:s2+$0xDE10] =	vst v0  }
0x45: {  	[spmem:s10] =	stream.linear.scatter [tilespmem:s28], [sflag:$0x3], $0x2000, $0x38;
	[tilespmem:$0x19E00] =	vst v63  }
0x46: {  	_ =	swait.ge [sflag:s23], $0x2000  }
0x47: {  	[sflag:s23] =	ssyncset.done $0x0  }
0x48: {  	[sflag:s23] =	ssyncadd.s32 $0xFFFFE000  }
0x49: {  	[spmem:s11] =	stream.linear.scatter [tilespmem:s28], [sflag:$0x3], $0x2000, $0x38;
	[tilespmem:$0x19E00] =	vst v63  }
0x4a: {  	_ =	swait.ge [sflag:s23], $0x2000  }
0x4b: {  	[sflag:s23] =	ssyncset.done $0x0  }
0x4c: {  	[sflag:s23] =	ssyncadd.s32 $0xFFFFE000  }
0x4d: {  	[spmem:s12] =	stream.linear.scatter [tilespmem:s28], [sflag:$0x3], $0x2000, $0x38;
	[tilespmem:$0x19E00] =	vst v63  }
0x4e: {  	_ =	swait.ge [sflag:s23], $0x2000  }
0x4f: {  	[sflag:s23] =	ssyncset.done $0x0  }
0x50: {  	[sflag:s23] =	ssyncadd.s32 $0xFFFFE000  }
0x51: {  	[spmem:s13] =	stream.linear.scatter [tilespmem:s28], [sflag:$0x3], $0x2000, $0x38;
	[tilespmem:$0x19E00] =	vst v63  }
0x52: {  	_ =	swait.ge [sflag:s23], $0x2000  }
0x53: {  	[sflag:s23] =	ssyncset.done $0x0  }
0x54: {  	[sflag:s23] =	ssyncadd.s32 $0xFFFFE000  }
0x55: {  	[spmem:s14] =	stream.linear.scatter [tilespmem:s28], [sflag:$0x3], $0x2000, $0x38;
	[tilespmem:$0x19E00] =	vst v63  }
.Ltmp3:
0x56: {  	_ =	swait.ge [sflag:s23], $0x2000;
	(pc) =	sbr.rel @!p0 .LBB2_4-.Ltmp3, $4  }
0x57: {  	[sflag:s23] =	ssyncset.done $0x0  }
0x58: {  	[sflag:s23] =	ssyncadd.s32 $0xFFFFE000  }
0x59: {  	[bflag:$0x0] =	sbarrier.arrive $0xFFFF  }
0x5a: {  	s2 =	simm.s32 $0x0  }
0x5b: {  	[tilespmem:s30], [sflag:$0x1] =	stream.indirect.gather [hbm4b:s18+s29], $0x40, s2, s29, $0xb8;
	[tilespmem:$0x19E00] =	vst v63  }
0x5c: {  	_ = 	snop  }
0x5d: {  	[tilespmem:s31], [sflag:$0x2] =	stream.indirect.gather [hbm4b:s18+s29], $0x40, s29, s29, $0xb8;
	[tilespmem:$0x19E00] =	vst v63  }
0x5e: {  	_ =	swait.ge [sflag:s0], $0x2000  }
0x5f: {  	[sflag:s0] =	ssyncset.done $0x0  }
0x60: {  	s6 =	simm.s32 $0x4F00;
	[sflag:s0] =	ssyncadd.s32 $0xFFFFE000  }
0x61: {  	[spmem:s1] =	stream.indirect.scatter.add.f32 [tilespmem:s30], [sflag:$0x3], $0x40, s6, s29, $0xb8;
	[tilespmem:$0x19E00] =	vst v63  }
0x62: {  	_ =	swait.ge [sflag:s23], $0x2000  }
0x63: {  	[sflag:s23] =	ssyncset.done $0x0  }
0x64: {  	s7 =	simm.s32 $0x100;
	[sflag:s23] =	ssyncadd.s32 $0xFFFFE000  }
0x65: {  	[tilespmem:s30], [sflag:$0x1] =	stream.indirect.gather [hbm4b:s18+s29], $0x40, s7, s29, $0xb8;
	[tilespmem:$0x19E00] =	vst v63  }
0x66: {  	_ =	swait.ge [sflag:s24], $0x2000  }
0x67: {  	[sflag:s24] =	ssyncset.done $0x0  }
0x68: {  	s21 =	simm.s32 $0x4F80;
	[sflag:s24] =	ssyncadd.s32 $0xFFFFE000  }
0x69: {  	[spmem:s1] =	stream.indirect.scatter.add.f32 [tilespmem:s31], [sflag:$0x3], $0x40, s21, s29, $0xb8;
	[tilespmem:$0x19E00] =	vst v63  }
0x6a: {  	_ =	swait.ge [sflag:s23], $0x2000  }
0x6b: {  	[sflag:s23] =	ssyncset.done $0x0  }
0x6c: {  	s2 =	simm.s32 $0x400;
	s6 =	simm.s32 $0x180;
	[sflag:s23] =	ssyncadd.s32 $0xFFFFE000  }
.LBB2_10:
0x6d: {  	[tilespmem:s31], [sflag:$0x2] =	stream.indirect.gather [hbm4b:s18+s29], $0x40, s6, s29, $0xb8;
	[tilespmem:$0x19E00] =	vst v63  }
0x6e: {  	s6 =	smov.u32 s2  }
0x6f: {  	p1 =	sne.s32 s2, $0x13400;
	s2 =	sadd.s32 $0x400, s2;
	_ =	swait.ge [sflag:s0], $0x2000  }
0x70: {  	s6 =	sshra.s32 s6, $0x2;
	[sflag:s0] =	ssyncset.done $0x0  }
0x71: {  	s7 =	sadd.s32 $0x4F00, s6;
	[sflag:s0] =	ssyncadd.s32 $0xFFFFE000  }
0x72: {  	[spmem:s1] =	stream.indirect.scatter.add.f32 [tilespmem:s30], [sflag:$0x3], $0x40, s7, s29, $0xb8;
	[tilespmem:$0x19E00] =	vst v63  }
0x73: {  	_ =	swait.ge [sflag:s23], $0x2000  }
0x74: {  	[sflag:s23] =	ssyncset.done $0x0  }
0x75: {  	s7 =	sadd.s32 $0x100, s6;
	[sflag:s23] =	ssyncadd.s32 $0xFFFFE000  }
0x76: {  	[tilespmem:s30], [sflag:$0x1] =	stream.indirect.gather [hbm4b:s18+s29], $0x40, s7, s29, $0xb8;
	[tilespmem:$0x19E00] =	vst v63  }
0x77: {  	_ =	swait.ge [sflag:s24], $0x2000  }
0x78: {  	[sflag:s24] =	ssyncset.done $0x0  }
.Ltmp4:
0x79: {  	s7 =	sadd.s32 $0x4F80, s6;
	[sflag:s24] =	ssyncadd.s32 $0xFFFFE000;
	(pc) =	sbr.rel @p1 .LBB2_10-.Ltmp4, $4  }
0x7a: {  	[spmem:s1] =	stream.indirect.scatter.add.f32 [tilespmem:s31], [sflag:$0x3], $0x40, s7, s29, $0xb8;
	[tilespmem:$0x19E00] =	vst v63  }
0x7b: {  	_ =	swait.ge [sflag:s23], $0x2000  }
0x7c: {  	[sflag:s23] =	ssyncset.done $0x0  }
0x7d: {  	s6 =	sadd.s32 $0x180, s6;
	[sflag:s23] =	ssyncadd.s32 $0xFFFFE000  }
0x7e: {  	[tilespmem:s31], [sflag:$0x2] =	stream.indirect.gather [hbm4b:s18+s29], $0x40, s6, s29, $0xb8;
	[tilespmem:$0x19E00] =	vst v63  }
0x7f: {  	_ =	swait.ge [sflag:s0], $0x2000  }
0x80: {  	[sflag:s0] =	ssyncset.done $0x0  }
0x81: {  	[sflag:s0] =	ssyncadd.s32 $0xFFFFE000  }
0x82: {  	[spmem:s1] =	stream.indirect.scatter.add.f32 [tilespmem:s30], [sflag:$0x3], $0x40, s25, s29, $0xb8;
	[tilespmem:$0x19E00] =	vst v63  }
0x83: {  	_ =	swait.ge [sflag:s23], $0x2000  }
0x84: {  	[sflag:s23] =	ssyncset.done $0x0  }
0x85: {  	[sflag:s23] =	ssyncadd.s32 $0xFFFFE000  }
0x86: {  	_ =	swait.ge [sflag:s24], $0x2000  }
0x87: {  	[sflag:s24] =	ssyncset.done $0x0  }
0x88: {  	[sflag:s24] =	ssyncadd.s32 $0xFFFFE000  }
0x89: {  	[spmem:s1] =	stream.indirect.scatter.add.f32 [tilespmem:s31], [sflag:$0x3], $0x40, s26, s29, $0xb8;
	[tilespmem:$0x19E00] =	vst v63  }
0x8a: {  	_ =	swait.ge [sflag:s23], $0x2000  }
0x8b: {  	[sflag:s23] =	ssyncset.done $0x0  }
0x8c: {  	s2 =	stileid.u32;
	[sflag:s23] =	ssyncadd.s32 $0xFFFFE000  }
0x8d: {  	s2 =	sshll.u32 s2, $0x6;
	[bflag:$0x0] =	sbarrier.arrive $0xFFFF  }
0x8e: {  	s6 =	sshrl.u32 s10, $0x3;
	s21 =	sor.u32 $0x1C03, s2;
	s7 =	rddreg [dreg:$0x7]  }
0x8f: {  	[hbm:s7@s15], [sflag:s21] =	dma.strided [spmem:s6@s19], $0x1400, s0, $0x8   }
0x90: {  	_ =	swait.ge [sflag:s23], $0x1400  }
0x91: {  	[sflag:s23] =	ssyncset.done $0x0  }
0x92: {  	[sflag:s23] =	ssyncadd.s32 $0xFFFFEC00  }
0x93: {  	[spmem:s10] =	stream.linear.scatter [tilespmem:s28], [sflag:$0x3], $0x2000, $0x38;
	[tilespmem:$0x19E00] =	vst v63  }
0x94: {  	_ =	swait.ge [sflag:s23], $0x2000  }
0x95: {  	[sflag:s23] =	ssyncset.done $0x0  }
0x96: {  	[sflag:s23] =	ssyncadd.s32 $0xFFFFE000  }
0x97: {  	[spmem:s11] =	stream.linear.scatter [tilespmem:s28], [sflag:$0x3], $0x2000, $0x38;
	[tilespmem:$0x19E00] =	vst v63  }
0x98: {  	_ =	swait.ge [sflag:s23], $0x2000  }
0x99: {  	[sflag:s23] =	ssyncset.done $0x0  }
0x9a: {  	[sflag:s23] =	ssyncadd.s32 $0xFFFFE000  }
0x9b: {  	[spmem:s12] =	stream.linear.scatter [tilespmem:s28], [sflag:$0x3], $0x2000, $0x38;
	[tilespmem:$0x19E00] =	vst v63  }
0x9c: {  	_ =	swait.ge [sflag:s23], $0x2000  }
0x9d: {  	[sflag:s23] =	ssyncset.done $0x0  }
0x9e: {  	[sflag:s23] =	ssyncadd.s32 $0xFFFFE000  }
0x9f: {  	[spmem:s13] =	stream.linear.scatter [tilespmem:s28], [sflag:$0x3], $0x2000, $0x38;
	[tilespmem:$0x19E00] =	vst v63  }
0xa0: {  	_ =	swait.ge [sflag:s23], $0x2000  }
0xa1: {  	[sflag:s23] =	ssyncset.done $0x0  }
0xa2: {  	[sflag:s23] =	ssyncadd.s32 $0xFFFFE000  }
0xa3: {  	[spmem:s14] =	stream.linear.scatter [tilespmem:s28], [sflag:$0x3], $0x2000, $0x38;
	[tilespmem:$0x19E00] =	vst v63  }
0xa4: {  	_ =	swait.ge [sflag:s23], $0x2000  }
0xa5: {  	[sflag:s23] =	ssyncset.done $0x0  }
0xa6: {  	[sflag:s23] =	ssyncadd.s32 $0xFFFFE000  }
0xa7: {  	s6 =	simm.s32 $0x0;
	[bflag:$0x0] =	sbarrier.arrive $0xFFFF  }
0xa8: {  	[tilespmem:s30], [sflag:$0x1] =	stream.indirect.gather [hbm4b:s20+s29], $0x40, s6, s29, $0xb8;
	[tilespmem:$0x19E00] =	vst v63  }
0xa9: {  	_ = 	snop  }
0xaa: {  	[tilespmem:s31], [sflag:$0x2] =	stream.indirect.gather [hbm4b:s20+s29], $0x40, s29, s29, $0xb8;
	[tilespmem:$0x19E00] =	vst v63  }
0xab: {  	_ =	swait.ge [sflag:s0], $0x2000  }
0xac: {  	[sflag:s0] =	ssyncset.done $0x0  }
0xad: {  	s7 =	simm.s32 $0x4F00;
	[sflag:s0] =	ssyncadd.s32 $0xFFFFE000  }
0xae: {  	[spmem:s1] =	stream.indirect.scatter.add.f32 [tilespmem:s30], [sflag:$0x3], $0x40, s7, s29, $0xb8;
	[tilespmem:$0x19E00] =	vst v63  }
0xaf: {  	_ =	swait.ge [sflag:s23], $0x2000  }
0xb0: {  	[sflag:s23] =	ssyncset.done $0x0  }
0xb1: {  	s6 =	simm.s32 $0x100;
	[sflag:s23] =	ssyncadd.s32 $0xFFFFE000  }
0xb2: {  	[tilespmem:s30], [sflag:$0x1] =	stream.indirect.gather [hbm4b:s20+s29], $0x40, s6, s29, $0xb8;
	[tilespmem:$0x19E00] =	vst v63  }
0xb3: {  	_ =	swait.ge [sflag:s24], $0x2000  }
0xb4: {  	[sflag:s24] =	ssyncset.done $0x0  }
0xb5: {  	s7 =	simm.s32 $0x4F80;
	[sflag:s24] =	ssyncadd.s32 $0xFFFFE000  }
0xb6: {  	[spmem:s1] =	stream.indirect.scatter.add.f32 [tilespmem:s31], [sflag:$0x3], $0x40, s7, s29, $0xb8;
	[tilespmem:$0x19E00] =	vst v63  }
0xb7: {  	_ =	swait.ge [sflag:s23], $0x2000  }
0xb8: {  	[sflag:s23] =	ssyncset.done $0x0  }
0xb9: {  	s2 =	simm.s32 $0x400;
	s6 =	simm.s32 $0x180;
	[sflag:s23] =	ssyncadd.s32 $0xFFFFE000  }
.LBB2_12:
0xba: {  	[tilespmem:s31], [sflag:$0x2] =	stream.indirect.gather [hbm4b:s20+s29], $0x40, s6, s29, $0xb8;
	[tilespmem:$0x19E00] =	vst v63  }
0xbb: {  	s6 =	smov.u32 s2  }
0xbc: {  	p1 =	sne.s32 s2, $0x13400;
	s2 =	sadd.s32 $0x400, s2;
	_ =	swait.ge [sflag:s0], $0x2000  }
0xbd: {  	s6 =	sshra.s32 s6, $0x2;
	[sflag:s0] =	ssyncset.done $0x0  }
0xbe: {  	s7 =	sadd.s32 $0x4F00, s6;
	[sflag:s0] =	ssyncadd.s32 $0xFFFFE000  }
0xbf: {  	[spmem:s1] =	stream.indirect.scatter.add.f32 [tilespmem:s30], [sflag:$0x3], $0x40, s7, s29, $0xb8;
	[tilespmem:$0x19E00] =	vst v63  }
0xc0: {  	_ =	swait.ge [sflag:s23], $0x2000  }
0xc1: {  	[sflag:s23] =	ssyncset.done $0x0  }
0xc2: {  	s7 =	sadd.s32 $0x100, s6;
	[sflag:s23] =	ssyncadd.s32 $0xFFFFE000  }
0xc3: {  	[tilespmem:s30], [sflag:$0x1] =	stream.indirect.gather [hbm4b:s20+s29], $0x40, s7, s29, $0xb8;
	[tilespmem:$0x19E00] =	vst v63  }
0xc4: {  	_ =	swait.ge [sflag:s24], $0x2000  }
0xc5: {  	[sflag:s24] =	ssyncset.done $0x0  }
.Ltmp5:
0xc6: {  	s7 =	sadd.s32 $0x4F80, s6;
	[sflag:s24] =	ssyncadd.s32 $0xFFFFE000;
	(pc) =	sbr.rel @p1 .LBB2_12-.Ltmp5, $4  }
0xc7: {  	[spmem:s1] =	stream.indirect.scatter.add.f32 [tilespmem:s31], [sflag:$0x3], $0x40, s7, s29, $0xb8;
	[tilespmem:$0x19E00] =	vst v63  }
0xc8: {  	_ =	swait.ge [sflag:s23], $0x2000  }
0xc9: {  	[sflag:s23] =	ssyncset.done $0x0  }
0xca: {  	s6 =	sadd.s32 $0x180, s6;
	[sflag:s23] =	ssyncadd.s32 $0xFFFFE000  }
.Ltmp6:
0xcb: {  	(pc) =	sbr.rel .LBB2_14-.Ltmp6, $3  }
0xcc: {  	_ =	sdelay $0x1  }
0xcd: {  	[tilespmem:s31], [sflag:$0x2] =	stream.indirect.gather [hbm4b:s20+s29], $0x40, s6, s29, $0xb8;
	[tilespmem:$0x19E00] =	vst v63  }
0xce: {  	s2 =	rddreg [dreg:$0x8]  }
.LBB2_4:
0xcf: {  	[tilespmem:s30], [sflag:$0x1] =	stream.indirect.gather [hbm4b:s4+s29], $0x40, s2, s29, $0xb8;
	[tilespmem:$0x19E00] =	vst v63  }
0xd0: {  	_ = 	snop  }
0xd1: {  	[tilespmem:s31], [sflag:$0x2] =	stream.indirect.gather [hbm4b:s4+s29], $0x40, s29, s29, $0xb8;
	[tilespmem:$0x19E00] =	vst v63  }
0xd2: {  	_ =	swait.ge [sflag:s0], $0x2000  }
0xd3: {  	[sflag:s0] =	ssyncset.done $0x0  }
0xd4: {  	s6 =	simm.s32 $0x4F00;
	[sflag:s0] =	ssyncadd.s32 $0xFFFFE000  }
0xd5: {  	[spmem:s1] =	stream.indirect.scatter.add.f32 [tilespmem:s30], [sflag:$0x3], $0x40, s6, s29, $0xb8;
	[tilespmem:$0x19E00] =	vst v63  }
0xd6: {  	_ =	swait.ge [sflag:s23], $0x2000  }
0xd7: {  	[sflag:s23] =	ssyncset.done $0x0  }
0xd8: {  	s7 =	simm.s32 $0x100;
	[sflag:s23] =	ssyncadd.s32 $0xFFFFE000  }
0xd9: {  	[tilespmem:s30], [sflag:$0x1] =	stream.indirect.gather [hbm4b:s4+s29], $0x40, s7, s29, $0xb8;
	[tilespmem:$0x19E00] =	vst v63  }
0xda: {  	_ =	swait.ge [sflag:s24], $0x2000  }
0xdb: {  	[sflag:s24] =	ssyncset.done $0x0  }
0xdc: {  	s21 =	simm.s32 $0x4F80;
	[sflag:s24] =	ssyncadd.s32 $0xFFFFE000  }
0xdd: {  	[spmem:s1] =	stream.indirect.scatter.add.f32 [tilespmem:s31], [sflag:$0x3], $0x40, s21, s29, $0xb8;
	[tilespmem:$0x19E00] =	vst v63  }
0xde: {  	_ =	swait.ge [sflag:s23], $0x2000  }
0xdf: {  	[sflag:s23] =	ssyncset.done $0x0  }
0xe0: {  	s2 =	simm.s32 $0x180;
	s21 =	simm.s32 $0x400;
	[sflag:s23] =	ssyncadd.s32 $0xFFFFE000  }
.LBB2_5:
0xe1: {  	[tilespmem:s31], [sflag:$0x2] =	stream.indirect.gather [hbm4b:s4+s29], $0x40, s2, s29, $0xb8;
	[tilespmem:$0x19E00] =	vst v63  }
0xe2: {  	s2 =	smov.u32 s21  }
0xe3: {  	p1 =	sne.s32 s21, $0x13400;
	s21 =	sadd.s32 $0x400, s21;
	_ =	swait.ge [sflag:s0], $0x2000  }
0xe4: {  	s2 =	sshra.s32 s2, $0x2;
	[sflag:s0] =	ssyncset.done $0x0  }
0xe5: {  	s6 =	sadd.s32 $0x4F00, s2;
	[sflag:s0] =	ssyncadd.s32 $0xFFFFE000  }
0xe6: {  	[spmem:s1] =	stream.indirect.scatter.add.f32 [tilespmem:s30], [sflag:$0x3], $0x40, s6, s29, $0xb8;
	[tilespmem:$0x19E00] =	vst v63  }
0xe7: {  	_ =	swait.ge [sflag:s23], $0x2000  }
0xe8: {  	[sflag:s23] =	ssyncset.done $0x0  }
0xe9: {  	s6 =	sadd.s32 $0x100, s2;
	[sflag:s23] =	ssyncadd.s32 $0xFFFFE000  }
0xea: {  	[tilespmem:s30], [sflag:$0x1] =	stream.indirect.gather [hbm4b:s4+s29], $0x40, s6, s29, $0xb8;
	[tilespmem:$0x19E00] =	vst v63  }
0xeb: {  	_ =	swait.ge [sflag:s24], $0x2000  }
0xec: {  	[sflag:s24] =	ssyncset.done $0x0  }
.Ltmp7:
0xed: {  	s6 =	sadd.s32 $0x4F80, s2;
	[sflag:s24] =	ssyncadd.s32 $0xFFFFE000;
	(pc) =	sbr.rel @p1 .LBB2_5-.Ltmp7, $4  }
0xee: {  	[spmem:s1] =	stream.indirect.scatter.add.f32 [tilespmem:s31], [sflag:$0x3], $0x40, s6, s29, $0xb8;
	[tilespmem:$0x19E00] =	vst v63  }
0xef: {  	_ =	swait.ge [sflag:s23], $0x2000  }
0xf0: {  	[sflag:s23] =	ssyncset.done $0x0  }
0xf1: {  	s2 =	sadd.s32 $0x180, s2;
	[sflag:s23] =	ssyncadd.s32 $0xFFFFE000  }
0xf2: {  	[tilespmem:s31], [sflag:$0x2] =	stream.indirect.gather [hbm4b:s4+s29], $0x40, s2, s29, $0xb8;
	[tilespmem:$0x19E00] =	vst v63  }
0xf3: {  	_ =	swait.ge [sflag:s0], $0x2000  }
0xf4: {  	[sflag:s0] =	ssyncset.done $0x0  }
0xf5: {  	[sflag:s0] =	ssyncadd.s32 $0xFFFFE000  }
0xf6: {  	[spmem:s1] =	stream.indirect.scatter.add.f32 [tilespmem:s30], [sflag:$0x3], $0x40, s25, s29, $0xb8;
	[tilespmem:$0x19E00] =	vst v63  }
0xf7: {  	_ =	swait.ge [sflag:s23], $0x2000  }
0xf8: {  	[sflag:s23] =	ssyncset.done $0x0  }
0xf9: {  	[sflag:s23] =	ssyncadd.s32 $0xFFFFE000  }
0xfa: {  	_ =	swait.ge [sflag:s24], $0x2000  }
0xfb: {  	[sflag:s24] =	ssyncset.done $0x0  }
0xfc: {  	[sflag:s24] =	ssyncadd.s32 $0xFFFFE000  }
0xfd: {  	[spmem:s1] =	stream.indirect.scatter.add.f32 [tilespmem:s31], [sflag:$0x3], $0x40, s26, s29, $0xb8;
	[tilespmem:$0x19E00] =	vst v63  }
0xfe: {  	_ =	swait.ge [sflag:s23], $0x2000  }
0xff: {  	[sflag:s23] =	ssyncset.done $0x0  }
0x100: {  	s6 =	stileid.u32;
	[sflag:s23] =	ssyncadd.s32 $0xFFFFE000  }
0x101: {  	s2 =	sshll.u32 s6, $0x6;
	[bflag:$0x0] =	sbarrier.arrive $0xFFFF  }
0x102: {  	s7 =	sshrl.u32 s10, $0x3;
	s21 =	sor.u32 $0x1C03, s2;
	s6 =	rddreg [dreg:$0x5]  }
0x103: {  	[hbm:s6@s15], [sflag:s21] =	dma.strided [spmem:s7@s19], $0x1400, s0, $0x8   }
0x104: {  	_ =	swait.ge [sflag:s23], $0x1400  }
0x105: {  	[sflag:s23] =	ssyncset.done $0x0  }
0x106: {  	[sflag:s23] =	ssyncadd.s32 $0xFFFFEC00  }
0x107: {  	[spmem:s10] =	stream.linear.scatter [tilespmem:s28], [sflag:$0x3], $0x2000, $0x38;
	[tilespmem:$0x19E00] =	vst v63  }
0x108: {  	_ =	swait.ge [sflag:s23], $0x2000  }
0x109: {  	[sflag:s23] =	ssyncset.done $0x0  }
0x10a: {  	[sflag:s23] =	ssyncadd.s32 $0xFFFFE000  }
0x10b: {  	[spmem:s11] =	stream.linear.scatter [tilespmem:s28], [sflag:$0x3], $0x2000, $0x38;
	[tilespmem:$0x19E00] =	vst v63  }
0x10c: {  	_ =	swait.ge [sflag:s23], $0x2000  }
0x10d: {  	[sflag:s23] =	ssyncset.done $0x0  }
0x10e: {  	[sflag:s23] =	ssyncadd.s32 $0xFFFFE000  }
0x10f: {  	[spmem:s12] =	stream.linear.scatter [tilespmem:s28], [sflag:$0x3], $0x2000, $0x38;
	[tilespmem:$0x19E00] =	vst v63  }
0x110: {  	_ =	swait.ge [sflag:s23], $0x2000  }
0x111: {  	[sflag:s23] =	ssyncset.done $0x0  }
0x112: {  	[sflag:s23] =	ssyncadd.s32 $0xFFFFE000  }
0x113: {  	[spmem:s13] =	stream.linear.scatter [tilespmem:s28], [sflag:$0x3], $0x2000, $0x38;
	[tilespmem:$0x19E00] =	vst v63  }
0x114: {  	_ =	swait.ge [sflag:s23], $0x2000  }
0x115: {  	[sflag:s23] =	ssyncset.done $0x0  }
0x116: {  	[sflag:s23] =	ssyncadd.s32 $0xFFFFE000  }
0x117: {  	[spmem:s14] =	stream.linear.scatter [tilespmem:s28], [sflag:$0x3], $0x2000, $0x38;
	[tilespmem:$0x19E00] =	vst v63  }
0x118: {  	_ =	swait.ge [sflag:s23], $0x2000  }
0x119: {  	[sflag:s23] =	ssyncset.done $0x0  }
0x11a: {  	[sflag:s23] =	ssyncadd.s32 $0xFFFFE000  }
0x11b: {  	s6 =	simm.s32 $0x0;
	[bflag:$0x0] =	sbarrier.arrive $0xFFFF  }
0x11c: {  	[tilespmem:s30], [sflag:$0x1] =	stream.indirect.gather [hbm4b:s16+s29], $0x40, s6, s29, $0xb8;
	[tilespmem:$0x19E00] =	vst v63  }
0x11d: {  	_ = 	snop  }
0x11e: {  	[tilespmem:s31], [sflag:$0x2] =	stream.indirect.gather [hbm4b:s16+s29], $0x40, s29, s29, $0xb8;
	[tilespmem:$0x19E00] =	vst v63  }
0x11f: {  	_ =	swait.ge [sflag:s0], $0x2000  }
0x120: {  	[sflag:s0] =	ssyncset.done $0x0  }
0x121: {  	s7 =	simm.s32 $0x4F00;
	[sflag:s0] =	ssyncadd.s32 $0xFFFFE000  }
0x122: {  	[spmem:s1] =	stream.indirect.scatter.add.f32 [tilespmem:s30], [sflag:$0x3], $0x40, s7, s29, $0xb8;
	[tilespmem:$0x19E00] =	vst v63  }
0x123: {  	_ =	swait.ge [sflag:s23], $0x2000  }
0x124: {  	[sflag:s23] =	ssyncset.done $0x0  }
0x125: {  	s6 =	simm.s32 $0x100;
	[sflag:s23] =	ssyncadd.s32 $0xFFFFE000  }
0x126: {  	[tilespmem:s30], [sflag:$0x1] =	stream.indirect.gather [hbm4b:s16+s29], $0x40, s6, s29, $0xb8;
	[tilespmem:$0x19E00] =	vst v63  }
0x127: {  	_ =	swait.ge [sflag:s24], $0x2000  }
0x128: {  	[sflag:s24] =	ssyncset.done $0x0  }
0x129: {  	s7 =	simm.s32 $0x4F80;
	[sflag:s24] =	ssyncadd.s32 $0xFFFFE000  }
0x12a: {  	[spmem:s1] =	stream.indirect.scatter.add.f32 [tilespmem:s31], [sflag:$0x3], $0x40, s7, s29, $0xb8;
	[tilespmem:$0x19E00] =	vst v63  }
0x12b: {  	_ =	swait.ge [sflag:s23], $0x2000  }
0x12c: {  	[sflag:s23] =	ssyncset.done $0x0  }
0x12d: {  	s2 =	simm.s32 $0x400;
	s6 =	simm.s32 $0x180;
	[sflag:s23] =	ssyncadd.s32 $0xFFFFE000  }
.LBB2_7:
0x12e: {  	[tilespmem:s31], [sflag:$0x2] =	stream.indirect.gather [hbm4b:s16+s29], $0x40, s6, s29, $0xb8;
	[tilespmem:$0x19E00] =	vst v63  }
0x12f: {  	s6 =	smov.u32 s2  }
0x130: {  	p1 =	seq.s32 s2, $0x13400;
	s2 =	sadd.s32 $0x400, s2;
	_ =	swait.ge [sflag:s0], $0x2000  }
0x131: {  	s6 =	sshra.s32 s6, $0x2;
	[sflag:s0] =	ssyncset.done $0x0  }
0x132: {  	s7 =	sadd.s32 $0x4F00, s6;
	[sflag:s0] =	ssyncadd.s32 $0xFFFFE000  }
0x133: {  	[spmem:s1] =	stream.indirect.scatter.add.f32 [tilespmem:s30], [sflag:$0x3], $0x40, s7, s29, $0xb8;
	[tilespmem:$0x19E00] =	vst v63  }
0x134: {  	_ =	swait.ge [sflag:s23], $0x2000  }
0x135: {  	[sflag:s23] =	ssyncset.done $0x0  }
0x136: {  	s7 =	sadd.s32 $0x100, s6;
	[sflag:s23] =	ssyncadd.s32 $0xFFFFE000  }
0x137: {  	[tilespmem:s30], [sflag:$0x1] =	stream.indirect.gather [hbm4b:s16+s29], $0x40, s7, s29, $0xb8;
	[tilespmem:$0x19E00] =	vst v63  }
0x138: {  	_ =	swait.ge [sflag:s24], $0x2000  }
0x139: {  	[sflag:s24] =	ssyncset.done $0x0  }
.Ltmp8:
0x13a: {  	s7 =	sadd.s32 $0x4F80, s6;
	[sflag:s24] =	ssyncadd.s32 $0xFFFFE000;
	(pc) =	sbr.rel @!p1 .LBB2_7-.Ltmp8, $4  }
0x13b: {  	[spmem:s1] =	stream.indirect.scatter.add.f32 [tilespmem:s31], [sflag:$0x3], $0x40, s7, s29, $0xb8;
	[tilespmem:$0x19E00] =	vst v63  }
0x13c: {  	_ =	swait.ge [sflag:s23], $0x2000  }
0x13d: {  	[sflag:s23] =	ssyncset.done $0x0  }
0x13e: {  	s6 =	sadd.s32 $0x180, s6;
	[sflag:s23] =	ssyncadd.s32 $0xFFFFE000  }
.Ltmp9:
0x13f: {  	_ = 	snop;
	(pc) =	sbr.rel .LBB2_8-.Ltmp9, $1  }
0x140: {  	_ =	sdelay $0x3  }
.LBB2_15:
0x141: {  	_ =	sfence.sel $0x180000  }
0x142: {  	[bflag:$0x0] =	sbarrier.arrive $0xFFFF  }
0x143: {  	_ =	strace $0x9000004A  }
0x144: {  	s0 =	stileid.u32;
	[bflag:$0x2] =	sbarrier.arrive $0xFFFF  }
0x145: {  	p0 =	sne.s32 s0, $0x0;
	s0 =	rddreg [dreg:$0x2]  }
0x146: {  	s0 =	sadd.s32 @!p0 $0x100000, s0  }
0x147: {  	[sflag:s0] =	ssyncadd.tile.s32 @!p0 $0x1;
	_ =	shalt  }
.Lfunc_end2:
_tile_overlayer_lowered:
.L_overlay_start_2:
0x148: {  	(tag) =	ssettag $0x2  }
0x149: {  	s0 =	rddreg [dreg:$0x0];
	s2 =	stileid.u32  }
0x14a: {  	s1 =	rddreg [dreg:$0x1];
	p0 =	sne.s32 s2, $0x0  }
0x14b: {  	s3 =	rddreg [dreg:$0x2];
	[bflag:$0x3] =	sbarrier.arrive $0xFFFF;
	s2 =	simm.s32 @!p0 $0x1C03  }
0x14c: {  	[timem:s3], [sflag:s2] =	dma.local @!p0 [hbm:s0], s1  }
0x14d: {  	s0 =	simm.s32 @!p0 $0x3  }
0x14e: {  	_ =	swait.ge @!p0 [sflag:s0], s1  }
0x14f: {  	s1 =	ssub.s32 @!p0 $0x0, s1;
	[sflag:s0] =	ssyncset.done @!p0 $0x0  }
0x150: {  	[sflag:s0] =	ssyncadd.s32 @!p0 s1  }
0x151: {  	[bflag:$0x3] =	sbarrier.arrive $0xFFFF  }
0x152: {  	_ =	shalt  }

// kernel: kernel.14.cloned.1.call-start
scs
__scs_entry_jumppad:
0x0: {  	(pc) =	sbr.rel $0x88, $3  }
0x1: {  	(tag) =	ssettag $0x0;
	lr =	simm.s32 $0x1  }
0x2: {  	[smem:$0x3F9B] =	sst lr;
	_ =	strace $0xD0000000  }
0x3: {  	_ = 	snop  }
0x4: {  	_ = 	snop  }
0x5: {  	_ = 	snop  }
0x6: {  	_ = 	snop  }
0x7: {  	_ = 	snop  }
__scs_overlays_trampoline_lowered:
0x8: {  	[smem:$0x3FAA] =	sst s0  }
0x9: {  	[smem:$0x3FAB] =	sst s1  }
0xa: {  	[smem:$0x3FAC] =	sst s2  }
0xb: {  	[smem:$0x3FAD] =	sst s3  }
0xc: {  	[smem:$0x3FAE] =	sst s4  }
0xd: {  	[smem:$0x3FAF] =	sst s5  }
0xe: {  	[smem:$0x3FB0] =	sst s6  }
0xf: {  	[smem:$0x3FB1] =	sst s7  }
0x10: {  	[smem:$0x3FB2] =	sst s8  }
0x11: {  	[smem:$0x3FB3] =	sst s9;
	s0 =	simm.s32 @!p0 $0x0  }
0x12: {  	s1 =	sld [smem:$0x3F99];
	s0 =	simm.s32 @p0 $0x1  }
0x13: {  	[smem:$0x3FB4] =	sst s0;
	s0 =	simm.s32 @!p1 $0x0  }
0x14: {  	s2 =	sld [smem:$0x3F98];
	s0 =	simm.s32 @p1 $0x1  }
0x15: {  	[smem:$0x3FB5] =	sst s0;
	s0 =	simm.s32 @!p2 $0x0  }
0x16: {  	s3 =	sld [smem:$0x3FDB];
	s0 =	simm.s32 @p2 $0x1  }
0x17: {  	s4 =	simm.s32 $0x1BF5;
	[smem:$0x3FB7] =	sst s0  }
0x18: {  	s0 =	sld [smem:$0x3F9A];
	_ =	swait.ge [sflag:s4], $0x0  }
0x19: {  	s7 =	sld [smem:$0x3F9B]  }
0x1a: {  	s8 =	sadd.s32 $0xFFFFE003, lr  }
0x1b: {  	s9 =	sadd.s32 $0xFFFFFEF7, lr;
	s5 =	simm.s32 $0xFFFFFFFF;
	p2 =	slt.u32 s8, $0xFFFFF086  }
0x1c: {  	p1 =	slt.u32 s9, $0xF7A;
	s5 =	simm.s32 @!p2 $0x0  }
0x1d: {  	s5 =	simm.s32 @p1 $0x1;
	p0 =	seq.s32 s7, s2  }
0x1e: {  	s7 =	smul.u32 @!p0 $0xF7A, s2;
	p2 =	seq.s32 @!p0 s5, $0x0  }
0x1f: {  	s9 =	smul.u32 $0xF7A, s1;
	s8 =	simm.s32 @!p0 $0x1BF5;
	p2 =	por !p2, p0  }
0x20: {  	[sflag:s8] =	ssyncset.s32 @!p0 $0xFFFFF086;
	s6 =	sadd.s32 @!p0 s3, s7;
	s7 =	simm.s32 @!p0 $0x108  }
0x21: {  	s3 =	sadd.s32 s3, s9;
	s6 =	sadd.s32 @!p0 $0x88, s6;
	s7 =	simm.s32 @p2 $0x1082  }
0x22: {  	[simem:s7], [sflag:s8] =	dma.local @!p0 [hbm:s6], $0xF7A  }
0x23: {  	s9 =	sor.u32 $0xD0000000, s2;
	s6 =	simm.s32 $0x108;
	_ =	swait.ge @!p0 [sflag:s8], $0x0  }
0x24: {  	s3 =	sadd.s32 $0x88, s3;
	s6 =	simm.s32 @!p1 $0x1082;
	[sflag:s4] =	ssyncset.s32 $0xFFFFF086  }
0x25: {  	[simem:s6], [sflag:s4] =	dma.local [hbm:s3], $0xF7A  }
0x26: {  	[smem:$0x3F9B] =	sst s1;
	(tag) =	ssettag s2;
	_ =	strace s9  }
0x27: {  	s1 =	sld [smem:$0x3FAB]  }
0x28: {  	s2 =	sld [smem:$0x3FAC]  }
0x29: {  	s4 =	sld [smem:$0x3FAE]  }
0x2a: {  	p0 =	seq.s32 s5, $0x0;
	s5 =	sld [smem:$0x3FAF]  }
0x2b: {  	s6 =	sld [smem:$0x3FB0]  }
0x2c: {  	s7 =	sld [smem:$0x3FB1]  }
0x2d: {  	s3 =	simm.s32 $0x108;
	s8 =	sld [smem:$0x3FB2]  }
0x2e: {  	s3 =	simm.s32 @!p0 $0x1082;
	s9 =	sld [smem:$0x3FB3]  }
0x2f: {  	lr =	sadd.s32 s0, s3;
	s0 =	sld [smem:$0x3FAA]  }
0x30: {  	s3 =	sld [smem:$0x3FAD]  }
0x31: {  	[smem:$0x3FB6] =	sst s10  }
0x32: {  	s10 =	sld [smem:$0x3FB4];
	_ =	sdelay $0x3  }
0x33: {  	p0 =	seq.s32 s10, $0x1;
	s10 =	sld [smem:$0x3FB6];
	_ =	sdelay $0x3  }
0x34: {  	[smem:$0x3FB6] =	sst s10  }
0x35: {  	s10 =	sld [smem:$0x3FB5];
	_ =	sdelay $0x3  }
0x36: {  	p1 =	seq.s32 s10, $0x1;
	s10 =	sld [smem:$0x3FB6];
	_ =	sdelay $0x3  }
0x37: {  	[smem:$0x3FB6] =	sst s10  }
0x38: {  	s10 =	sld [smem:$0x3FB7]  }
0x39: {  	_ = 	snop;
	(pc) =	sbr.ind lr, $3  }
0x3a: {  	_ = 	snop  }
0x3b: {  	_ = 	snop  }
0x3c: {  	p2 =	seq.s32 s10, $0x1;
	s10 =	sld [smem:$0x3FB6]  }
0x3d: {  	_ =	shalt  }
0x3e: {  	_ =	shalt  }
0x3f: {  	_ =	shalt  }
0x40: {  	_ =	shalt  }
0x41: {  	_ =	shalt  }
0x42: {  	_ =	shalt  }
0x43: {  	_ =	shalt  }
0x44: {  	_ =	shalt  }
0x45: {  	_ =	shalt  }
0x46: {  	_ =	shalt  }
0x47: {  	_ =	shalt  }
0x48: {  	_ =	shalt  }
0x49: {  	_ =	shalt  }
0x4a: {  	_ =	shalt  }
0x4b: {  	_ =	shalt  }
0x4c: {  	_ =	shalt  }
0x4d: {  	_ =	shalt  }
0x4e: {  	_ =	shalt  }
0x4f: {  	_ =	shalt  }
0x50: {  	_ =	shalt  }
0x51: {  	_ =	shalt  }
0x52: {  	_ =	shalt  }
0x53: {  	_ =	shalt  }
0x54: {  	_ =	shalt  }
0x55: {  	_ =	shalt  }
0x56: {  	_ =	shalt  }
0x57: {  	_ =	shalt  }
0x58: {  	_ =	shalt  }
0x59: {  	_ =	shalt  }
0x5a: {  	_ =	shalt  }
0x5b: {  	_ =	shalt  }
0x5c: {  	_ =	shalt  }
0x5d: {  	_ =	shalt  }
0x5e: {  	_ =	shalt  }
0x5f: {  	_ =	shalt  }
0x60: {  	_ =	shalt  }
0x61: {  	_ =	shalt  }
0x62: {  	_ =	shalt  }
0x63: {  	_ =	shalt  }
0x64: {  	_ =	shalt  }
0x65: {  	_ =	shalt  }
0x66: {  	_ =	shalt  }
0x67: {  	_ =	shalt  }
0x68: {  	_ =	shalt  }
0x69: {  	_ =	shalt  }
0x6a: {  	_ =	shalt  }
0x6b: {  	_ =	shalt  }
0x6c: {  	_ =	shalt  }
0x6d: {  	_ =	shalt  }
0x6e: {  	_ =	shalt  }
0x6f: {  	_ =	shalt  }
0x70: {  	_ =	shalt  }
0x71: {  	_ =	shalt  }
0x72: {  	_ =	shalt  }
0x73: {  	_ =	shalt  }
0x74: {  	_ =	shalt  }
0x75: {  	_ =	shalt  }
0x76: {  	_ =	shalt  }
0x77: {  	_ =	shalt  }
0x78: {  	_ =	shalt  }
0x79: {  	_ =	shalt  }
0x7a: {  	_ =	shalt  }
0x7b: {  	_ =	shalt  }
0x7c: {  	_ =	shalt  }
0x7d: {  	_ =	shalt  }
0x7e: {  	_ =	shalt  }
0x7f: {  	_ =	shalt  }
0x80: {  	_ =	shalt  }
0x81: {  	_ =	shalt  }
0x82: {  	_ =	shalt  }
0x83: {  	_ =	shalt  }
0x84: {  	_ =	shalt  }
0x85: {  	_ =	shalt  }
0x86: {  	_ =	shalt  }
0x87: {  	_ =	shalt  }
.Lfunc_end0:
.L_simem_size_0:
called_computation.2_lowered:
.L_overlay_start_0:
0x88: {  	s2 =	sld [smem:$0x3FD9]  }
0x89: {  	s3 =	sld [smem:$0x3FFE];
	_ =	sdelay $0x1  }
0x8a: {  	s1 =	srdreg.scid  }
0x8b: {  	s0 =	sand.u32 $0x1, s1  }
0x8c: {  	s16 =	sshll.u32 s0, $0xA;
	s2 =	sadd.s32 s3, s2  }
0x8d: {  	s2 =	sadd.s32 s2, s16  }
0x8e: {  	[smem:$0x3FC2] =	sst s2  }
0x8f: {  	_ = 	snop  }
0x90: {  	(tm) =	ssettm $0x1  }
0x91: {  	s17 =	sld [smem:$0x3FFB];
	_ =	sdelay $0x3  }
0x92: {  	_ =	strace s17  }
0x93: {  	s2 =	sld [smem:$0x3FFC];
	_ =	sdelay $0x3  }
0x94: {  	_ =	strace s2  }
0x95: {  	s2 =	sld [smem:$0x3FFD];
	_ =	sdelay $0x3  }
0x96: {  	_ =	strace s2  }
0x97: {  	_ =	strace $0x8FFFFFFF  }
0x98: {  	s18 =	sld [smem:$0x3FDB];
	_ =	sdelay $0x1  }
0x99: {  	s19 =	simm.s32 $_scs_section_size  }
0x9a: {  	s4 =	simm.s32 $_size__tile_overlayer_lowered;
	s5 =	simm.s32 $_tile_overlayer_lowered  }
0x9b: {  	s22 =	simm.s32 $0x1BFF;
	s21 =	sshll.u32 s5, $0x1;
	s2 =	sadd.s32 s19, s18  }
0x9c: {  	s6 =	simm.s32 $0x0;
	s20 =	sshll.u32 s4, $0x1;
	s4 =	sadd.s32 s21, s2  }
0x9d: {  	[timem:s6], [sflag:s22] =	dma.local [hbm:s4], s20  }
0x9e: {  	_ =	swait.ge [sflag:s22], s20  }
0x9f: {  	s3 =	ssub.s32 $0x0, s20;
	[sflag:s22] =	ssyncset.done $0x0  }
0xa0: {  	[sflag:s22] =	ssyncadd.s32 s3;
	_ =	sdelay $0x1  }
0xa1: {  	s23 =	simm.s32 $0x1B8B  }
0xa2: {  	_ =	swait.ge [sflag:s23], $0x1  }
0xa3: {  	[sflag:s23] =	ssyncset.done $0x0  }
0xa4: {  	s25 =	simm.s32 $0x1B8E;
	s24 =	sld [smem:$0x3FFE];
	[sflag:s23] =	ssyncadd.s32 $0xFFFFFFFF  }
0xa5: {  	s26 =	simm.s32 $execute0_lowered;
	[smem:$0x3FD2] =	sst s25  }
0xa6: {  	s4 =	sshll.u32 s26, $0x1;
	_ =	strace $0x8000004C;
	[dreg:$0x1] =	wrdreg $0xFFFFFFFF  }
0xa7: {  	s28 =	simm.s32 $_size_execute0_lowered;
	s2 =	sadd.s32 s2, s4;
	[dreg:$0x0] =	wrdreg $0x0  }
0xa8: {  	s4 =	sshll.u32 s28, $0x1;
	[dreg:$0x2] =	wrdreg s2  }
0xa9: {  	[dreg:$0x3] =	wrdreg s4  }
0xaa: {  	[dreg:$0x4] =	wrdreg $0xC0  }
0xab: {  	_ =	task [dreg:s6], $0x5FFFF  }
0xac: {  	[dreg:$0x1] =	wrdreg $0xFFFFFFFF  }
0xad: {  	[dreg:$0x0] =	wrdreg $0x60  }
0xae: {  	[dreg:$0x2] =	wrdreg s24  }
0xaf: {  	[dreg:$0x3] =	wrdreg $0xFE000  }
0xb0: {  	[dreg:$0x4] =	wrdreg $0x9  }
0xb1: {  	_ =	task.clear_ibuf [dreg:s6], $0x5FFFF;
	_ =	strace $0x9000004C  }
0xb2: {  	s29 =	simm.s32 $0x9;
	_ =	strace $0x8000004E  }
0xb3: {  	_ =	swait.ge [sflag:s29], $0x1  }
0xb4: {  	[sflag:s29] =	ssyncadd.s32 $0xFFFFFFFF  }
0xb5: {  	_ =	strace $0x9000004E  }
0xb6: {  	_ =	sfence  }
0xb7: {  	s30 =	sld [smem:$0x0];
	_ =	sdelay $0x2  }
0xb8: {  	s31 =	sshll.u32 s1, $0xD;
	s1 =	sshrl.u32 s1, $0x2  }
0xb9: {  	s3 =	sand.u32 $0x4000, s31;
	s1 =	sadd.s32 s1, s30  }
0xba: {  	s0 =	sor.u32 s3, s0;
	s1 =	sshll.u32 s1, $0x11  }
0xbb: {  	s0 =	sor.u32 s1, s0  }
0xbc: {  	s0 =	sadd.s32 $0x8F2B, s0  }
0xbd: {  	[sflag:s0] =	ssyncadd.remote.s32 $0x1  }
0xbe: {  	_ =	sfence.sel $0xFFFF  }
0xbf: {  	[dreg:$0x0] =	wrdreg $0xFFFFFFFF;
	(pc) =	sbr.abs _section_cstart, $3  }
0xc0: {  	[dreg:$0x1] =	wrdreg $0xFFFFFFFF  }
0xc1: {  	_ =	task.clear_ibuf [dreg:s6], $0x2FFFF;
	_ =	strace $0x9FFFFFFF  }
0xc2: {  	(tm) =	ssettm $0x7FFFFFFF  }
0xc3: {  	_ =	shalt  }
tec
execute0_lowered:
.L_overlay_start_1:
0x0: {  	(tag) =	ssettag $0x1  }
0x1: {  	s0 =	rddreg [dreg:$0x0]  }
0x2: {  	s1 =	rddreg [dreg:$0x1];
	s3 =	simm.s32 $0x0;
	s2 =	stileid.u32  }
0x3: {  	s4 =	srdreg.scid;
	s18 =	simm.s32 $0x3;
	s22 =	simm.s32 $0xDE00  }
0x4: {  	s23 =	simm.s32 $0x80;
	s24 =	simm.s32 $0x9E00;
	s28 =	simm.s32 $0x2  }
0x5: {  	s29 =	simm.s32 $0x9D00;
	s30 =	simm.s32 $0x9D80;
	s31 =	simm.s32 $0x10  }
0x6: {  	s19 =	simm.s32 $0x0;
	[smem:$0x7FF] =	sst s3;
	s5 =	smul.u32 $0x2800, s2  }
0x7: {  	s6 =	sadd.s32 $0x5C600, s0;
	s8 =	sadd.s32 $0x52800, s0;
	s7 =	smul.u32 $0x4F00, s2  }
0x8: {  	s10 =	sand.u32 $0x1, s4;
	s4 =	sadd.s32 $0x66400, s0;
	s11 =	smul.u32 $0x9E0, s2  }
0x9: {  	s13 =	smul.u32 $0x28000, s2;
	s15 =	sadd.s32 $0x7A400, s0;
	s9 =	ssub.s32 $0x2, s10  }
0xa: {  	_ =	strace $0x8000004D;
	p0 =	seq.s32 s10, $0x1;
	s12 =	sshrl.u32 s9, $0x1  }
0xb: {  	s7 =	sshrl.u32 s7, $0x3;
	s16 =	sadd.s32 s5, s0;
	s5 =	sadd.s32 s6, s11  }
0xc: {  	s26 =	sshrl.u32 s13, $0x2;
	s0 =	simm.s32 $0x8;
	s17 =	ssub.s32 s9, s12  }
.Ltmp0:
0xd: {  	s25 =	sadd.s32 $0x4F0, s7;
	s7 =	sadd.s32 s8, s11;
	(pc) =	sbr.rel .LBB2_1-.Ltmp0, $4  }
0xe: {  	s9 =	sadd.s32 s26, s1;
	s14 =	sadd.s32 $0x8E400, s16;
	s16 =	sadd.s32 $0x8E408, s16  }
0xf: {  	s26 =	simm.s32 $0x1;
	s6 =	sadd.s32 s6, s25;
	s8 =	sadd.s32 s8, s25  }
0x10: {  	s10 =	sadd.s32 $0x2000, s9;
	s11 =	sadd.s32 $0x4000, s9;
	s12 =	sadd.s32 $0x6000, s9  }
0x11: {  	v0 =	vimm.f32 $0.0e+00;
	s13 =	sadd.s32 $0x8000, s9;
	s17 =	smax.u32 s17, $0x1;
	s25 =	simm.s32 $0xBE00  }
.LBB2_6:
0x12: {  	[tilespmem:s25], [sflag:$0x2] =	stream.indirect.gather [hbm4b:s4+s23], $0x40, s21, s23, $0xb8;
	[tilespmem:$0x19E00] =	vst v63  }
0x13: {  	s20 =	smov.u32 s14  }
.LBB2_10:
0x14: {  	_ =	swait.ge [sflag:s26], $0x2000  }
0x15: {  	[sflag:s26] =	ssyncset.done $0x0  }
0x16: {  	[sflag:s26] =	ssyncadd.s32 $0xFFFFE000  }
0x17: {  	[spmem:s1] =	stream.indirect.scatter.add.f32 [tilespmem:s24], [sflag:$0x3], $0x40, s29, s23, $0xb8;
	[tilespmem:$0x19E00] =	vst v63  }
0x18: {  	_ =	swait.ge [sflag:s18], $0x2000  }
0x19: {  	[sflag:s18] =	ssyncset.done $0x0  }
0x1a: {  	[sflag:s18] =	ssyncadd.s32 $0xFFFFE000  }
0x1b: {  	_ =	swait.ge [sflag:s28], $0x2000  }
0x1c: {  	[sflag:s28] =	ssyncset.done $0x0  }
0x1d: {  	[sflag:s28] =	ssyncadd.s32 $0xFFFFE000  }
0x1e: {  	[spmem:s1] =	stream.indirect.scatter.add.f32 [tilespmem:s25], [sflag:$0x3], $0x40, s30, s23, $0xb8;
	[tilespmem:$0x19E00] =	vst v63  }
0x1f: {  	s2 =	stileid.u32;
	_ =	swait.ge [sflag:s18], $0x2000  }
0x20: {  	s21 =	sshrl.u32 s9, $0x3;
	s19 =	sadd.s32 $0x1, s19;
	[sflag:s18] =	ssyncset.done $0x0  }
0x21: {  	s2 =	sshll.u32 s2, $0x6;
	p1 =	sne.s32 s19, s17;
	[sflag:s18] =	ssyncadd.s32 $0xFFFFE000  }
.Ltmp1:
0x22: {  	s2 =	sor.u32 $0x1C03, s2;
	[bflag:$0x0] =	sbarrier.arrive $0xFFFF;
	(pc) =	sbr.rel @!p1 .LBB2_11-.Ltmp1, $4  }
0x23: {  	[hbm:s20@s31], [sflag:s2] =	dma.strided [spmem:s21@s0], $0x1400, s26, $0x8   }
0x24: {  	_ =	swait.ge [sflag:s18], $0x1400  }
0x25: {  	[sflag:s18] =	ssyncset.done $0x0  }
0x26: {  	[sflag:s18] =	ssyncadd.s32 $0xFFFFEC00  }
.LBB2_1:
0x27: {  	[tilespmem:s3], [sflag:$0x3] =	stream.linear.gather [hbm4b:s5+s3], $0x2780, $0x38;
	[tilespmem:$0x19E00] =	vst v63  }
0x28: {  	_ =	swait.ge [sflag:s18], $0x2780  }
0x29: {  	[sflag:s18] =	ssyncset.done $0x0  }
0x2a: {  	s2 =	simm.s32 $0x2780;
	[sflag:s18] =	ssyncadd.s32 $0xFFFFD880  }
0x2b: {  	[tilespmem:s2], [sflag:$0x3] =	stream.linear.gather [hbm4b:s6+s3], $0x2780, $0x38;
	[tilespmem:$0x19E00] =	vst v63  }
0x2c: {  	_ =	swait.ge [sflag:s18], $0x2780  }
0x2d: {  	[sflag:s18] =	ssyncset.done $0x0  }
0x2e: {  	s20 =	simm.s32 $0x4F00;
	[sflag:s18] =	ssyncadd.s32 $0xFFFFD880  }
0x2f: {  	[tilespmem:s20], [sflag:$0x3] =	stream.linear.gather [hbm4b:s7+s3], $0x2780, $0x38;
	[tilespmem:$0x19E00] =	vst v63  }
0x30: {  	_ =	swait.ge [sflag:s18], $0x2780  }
0x31: {  	[sflag:s18] =	ssyncset.done $0x0  }
0x32: {  	s21 =	simm.s32 $0x7680;
	[sflag:s18] =	ssyncadd.s32 $0xFFFFD880  }
0x33: {  	[tilespmem:s21], [sflag:$0x3] =	stream.linear.gather [hbm4b:s8+s3], $0x2780, $0x38;
	[tilespmem:$0x19E00] =	vst v63  }
0x34: {  	_ =	swait.ge [sflag:s18], $0x2780  }
0x35: {  	[sflag:s18] =	ssyncset.done $0x0  }
0x36: {  	s20 =	simm.s32 $0x0;
	s21 =	simm.s32 $0x100;
	[sflag:s18] =	ssyncadd.s32 $0xFFFFD880  }
.LBB2_2:
0x37: {  	p1 =	sne.s32 s21, $0x7F00;
	[tilespmem:s20+$0xDE30] =	vst v0;
	s2 =	smov.u32 s21;
	s21 =	sadd.s32 $0x100, s21  }
.Ltmp2:
0x38: {  	[tilespmem:s20+$0xDE20] =	vst v0;
	(pc) =	sbr.rel @p1 .LBB2_2-.Ltmp2, $3  }
0x39: {  	[tilespmem:s20+$0xDE00] =	vst v0  }
0x3a: {  	[tilespmem:s20+$0xDE10] =	vst v0;
	_ =	sdelay $0x1  }
0x3b: {  	s20 =	sshra.s32 s2, $0x2  }
0x3c: {  	[tilespmem:s20+$0xDE30] =	vst v0  }
0x3d: {  	[tilespmem:s20+$0xDE20] =	vst v0  }
0x3e: {  	[tilespmem:s20+$0xDE00] =	vst v0  }
0x3f: {  	[tilespmem:s20+$0xDE10] =	vst v0  }
0x40: {  	[spmem:s9] =	stream.linear.scatter [tilespmem:s22], [sflag:$0x3], $0x2000, $0x38;
	[tilespmem:$0x19E00] =	vst v63  }
0x41: {  	_ =	swait.ge [sflag:s18], $0x2000  }
0x42: {  	[sflag:s18] =	ssyncset.done $0x0  }
0x43: {  	[sflag:s18] =	ssyncadd.s32 $0xFFFFE000  }
0x44: {  	[spmem:s10] =	stream.linear.scatter [tilespmem:s22], [sflag:$0x3], $0x2000, $0x38;
	[tilespmem:$0x19E00] =	vst v63  }
0x45: {  	_ =	swait.ge [sflag:s18], $0x2000  }
0x46: {  	[sflag:s18] =	ssyncset.done $0x0  }
0x47: {  	[sflag:s18] =	ssyncadd.s32 $0xFFFFE000  }
0x48: {  	[spmem:s11] =	stream.linear.scatter [tilespmem:s22], [sflag:$0x3], $0x2000, $0x38;
	[tilespmem:$0x19E00] =	vst v63  }
0x49: {  	_ =	swait.ge [sflag:s18], $0x2000  }
0x4a: {  	[sflag:s18] =	ssyncset.done $0x0  }
0x4b: {  	[sflag:s18] =	ssyncadd.s32 $0xFFFFE000  }
0x4c: {  	[spmem:s12] =	stream.linear.scatter [tilespmem:s22], [sflag:$0x3], $0x2000, $0x38;
	[tilespmem:$0x19E00] =	vst v63  }
0x4d: {  	_ =	swait.ge [sflag:s18], $0x2000  }
0x4e: {  	[sflag:s18] =	ssyncset.done $0x0  }
0x4f: {  	[sflag:s18] =	ssyncadd.s32 $0xFFFFE000  }
0x50: {  	[spmem:s13] =	stream.linear.scatter [tilespmem:s22], [sflag:$0x3], $0x2000, $0x38;
	[tilespmem:$0x19E00] =	vst v63  }
.Ltmp3:
0x51: {  	_ =	swait.ge [sflag:s18], $0x2000;
	(pc) =	sbr.rel @!p0 .LBB2_4-.Ltmp3, $4  }
0x52: {  	[sflag:s18] =	ssyncset.done $0x0  }
0x53: {  	[sflag:s18] =	ssyncadd.s32 $0xFFFFE000  }
0x54: {  	[bflag:$0x0] =	sbarrier.arrive $0xFFFF  }
0x55: {  	s2 =	simm.s32 $0x0  }
0x56: {  	[tilespmem:s24], [sflag:$0x1] =	stream.indirect.gather [hbm4b:s15+s23], $0x40, s2, s23, $0xb8;
	[tilespmem:$0x19E00] =	vst v63  }
0x57: {  	_ = 	snop  }
0x58: {  	[tilespmem:s25], [sflag:$0x2] =	stream.indirect.gather [hbm4b:s15+s23], $0x40, s23, s23, $0xb8;
	[tilespmem:$0x19E00] =	vst v63  }
0x59: {  	_ =	swait.ge [sflag:s26], $0x2000  }
0x5a: {  	[sflag:s26] =	ssyncset.done $0x0  }
0x5b: {  	s21 =	simm.s32 $0x4F00;
	[sflag:s26] =	ssyncadd.s32 $0xFFFFE000  }
0x5c: {  	[spmem:s1] =	stream.indirect.scatter.add.f32 [tilespmem:s24], [sflag:$0x3], $0x40, s21, s23, $0xb8;
	[tilespmem:$0x19E00] =	vst v63  }
0x5d: {  	_ =	swait.ge [sflag:s18], $0x2000  }
0x5e: {  	[sflag:s18] =	ssyncset.done $0x0  }
0x5f: {  	s20 =	simm.s32 $0x100;
	[sflag:s18] =	ssyncadd.s32 $0xFFFFE000  }
0x60: {  	[tilespmem:s24], [sflag:$0x1] =	stream.indirect.gather [hbm4b:s15+s23], $0x40, s20, s23, $0xb8;
	[tilespmem:$0x19E00] =	vst v63  }
0x61: {  	_ =	swait.ge [sflag:s28], $0x2000  }
0x62: {  	[sflag:s28] =	ssyncset.done $0x0  }
0x63: {  	s21 =	simm.s32 $0x4F80;
	[sflag:s28] =	ssyncadd.s32 $0xFFFFE000  }
0x64: {  	[spmem:s1] =	stream.indirect.scatter.add.f32 [tilespmem:s25], [sflag:$0x3], $0x40, s21, s23, $0xb8;
	[tilespmem:$0x19E00] =	vst v63  }
0x65: {  	_ =	swait.ge [sflag:s18], $0x2000  }
0x66: {  	[sflag:s18] =	ssyncset.done $0x0  }
0x67: {  	s20 =	simm.s32 $0x400;
	s21 =	simm.s32 $0x180;
	[sflag:s18] =	ssyncadd.s32 $0xFFFFE000  }
.LBB2_8:
0x68: {  	[tilespmem:s25], [sflag:$0x2] =	stream.indirect.gather [hbm4b:s15+s23], $0x40, s21, s23, $0xb8;
	[tilespmem:$0x19E00] =	vst v63  }
0x69: {  	s2 =	smov.u32 s20  }
0x6a: {  	p1 =	sne.s32 s20, $0x13400;
	s20 =	sadd.s32 $0x400, s20;
	_ =	swait.ge [sflag:s26], $0x2000  }
0x6b: {  	s2 =	sshra.s32 s2, $0x2;
	[sflag:s26] =	ssyncset.done $0x0  }
0x6c: {  	s21 =	sadd.s32 $0x4F00, s2;
	[sflag:s26] =	ssyncadd.s32 $0xFFFFE000  }
0x6d: {  	[spmem:s1] =	stream.indirect.scatter.add.f32 [tilespmem:s24], [sflag:$0x3], $0x40, s21, s23, $0xb8;
	[tilespmem:$0x19E00] =	vst v63  }
0x6e: {  	_ =	swait.ge [sflag:s18], $0x2000  }
0x6f: {  	[sflag:s18] =	ssyncset.done $0x0  }
0x70: {  	s21 =	sadd.s32 $0x100, s2;
	[sflag:s18] =	ssyncadd.s32 $0xFFFFE000  }
0x71: {  	[tilespmem:s24], [sflag:$0x1] =	stream.indirect.gather [hbm4b:s15+s23], $0x40, s21, s23, $0xb8;
	[tilespmem:$0x19E00] =	vst v63  }
0x72: {  	_ =	swait.ge [sflag:s28], $0x2000  }
0x73: {  	[sflag:s28] =	ssyncset.done $0x0  }
.Ltmp4:
0x74: {  	s21 =	sadd.s32 $0x4F80, s2;
	[sflag:s28] =	ssyncadd.s32 $0xFFFFE000;
	(pc) =	sbr.rel @p1 .LBB2_8-.Ltmp4, $4  }
0x75: {  	[spmem:s1] =	stream.indirect.scatter.add.f32 [tilespmem:s25], [sflag:$0x3], $0x40, s21, s23, $0xb8;
	[tilespmem:$0x19E00] =	vst v63  }
0x76: {  	_ =	swait.ge [sflag:s18], $0x2000  }
0x77: {  	[sflag:s18] =	ssyncset.done $0x0  }
0x78: {  	s21 =	sadd.s32 $0x180, s2;
	[sflag:s18] =	ssyncadd.s32 $0xFFFFE000  }
.Ltmp5:
0x79: {  	(pc) =	sbr.rel .LBB2_10-.Ltmp5, $3  }
0x7a: {  	_ =	sdelay $0x1  }
0x7b: {  	[tilespmem:s25], [sflag:$0x2] =	stream.indirect.gather [hbm4b:s15+s23], $0x40, s21, s23, $0xb8;
	[tilespmem:$0x19E00] =	vst v63  }
0x7c: {  	s20 =	smov.u32 s16  }
.LBB2_4:
0x7d: {  	[tilespmem:s24], [sflag:$0x1] =	stream.indirect.gather [hbm4b:s4+s23], $0x40, s2, s23, $0xb8;
	[tilespmem:$0x19E00] =	vst v63  }
0x7e: {  	_ = 	snop  }
0x7f: {  	[tilespmem:s25], [sflag:$0x2] =	stream.indirect.gather [hbm4b:s4+s23], $0x40, s23, s23, $0xb8;
	[tilespmem:$0x19E00] =	vst v63  }
0x80: {  	_ =	swait.ge [sflag:s26], $0x2000  }
0x81: {  	[sflag:s26] =	ssyncset.done $0x0  }
0x82: {  	s21 =	simm.s32 $0x4F00;
	[sflag:s26] =	ssyncadd.s32 $0xFFFFE000  }
0x83: {  	[spmem:s1] =	stream.indirect.scatter.add.f32 [tilespmem:s24], [sflag:$0x3], $0x40, s21, s23, $0xb8;
	[tilespmem:$0x19E00] =	vst v63  }
0x84: {  	_ =	swait.ge [sflag:s18], $0x2000  }
0x85: {  	[sflag:s18] =	ssyncset.done $0x0  }
0x86: {  	s20 =	simm.s32 $0x100;
	[sflag:s18] =	ssyncadd.s32 $0xFFFFE000  }
0x87: {  	[tilespmem:s24], [sflag:$0x1] =	stream.indirect.gather [hbm4b:s4+s23], $0x40, s20, s23, $0xb8;
	[tilespmem:$0x19E00] =	vst v63  }
0x88: {  	_ =	swait.ge [sflag:s28], $0x2000  }
0x89: {  	[sflag:s28] =	ssyncset.done $0x0  }
0x8a: {  	s21 =	simm.s32 $0x4F80;
	[sflag:s28] =	ssyncadd.s32 $0xFFFFE000  }
0x8b: {  	[spmem:s1] =	stream.indirect.scatter.add.f32 [tilespmem:s25], [sflag:$0x3], $0x40, s21, s23, $0xb8;
	[tilespmem:$0x19E00] =	vst v63  }
0x8c: {  	_ =	swait.ge [sflag:s18], $0x2000  }
0x8d: {  	[sflag:s18] =	ssyncset.done $0x0  }
0x8e: {  	s20 =	simm.s32 $0x400;
	s21 =	simm.s32 $0x180;
	[sflag:s18] =	ssyncadd.s32 $0xFFFFE000  }
.LBB2_5:
0x8f: {  	[tilespmem:s25], [sflag:$0x2] =	stream.indirect.gather [hbm4b:s4+s23], $0x40, s21, s23, $0xb8;
	[tilespmem:$0x19E00] =	vst v63  }
0x90: {  	s2 =	smov.u32 s20  }
0x91: {  	p1 =	seq.s32 s20, $0x13400;
	s20 =	sadd.s32 $0x400, s20;
	_ =	swait.ge [sflag:s26], $0x2000  }
0x92: {  	s2 =	sshra.s32 s2, $0x2;
	[sflag:s26] =	ssyncset.done $0x0  }
0x93: {  	s21 =	sadd.s32 $0x4F00, s2;
	[sflag:s26] =	ssyncadd.s32 $0xFFFFE000  }
0x94: {  	[spmem:s1] =	stream.indirect.scatter.add.f32 [tilespmem:s24], [sflag:$0x3], $0x40, s21, s23, $0xb8;
	[tilespmem:$0x19E00] =	vst v63  }
0x95: {  	_ =	swait.ge [sflag:s18], $0x2000  }
0x96: {  	[sflag:s18] =	ssyncset.done $0x0  }
0x97: {  	s21 =	sadd.s32 $0x100, s2;
	[sflag:s18] =	ssyncadd.s32 $0xFFFFE000  }
0x98: {  	[tilespmem:s24], [sflag:$0x1] =	stream.indirect.gather [hbm4b:s4+s23], $0x40, s21, s23, $0xb8;
	[tilespmem:$0x19E00] =	vst v63  }
0x99: {  	_ =	swait.ge [sflag:s28], $0x2000  }
0x9a: {  	[sflag:s28] =	ssyncset.done $0x0  }
.Ltmp6:
0x9b: {  	s21 =	sadd.s32 $0x4F80, s2;
	[sflag:s28] =	ssyncadd.s32 $0xFFFFE000;
	(pc) =	sbr.rel @!p1 .LBB2_5-.Ltmp6, $4  }
0x9c: {  	[spmem:s1] =	stream.indirect.scatter.add.f32 [tilespmem:s25], [sflag:$0x3], $0x40, s21, s23, $0xb8;
	[tilespmem:$0x19E00] =	vst v63  }
0x9d: {  	_ =	swait.ge [sflag:s18], $0x2000  }
0x9e: {  	[sflag:s18] =	ssyncset.done $0x0  }
0x9f: {  	s21 =	sadd.s32 $0x180, s2;
	[sflag:s18] =	ssyncadd.s32 $0xFFFFE000  }
.Ltmp7:
0xa0: {  	_ = 	snop;
	(pc) =	sbr.rel .LBB2_6-.Ltmp7, $1  }
0xa1: {  	_ =	sdelay $0x3  }
.LBB2_11:
0xa2: {  	_ =	sfence.sel $0x180000  }
0xa3: {  	[bflag:$0x0] =	sbarrier.arrive $0xFFFF  }
0xa4: {  	_ =	strace $0x9000004D  }
0xa5: {  	s0 =	stileid.u32;
	[bflag:$0x2] =	sbarrier.arrive $0xFFFF  }
0xa6: {  	p0 =	sne.s32 s0, $0x0;
	s0 =	rddreg [dreg:$0x2]  }
0xa7: {  	s0 =	sadd.s32 @!p0 $0x100000, s0  }
0xa8: {  	[sflag:s0] =	ssyncadd.tile.s32 @!p0 $0x1;
	_ =	shalt  }
.Lfunc_end2:
_tile_overlayer_lowered:
.L_overlay_start_2:
0xa9: {  	(tag) =	ssettag $0x2  }
0xaa: {  	s0 =	rddreg [dreg:$0x0];
	s2 =	stileid.u32  }
0xab: {  	s1 =	rddreg [dreg:$0x1];
	p0 =	sne.s32 s2, $0x0  }
0xac: {  	s3 =	rddreg [dreg:$0x2];
	[bflag:$0x3] =	sbarrier.arrive $0xFFFF;
	s2 =	simm.s32 @!p0 $0x1C03  }
0xad: {  	[timem:s3], [sflag:s2] =	dma.local @!p0 [hbm:s0], s1  }
0xae: {  	s0 =	simm.s32 @!p0 $0x3  }
0xaf: {  	_ =	swait.ge @!p0 [sflag:s0], s1  }
0xb0: {  	s1 =	ssub.s32 @!p0 $0x0, s1;
	[sflag:s0] =	ssyncset.done @!p0 $0x0  }
0xb1: {  	[sflag:s0] =	ssyncadd.s32 @!p0 s1  }
0xb2: {  	[bflag:$0x3] =	sbarrier.arrive $0xFFFF  }
0xb3: {  	_ =	shalt  }

// kernel: kernel.8.cloned.1.call-start
scs
__scs_entry_jumppad:
0x0: {  	(pc) =	sbr.rel $0x88, $3  }
0x1: {  	(tag) =	ssettag $0x0;
	lr =	simm.s32 $0x1  }
0x2: {  	[smem:$0x3F9B] =	sst lr;
	_ =	strace $0xD0000000  }
0x3: {  	_ = 	snop  }
0x4: {  	_ = 	snop  }
0x5: {  	_ = 	snop  }
0x6: {  	_ = 	snop  }
0x7: {  	_ = 	snop  }
__scs_overlays_trampoline_lowered:
0x8: {  	[smem:$0x3FAA] =	sst s0  }
0x9: {  	[smem:$0x3FAB] =	sst s1  }
0xa: {  	[smem:$0x3FAC] =	sst s2  }
0xb: {  	[smem:$0x3FAD] =	sst s3  }
0xc: {  	[smem:$0x3FAE] =	sst s4  }
0xd: {  	[smem:$0x3FAF] =	sst s5  }
0xe: {  	[smem:$0x3FB0] =	sst s6  }
0xf: {  	[smem:$0x3FB1] =	sst s7  }
0x10: {  	[smem:$0x3FB2] =	sst s8  }
0x11: {  	[smem:$0x3FB3] =	sst s9;
	s0 =	simm.s32 @!p0 $0x0  }
0x12: {  	s1 =	sld [smem:$0x3F99];
	s0 =	simm.s32 @p0 $0x1  }
0x13: {  	[smem:$0x3FB4] =	sst s0;
	s0 =	simm.s32 @!p1 $0x0  }
0x14: {  	s2 =	sld [smem:$0x3F98];
	s0 =	simm.s32 @p1 $0x1  }
0x15: {  	[smem:$0x3FB5] =	sst s0;
	s0 =	simm.s32 @!p2 $0x0  }
0x16: {  	s3 =	sld [smem:$0x3FDB];
	s0 =	simm.s32 @p2 $0x1  }
0x17: {  	s4 =	simm.s32 $0x1BF5;
	[smem:$0x3FB7] =	sst s0  }
0x18: {  	s0 =	sld [smem:$0x3F9A];
	_ =	swait.ge [sflag:s4], $0x0  }
0x19: {  	s7 =	sld [smem:$0x3F9B]  }
0x1a: {  	s8 =	sadd.s32 $0xFFFFE003, lr  }
0x1b: {  	s9 =	sadd.s32 $0xFFFFFEF7, lr;
	s5 =	simm.s32 $0xFFFFFFFF;
	p2 =	slt.u32 s8, $0xFFFFF086  }
0x1c: {  	p1 =	slt.u32 s9, $0xF7A;
	s5 =	simm.s32 @!p2 $0x0  }
0x1d: {  	s5 =	simm.s32 @p1 $0x1;
	p0 =	seq.s32 s7, s2  }
0x1e: {  	s7 =	smul.u32 @!p0 $0xF7A, s2;
	p2 =	seq.s32 @!p0 s5, $0x0  }
0x1f: {  	s9 =	smul.u32 $0xF7A, s1;
	s8 =	simm.s32 @!p0 $0x1BF5;
	p2 =	por !p2, p0  }
0x20: {  	[sflag:s8] =	ssyncset.s32 @!p0 $0xFFFFF086;
	s6 =	sadd.s32 @!p0 s3, s7;
	s7 =	simm.s32 @!p0 $0x108  }
0x21: {  	s3 =	sadd.s32 s3, s9;
	s6 =	sadd.s32 @!p0 $0x88, s6;
	s7 =	simm.s32 @p2 $0x1082  }
0x22: {  	[simem:s7], [sflag:s8] =	dma.local @!p0 [hbm:s6], $0xF7A  }
0x23: {  	s9 =	sor.u32 $0xD0000000, s2;
	s6 =	simm.s32 $0x108;
	_ =	swait.ge @!p0 [sflag:s8], $0x0  }
0x24: {  	s3 =	sadd.s32 $0x88, s3;
	s6 =	simm.s32 @!p1 $0x1082;
	[sflag:s4] =	ssyncset.s32 $0xFFFFF086  }
0x25: {  	[simem:s6], [sflag:s4] =	dma.local [hbm:s3], $0xF7A  }
0x26: {  	[smem:$0x3F9B] =	sst s1;
	(tag) =	ssettag s2;
	_ =	strace s9  }
0x27: {  	s1 =	sld [smem:$0x3FAB]  }
0x28: {  	s2 =	sld [smem:$0x3FAC]  }
0x29: {  	s4 =	sld [smem:$0x3FAE]  }
0x2a: {  	p0 =	seq.s32 s5, $0x0;
	s5 =	sld [smem:$0x3FAF]  }
0x2b: {  	s6 =	sld [smem:$0x3FB0]  }
0x2c: {  	s7 =	sld [smem:$0x3FB1]  }
0x2d: {  	s3 =	simm.s32 $0x108;
	s8 =	sld [smem:$0x3FB2]  }
0x2e: {  	s3 =	simm.s32 @!p0 $0x1082;
	s9 =	sld [smem:$0x3FB3]  }
0x2f: {  	lr =	sadd.s32 s0, s3;
	s0 =	sld [smem:$0x3FAA]  }
0x30: {  	s3 =	sld [smem:$0x3FAD]  }
0x31: {  	[smem:$0x3FB6] =	sst s10  }
0x32: {  	s10 =	sld [smem:$0x3FB4];
	_ =	sdelay $0x3  }
0x33: {  	p0 =	seq.s32 s10, $0x1;
	s10 =	sld [smem:$0x3FB6];
	_ =	sdelay $0x3  }
0x34: {  	[smem:$0x3FB6] =	sst s10  }
0x35: {  	s10 =	sld [smem:$0x3FB5];
	_ =	sdelay $0x3  }
0x36: {  	p1 =	seq.s32 s10, $0x1;
	s10 =	sld [smem:$0x3FB6];
	_ =	sdelay $0x3  }
0x37: {  	[smem:$0x3FB6] =	sst s10  }
0x38: {  	s10 =	sld [smem:$0x3FB7]  }
0x39: {  	_ = 	snop;
	(pc) =	sbr.ind lr, $3  }
0x3a: {  	_ = 	snop  }
0x3b: {  	_ = 	snop  }
0x3c: {  	p2 =	seq.s32 s10, $0x1;
	s10 =	sld [smem:$0x3FB6]  }
0x3d: {  	_ =	shalt  }
0x3e: {  	_ =	shalt  }
0x3f: {  	_ =	shalt  }
0x40: {  	_ =	shalt  }
0x41: {  	_ =	shalt  }
0x42: {  	_ =	shalt  }
0x43: {  	_ =	shalt  }
0x44: {  	_ =	shalt  }
0x45: {  	_ =	shalt  }
0x46: {  	_ =	shalt  }
0x47: {  	_ =	shalt  }
0x48: {  	_ =	shalt  }
0x49: {  	_ =	shalt  }
0x4a: {  	_ =	shalt  }
0x4b: {  	_ =	shalt  }
0x4c: {  	_ =	shalt  }
0x4d: {  	_ =	shalt  }
0x4e: {  	_ =	shalt  }
0x4f: {  	_ =	shalt  }
0x50: {  	_ =	shalt  }
0x51: {  	_ =	shalt  }
0x52: {  	_ =	shalt  }
0x53: {  	_ =	shalt  }
0x54: {  	_ =	shalt  }
0x55: {  	_ =	shalt  }
0x56: {  	_ =	shalt  }
0x57: {  	_ =	shalt  }
0x58: {  	_ =	shalt  }
0x59: {  	_ =	shalt  }
0x5a: {  	_ =	shalt  }
0x5b: {  	_ =	shalt  }
0x5c: {  	_ =	shalt  }
0x5d: {  	_ =	shalt  }
0x5e: {  	_ =	shalt  }
0x5f: {  	_ =	shalt  }
0x60: {  	_ =	shalt  }
0x61: {  	_ =	shalt  }
0x62: {  	_ =	shalt  }
0x63: {  	_ =	shalt  }
0x64: {  	_ =	shalt  }
0x65: {  	_ =	shalt  }
0x66: {  	_ =	shalt  }
0x67: {  	_ =	shalt  }
0x68: {  	_ =	shalt  }
0x69: {  	_ =	shalt  }
0x6a: {  	_ =	shalt  }
0x6b: {  	_ =	shalt  }
0x6c: {  	_ =	shalt  }
0x6d: {  	_ =	shalt  }
0x6e: {  	_ =	shalt  }
0x6f: {  	_ =	shalt  }
0x70: {  	_ =	shalt  }
0x71: {  	_ =	shalt  }
0x72: {  	_ =	shalt  }
0x73: {  	_ =	shalt  }
0x74: {  	_ =	shalt  }
0x75: {  	_ =	shalt  }
0x76: {  	_ =	shalt  }
0x77: {  	_ =	shalt  }
0x78: {  	_ =	shalt  }
0x79: {  	_ =	shalt  }
0x7a: {  	_ =	shalt  }
0x7b: {  	_ =	shalt  }
0x7c: {  	_ =	shalt  }
0x7d: {  	_ =	shalt  }
0x7e: {  	_ =	shalt  }
0x7f: {  	_ =	shalt  }
0x80: {  	_ =	shalt  }
0x81: {  	_ =	shalt  }
0x82: {  	_ =	shalt  }
0x83: {  	_ =	shalt  }
0x84: {  	_ =	shalt  }
0x85: {  	_ =	shalt  }
0x86: {  	_ =	shalt  }
0x87: {  	_ =	shalt  }
.Lfunc_end0:
.L_simem_size_0:
called_computation_lowered:
.L_overlay_start_0:
0x88: {  	s2 =	sld [smem:$0x3FD9]  }
0x89: {  	s3 =	sld [smem:$0x3FFE];
	_ =	sdelay $0x1  }
0x8a: {  	s1 =	srdreg.scid  }
0x8b: {  	s0 =	sand.u32 $0x1, s1  }
0x8c: {  	s17 =	sshll.u32 s0, $0xA;
	s2 =	sadd.s32 s3, s2  }
0x8d: {  	s2 =	sadd.s32 s2, s17  }
0x8e: {  	[smem:$0x3FC2] =	sst s2  }
0x8f: {  	_ = 	snop  }
0x90: {  	s2 =	sld [smem:$0x3FD0];
	(tm) =	ssettm $0x1  }
0x91: {  	s18 =	sld [smem:$0x3FFB];
	_ =	sdelay $0x3  }
0x92: {  	_ =	strace s18  }
0x93: {  	s3 =	sld [smem:$0x3FFC];
	_ =	sdelay $0x3  }
0x94: {  	_ =	strace s3  }
0x95: {  	s3 =	sld [smem:$0x3FFD];
	_ =	sdelay $0x3  }
0x96: {  	_ =	strace s3  }
0x97: {  	_ =	strace $0x8FFFFFFF  }
0x98: {  	s19 =	sld [smem:$0x3FDB];
	_ =	sdelay $0x1  }
0x99: {  	s4 =	simm.s32 $_scs_section_size  }
0x9a: {  	s5 =	simm.s32 $_size__tile_overlayer_lowered;
	s6 =	simm.s32 $_tile_overlayer_lowered  }
0x9b: {  	s22 =	simm.s32 $0x1BFF;
	s21 =	sshll.u32 s6, $0x1;
	s3 =	sadd.s32 s4, s19  }
0x9c: {  	s7 =	simm.s32 $0x0;
	s20 =	sshll.u32 s5, $0x1;
	s5 =	sadd.s32 s21, s3  }
0x9d: {  	[timem:s7], [sflag:s22] =	dma.local [hbm:s5], s20  }
0x9e: {  	_ =	swait.ge [sflag:s22], s20  }
0x9f: {  	s4 =	ssub.s32 $0x0, s20;
	[sflag:s22] =	ssyncset.done $0x0  }
0xa0: {  	[sflag:s22] =	ssyncadd.s32 s4;
	_ =	sdelay $0x1  }
0xa1: {  	s23 =	simm.s32 $0x1B8B  }
0xa2: {  	_ =	swait.ge [sflag:s23], $0x1  }
0xa3: {  	[sflag:s23] =	ssyncset.done $0x0  }
0xa4: {  	s25 =	simm.s32 $0x1B8E;
	s24 =	sld [smem:$0x3FFE];
	[sflag:s23] =	ssyncadd.s32 $0xFFFFFFFF  }
0xa5: {  	s26 =	simm.s32 $execute0_lowered;
	[smem:$0x3FD2] =	sst s25  }
0xa6: {  	s5 =	sshll.u32 s26, $0x1;
	_ =	strace $0x80000046;
	[dreg:$0x1] =	wrdreg $0xFFFFFFFF  }
0xa7: {  	s28 =	simm.s32 $_size_execute0_lowered;
	s3 =	sadd.s32 s3, s5;
	[dreg:$0x0] =	wrdreg $0x0  }
0xa8: {  	s5 =	sshll.u32 s28, $0x1;
	[dreg:$0x2] =	wrdreg s3  }
0xa9: {  	[dreg:$0x3] =	wrdreg s5  }
0xaa: {  	[dreg:$0x4] =	wrdreg $0xC0  }
0xab: {  	_ =	task [dreg:s7], $0x5FFFF  }
0xac: {  	[dreg:$0x1] =	wrdreg $0xFFFFFFFF  }
0xad: {  	[dreg:$0x0] =	wrdreg $0x60  }
0xae: {  	[dreg:$0x2] =	wrdreg s2  }
0xaf: {  	[dreg:$0x3] =	wrdreg s24  }
0xb0: {  	[dreg:$0x4] =	wrdreg $0x68000  }
0xb1: {  	[dreg:$0x5] =	wrdreg $0x9  }
0xb2: {  	_ =	task.clear_ibuf [dreg:s7], $0x6FFFF;
	_ =	strace $0x90000046  }
0xb3: {  	s29 =	simm.s32 $0x9;
	_ =	strace $0x80000048  }
0xb4: {  	_ =	swait.ge [sflag:s29], $0x1  }
0xb5: {  	[sflag:s29] =	ssyncadd.s32 $0xFFFFFFFF  }
0xb6: {  	_ =	strace $0x90000048  }
0xb7: {  	_ =	sfence  }
0xb8: {  	s30 =	sld [smem:$0x0];
	_ =	sdelay $0x2  }
0xb9: {  	s31 =	sshll.u32 s1, $0xD;
	s1 =	sshrl.u32 s1, $0x2  }
0xba: {  	s3 =	sand.u32 $0x4000, s31;
	s1 =	sadd.s32 s1, s30  }
0xbb: {  	s0 =	sor.u32 s3, s0;
	s1 =	sshll.u32 s1, $0x11  }
0xbc: {  	s0 =	sor.u32 s1, s0  }
0xbd: {  	s0 =	sadd.s32 $0x8F2B, s0  }
0xbe: {  	[sflag:s0] =	ssyncadd.remote.s32 $0x1  }
0xbf: {  	_ =	sfence.sel $0xFFFF  }
0xc0: {  	[dreg:$0x0] =	wrdreg $0xFFFFFFFF;
	(pc) =	sbr.abs _section_cstart, $3  }
0xc1: {  	[dreg:$0x1] =	wrdreg $0xFFFFFFFF  }
0xc2: {  	_ =	task.clear_ibuf [dreg:s7], $0x2FFFF;
	_ =	strace $0x9FFFFFFF  }
0xc3: {  	(tm) =	ssettm $0x7FFFFFFF  }
tec
execute0_lowered:
.L_overlay_start_1:
0x0: {  	(tag) =	ssettag $0x1  }
0x1: {  	s9 =	rddreg [dreg:$0x0]  }
0x2: {  	s4 =	rddreg [dreg:$0x1]  }
0x3: {  	s1 =	rddreg [dreg:$0x2]  }
0x4: {  	s0 =	rddreg [dreg:$0x3];
	s2 =	simm.s32 $0x0;
	s3 =	srdreg.scid  }
0x5: {  	s13 =	simm.s32 $0x80;
	[smem:$0x7FF] =	sst s2;
	s5 =	sand.u32 $0x1, s3  }
0x6: {  	s3 =	stileid.u32;
	s6 =	smul.u32 $0x28000, s5;
	_ =	strace $0x80000047  }
0x7: {  	s7 =	smul.u32 $0x50000, s3;
	s30 =	ssub.s32 $0x2, s5;
	s5 =	sshll.u32 s5, $0x4  }
0x8: {  	s15 =	smul.u32 $0x2800, s3;
	s16 =	sshll.u32 s3, $0x6;
	s31 =	sshrl.u32 s30, $0x1  }
0x9: {  	s5 =	sor.u32 s3, s5;
	s10 =	sadd.s32 s6, s4;
	s7 =	sshrl.u32 s7, $0x2  }
0xa: {  	s11 =	ssub.s32 s30, s31;
	s12 =	smul.u32 $0x500, s5;
	s4 =	sadd.s32 s7, s1  }
0xb: {  	s14 =	sadd.s32 $0x2800, s10;
	s10 =	smax.u32 s11, $0x1;
	s11 =	simm.s32 $0x2800  }
0xc: {  	s5 =	sadd.s32 $0x4000, s4;
	s6 =	sadd.s32 $0x8000, s4;
	s7 =	sadd.s32 $0xC000, s4  }
0xd: {  	s8 =	sadd.s32 $0x10000, s4;
	s9 =	sadd.s32 s9, s12;
	s12 =	simm.s32 $0x1  }
0xe: {  	v0 =	vimm.f32 $0.0e+00;
	v1 =	vimm.f32 $1.000000000e+00;
	s14 =	sadd.s32 s15, s14;
	s15 =	sor.u32 $0x1C01, s16;
	s16 =	sshrl.u32 s4, $0x3  }
.LBB2_1:
0xf: {  	s17 =	simm.s32 $0x200;
	s18 =	simm.s32 $0x0  }
.LBB2_2:
0x10: {  	p0 =	sne.s32 s17, $0xFE00;
	[tilespmem:s18+$0x2800] =	vst v0;
	s18 =	smov.u32 s17;
	s17 =	sadd.s32 $0x200, s17  }
.Ltmp0:
0x11: {  	(pc) =	sbr.rel @p0 .LBB2_2-.Ltmp0, $2  }
0x12: {  	_ =	sdelay $0x2  }
0x13: {  	s18 =	sshra.s32 s18, $0x2  }
0x14: {  	[tilespmem:s18+$0x2800] =	vst v0  }
0x15: {  	[spmem:s4] =	stream.linear.scatter [tilespmem:s11], [sflag:$0x1], $0x4000, $0x38;
	[tilespmem:$0x9000] =	vst v63  }
0x16: {  	_ =	swait.ge [sflag:s12], $0x4000  }
0x17: {  	[sflag:s12] =	ssyncset.done $0x0  }
0x18: {  	[sflag:s12] =	ssyncadd.s32 $0xFFFFC000  }
0x19: {  	[spmem:s5] =	stream.linear.scatter [tilespmem:s11], [sflag:$0x1], $0x4000, $0x38;
	[tilespmem:$0x9000] =	vst v63  }
0x1a: {  	_ =	swait.ge [sflag:s12], $0x4000  }
0x1b: {  	[sflag:s12] =	ssyncset.done $0x0  }
0x1c: {  	[sflag:s12] =	ssyncadd.s32 $0xFFFFC000  }
0x1d: {  	[spmem:s6] =	stream.linear.scatter [tilespmem:s11], [sflag:$0x1], $0x4000, $0x38;
	[tilespmem:$0x9000] =	vst v63  }
0x1e: {  	_ =	swait.ge [sflag:s12], $0x4000  }
0x1f: {  	[sflag:s12] =	ssyncset.done $0x0  }
0x20: {  	[sflag:s12] =	ssyncadd.s32 $0xFFFFC000  }
0x21: {  	[spmem:s7] =	stream.linear.scatter [tilespmem:s11], [sflag:$0x1], $0x4000, $0x38;
	[tilespmem:$0x9000] =	vst v63  }
0x22: {  	_ =	swait.ge [sflag:s12], $0x4000  }
0x23: {  	[sflag:s12] =	ssyncset.done $0x0  }
0x24: {  	[sflag:s12] =	ssyncadd.s32 $0xFFFFC000  }
0x25: {  	[spmem:s8] =	stream.linear.scatter [tilespmem:s11], [sflag:$0x1], $0x4000, $0x38;
	[tilespmem:$0x9000] =	vst v63  }
0x26: {  	_ =	swait.ge [sflag:s12], $0x4000  }
0x27: {  	[sflag:s12] =	ssyncset.done $0x0  }
0x28: {  	s17 =	simm.s32 $0x200;
	s18 =	simm.s32 $0x0;
	[sflag:s12] =	ssyncadd.s32 $0xFFFFC000  }
.LBB2_4:
0x29: {  	p0 =	sne.s32 s17, $0xFE00;
	[tilespmem:s18+$0x2800] =	vst v1;
	s18 =	smov.u32 s17;
	s17 =	sadd.s32 $0x200, s17  }
.Ltmp1:
0x2a: {  	(pc) =	sbr.rel @p0 .LBB2_4-.Ltmp1, $2  }
0x2b: {  	_ =	sdelay $0x2  }
0x2c: {  	s18 =	sshra.s32 s18, $0x2  }
0x2d: {  	[tilespmem:s18+$0x2800] =	vst v1;
	s17 =	simm.s32 $0x0  }
0x2e: {  	[tilespmem:s17], [sflag:$0x1] =	stream.linear.gather [hbm4b:s9+s17], $0x2780, $0x38;
	[tilespmem:$0x9000] =	vst v63  }
0x2f: {  	_ =	swait.ge [sflag:s12], $0x2780  }
0x30: {  	[sflag:s12] =	ssyncset.done $0x0  }
0x31: {  	[sflag:s12] =	ssyncadd.s32 $0xFFFFD880  }
0x32: {  	s31 =	simm.s32 $0x0;
	[bflag:$0x0] =	sbarrier.arrive $0xFFFF  }
0x33: {  	[spmem:s1] =	stream.indirect.scatter.add.f32 [tilespmem:s11], [sflag:$0x1], $0x10, s31, s13, $0xb8;
	[tilespmem:$0x9000] =	vst v63  }
0x34: {  	_ =	swait.ge [sflag:s12], $0x800  }
0x35: {  	s17 =	simm.s32 $0x200;
	[sflag:s12] =	ssyncset.done $0x0  }
.LBB2_6:
0x36: {  	s18 =	sshra.s32 s17, $0x2;
	[sflag:s12] =	ssyncadd.s32 $0xFFFFF800;
	p0 =	sne.s32 s17, $0x9C00  }
0x37: {  	[spmem:s1] =	stream.indirect.scatter.add.f32 [tilespmem:s11], [sflag:$0x1], $0x10, s18, s13, $0xb8;
	[tilespmem:$0x9000] =	vst v63  }
.Ltmp2:
0x38: {  	_ = 	snop;
	(pc) =	sbr.rel @p0 .LBB2_6-.Ltmp2, $4  }
0x39: {  	_ = 	snop  }
0x3a: {  	s17 =	sadd.s32 $0x200, s17  }
0x3b: {  	_ =	swait.ge [sflag:s12], $0x800  }
0x3c: {  	[sflag:s12] =	ssyncset.done $0x0  }
0x3d: {  	s2 =	sadd.s32 $0x1, s2  }
0x3e: {  	[sflag:s12] =	ssyncadd.s32 $0xFFFFF800;
	p0 =	sne.s32 s2, s10  }
.Ltmp3:
0x3f: {  	[bflag:$0x0] =	sbarrier.arrive $0xFFFF;
	(pc) =	sbr.rel @p0 .LBB2_1-.Ltmp3, $4  }
0x40: {  	[hbm:s14], [sflag:s15] =	dma.local [spmem:s16], $0x2800  }
0x41: {  	_ =	swait.ge [sflag:s12], $0x2800  }
0x42: {  	[sflag:s12] =	ssyncset.done $0x0  }
0x43: {  	[sflag:s12] =	ssyncadd.s32 $0xFFFFD800  }
0x44: {  	_ =	sfence.sel $0x180000  }
0x45: {  	[bflag:$0x0] =	sbarrier.arrive $0xFFFF  }
0x46: {  	p0 =	sne.s32 s3, $0x0;
	_ =	strace $0x90000047  }
0x47: {  	s0 =	sadd.s32 @!p0 $0x100000, s0;
	[bflag:$0x2] =	sbarrier.arrive $0xFFFF  }
0x48: {  	[sflag:s0] =	ssyncadd.tile.s32 @!p0 $0x1;
	_ =	shalt  }
.Lfunc_end2:
_tile_overlayer_lowered:
.L_overlay_start_2:
0x49: {  	(tag) =	ssettag $0x2  }
0x4a: {  	s0 =	rddreg [dreg:$0x0];
	s2 =	stileid.u32  }
0x4b: {  	s1 =	rddreg [dreg:$0x1];
	p0 =	sne.s32 s2, $0x0  }
0x4c: {  	s3 =	rddreg [dreg:$0x2];
	[bflag:$0x3] =	sbarrier.arrive $0xFFFF;
	s2 =	simm.s32 @!p0 $0x1C01  }
0x4d: {  	[timem:s3], [sflag:s2] =	dma.local @!p0 [hbm:s0], s1  }
0x4e: {  	s0 =	simm.s32 @!p0 $0x1  }
0x4f: {  	_ =	swait.ge @!p0 [sflag:s0], s1  }
0x50: {  	s1 =	ssub.s32 @!p0 $0x0, s1;
	[sflag:s0] =	ssyncset.done @!p0 $0x0  }
0x51: {  	[sflag:s0] =	ssyncadd.s32 @!p0 s1  }
0x52: {  	[bflag:$0x3] =	sbarrier.arrive $0xFFFF  }
0x53: {  	_ =	shalt  }

</sc_bundles>
